<compile_context>
chip_gen: v7x
topology: tpu7x:2x2x1
jax: 0.10.2.dev20260603
libtpu: 0.0.44.dev20260713+nightly
codegen_flags: <defaults>
</compile_context>

<pallas_src>
import functools

import jax
import jax.numpy as jnp
import numpy as np
from jax import lax
from jax.experimental import pallas as pl
from jax.experimental.pallas import tpu as pltpu
from jax.experimental.pallas import tpu_sc as plsc

VOCAB = 100000
MAX_LEN = 200
EMBED = 64
B = 1024
L = 200

NUM_CORES = 2
NUM_SUBCORES = 16
NUM_WORKERS = NUM_CORES * NUM_SUBCORES
PHASES = EMBED // NUM_WORKERS
LANES = 16
LG = 4
NLG = L // LG


def _positional_encoding(length, depth):
    depth = depth / 2
    positions = np.arange(length)[:, np.newaxis]
    depths = np.arange(depth)[np.newaxis, :] / depth
    angle_rates = 1 / 10000.0 ** depths
    angle_rads = positions * angle_rates
    enc = np.concatenate([np.sin(angle_rads), np.cos(angle_rads)], axis=-1)
    return enc.astype(np.float32)


_POS = _positional_encoding(MAX_LEN, EMBED)
_POS_B = np.ascontiguousarray(_POS.T)
_SCALE = float(np.sqrt(EMBED))


def _sc_body(xt_hbm, posb_hbm, tt_hbm, out_hbm,
             chan_v, pos_v, xsh, ibufs, obufs, isems, osems):
    c = lax.axis_index("c")
    s = lax.axis_index("s")
    wid = s * NUM_CORES + c

    @pl.when(s == 0)
    def _():
        pltpu.sync_copy(xt_hbm, xsh)

    plsc.subcore_barrier()

    for phase in range(PHASES):
        e = phase * NUM_WORKERS + wid
        pltpu.sync_copy(tt_hbm.at[e], chan_v)
        pltpu.sync_copy(posb_hbm.at[e], pos_v)

        def islab(lg):
            return xsh.at[pl.ds(lg * LG, LG)]

        for bi in range(2):
            pltpu.async_copy(islab(bi), ibufs[bi], isems[bi])

        def wait_out(b):
            pltpu.make_async_copy(obufs[b], out_hbm.at[pl.ds(0, LG), 0],
                                  osems[b]).wait()

        def do_slab(lg0, blg, phase):
            lg = lg0 + blg
            pltpu.make_async_copy(islab(lg), ibufs[blg], isems[blg]).wait()
            if phase > 0:
                wait_out(blg)
            else:
                @pl.when(lg0 > 0)
                def _():
                    wait_out(blg)

            for dl in range(LG):
                l = lg * LG + dl
                posv = plsc.load_gather(
                    pos_v, [jnp.full((LANES,), l, jnp.int32)])

                @plsc.parallel_loop(0, B // LANES, unroll=16)
                def _vec(j):
                    sl = pl.ds(j * LANES, LANES)
                    idxv = ibufs[blg][dl, sl]
                    g = plsc.load_gather(chan_v, [idxv])
                    obufs[blg][dl, sl] = g * _SCALE + posv

            pltpu.async_copy(obufs[blg], out_hbm.at[pl.ds(lg * LG, LG), e],
                             osems[blg])

            @pl.when(lg + 2 < NLG)
            def _():
                pltpu.async_copy(islab(lg + 2), ibufs[blg], isems[blg])

        @pl.loop(0, NLG, step=2)
        def _slabs(lg0):
            for blg in range(2):
                do_slab(lg0, blg, phase)

    for b in range(2):
        pltpu.make_async_copy(obufs[b], out_hbm.at[pl.ds(0, LG), 0],
                              osems[b]).wait()


@functools.partial(
    pl.kernel,
    out_type=jax.ShapeDtypeStruct((L, EMBED, B), jnp.float32),
    mesh=plsc.VectorSubcoreMesh(core_axis_name="c", subcore_axis_name="s"),
    compiler_params=pltpu.CompilerParams(use_tc_tiling_on_sc=True,
                                         needs_layout_passes=False),
    scratch_types=[
        pltpu.VMEM((VOCAB,), jnp.float32),
        pltpu.VMEM((L,), jnp.float32),
        pltpu.VMEM_SHARED((L, B), jnp.int32),
        [pltpu.VMEM((LG, B), jnp.int32) for _ in range(2)],
        [pltpu.VMEM((LG, B), jnp.float32) for _ in range(2)],
        [pltpu.SemaphoreType.DMA for _ in range(2)],
        [pltpu.SemaphoreType.DMA for _ in range(2)],
    ],
)
def _sc_embed(xt_hbm, posb_hbm, tt_hbm, out_hbm,
              chan_v, pos_v, xsh, ibufs, obufs, isems, osems):
    _sc_body(xt_hbm, posb_hbm, tt_hbm, out_hbm,
             chan_v, pos_v, xsh, ibufs, obufs, isems, osems)


def kernel(x, table):
    posb = jnp.asarray(_POS_B)
    out3 = _sc_embed(x.T, posb, table.T)
    return out3.transpose(2, 0, 1)

# --- scband reference (transcript-rebuilt; emitter-appended) ---
"""Pipeline reference for scband-positional-embedding-83657372991540 (READ-ONLY COPY).

The authoritative reference and input builder live on the scoring server;
editing this copy changes nothing except your own understanding.
"""

import jax, jax.numpy as jnp
import numpy as np

VOCAB = 100000
MAX_LEN = 200
EMBED = 64
B = 1024
L = 200


def positional_encoding(length, depth):
    depth = depth / 2
    positions = np.arange(length)[:, np.newaxis]
    depths = np.arange(depth)[np.newaxis, :] / depth
    angle_rates = 1 / 10000.0 ** depths
    angle_rads = positions * angle_rates
    pos_encoding = np.concatenate([np.sin(angle_rads), np.cos(angle_rads)], axis=-1)
    return pos_encoding.astype(np.float32)


def setup_inputs(seed: int = 0):
    key = jax.random.key(seed)
    k1, k2 = jax.random.split(key)
    x = jax.random.randint(k1, (B, L), 0, VOCAB, dtype=jnp.int32)
    table = jax.random.normal(k2, (VOCAB, EMBED), dtype=jnp.float32) * 0.02
    return {"x": x, "table": table}


def reference(x, table):
    pos = jnp.asarray(positional_encoding(MAX_LEN, EMBED))
    length = x.shape[1]
    emb = jnp.take(table, x, axis=0)
    emb = emb * jnp.sqrt(jnp.asarray(EMBED, dtype=jnp.float32))
    return emb + pos[jnp.newaxis, :length, :]

if __name__ == "__main__":
    import jax
    _d = setup_inputs()
    print(jax.jit(kernel)(*tuple(_d.values())))

</pallas_src>

<mosaic_0001>
#map = affine_map<(d0, d1) -> (0, 0)>
#map1 = affine_map<(d0, d1) -> (0, 0, 0)>
module attributes {stable_mosaic.version = 14 : i64} {
  func.func @_sc_embed(%arg0: i32, %arg1: i32, %arg2: memref<200x1024xi32, #tpu.memory_space<hbm>>, %arg3: memref<64x200xf32, #tpu.memory_space<hbm>>, %arg4: memref<64x100000xf32, #tpu.memory_space<hbm>>, %arg5: memref<200x64x1024xf32, #tpu.memory_space<hbm>>, %arg6: memref<100000xf32, #tpu.memory_space<vmem>>, %arg7: memref<200xf32, #tpu.memory_space<vmem>>, %arg8: memref<200x1024xi32, #tpu.memory_space<vmem_shared>>, %arg9: memref<4x1024xi32, #tpu.memory_space<vmem>>, %arg10: memref<4x1024xi32, #tpu.memory_space<vmem>>, %arg11: memref<4x1024xf32, #tpu.memory_space<vmem>>, %arg12: memref<4x1024xf32, #tpu.memory_space<vmem>>, %arg13: memref<!tpu.dma_semaphore, #tpu.memory_space<semaphore_mem>>, %arg14: memref<!tpu.dma_semaphore, #tpu.memory_space<semaphore_mem>>, %arg15: memref<!tpu.dma_semaphore, #tpu.memory_space<semaphore_mem>>, %arg16: memref<!tpu.dma_semaphore, #tpu.memory_space<semaphore_mem>>) attributes {dimension_semantics = [#tpu.dimension_semantics<core_parallel>, #tpu.dimension_semantics<subcore_parallel>], iteration_bounds = array<i64: 2, 16>, scalar_prefetch = 0 : i64, scratch_operands = 11 : i64, tpu.core_type = #tpu.core_type<sc_vector_subcore>, window_params = [{transform_indices = #map}, {transform_indices = #map}, {transform_indices = #map}, {transform_indices = #map1}]} {
    %mul3A = arith.constant 2 : i32
    %mul3A_0 = arith.muli %arg1, %mul3A : i32
    %add3A = arith.addi %mul3A_0, %arg0 : i32
    %eq3A = arith.constant 0 : i32
    %eq3A_1 = arith.cmpi eq, %arg1, %eq3A : i32
    %convert_element_type3A = arith.extui %eq3A_1 : i1 to i32
    %cond3A = arith.constant 0 : i32
    %cond3A_2 = arith.cmpi ne, %convert_element_type3A, %cond3A : i32
    scf.if %cond3A_2 {
      "tpu.region"() ({
        %run_scoped3A = tpu.sem_alloc : memref<!tpu.dma_semaphore, #tpu.memory_space<semaphore_mem>>
        tpu.enqueue_dma source(%arg2 : memref<200x1024xi32, #tpu.memory_space<hbm>>) target(%arg8 : memref<200x1024xi32, #tpu.memory_space<vmem_shared>>) target_semaphore(%run_scoped3A : memref<!tpu.dma_semaphore, #tpu.memory_space<semaphore_mem>>)
        tpu.wait_dma2 semaphore(%run_scoped3A : memref<!tpu.dma_semaphore, #tpu.memory_space<semaphore_mem>>) src(%arg2 : memref<200x1024xi32, #tpu.memory_space<hbm>>) dst(%arg8 : memref<200x1024xi32, #tpu.memory_space<vmem_shared>>)
        tpu.yield
      }) : () -> ()
    } else {
    }
    %barrier3A = arith.constant 0 : index
    tpu.barrier barrier_id(%barrier3A)
    %add3A_3 = arith.constant 0 : i32
    %add3A_4 = arith.addi %add3A_3, %add3A : i32
    "tpu.region"() ({
      %run_scoped3A = tpu.sem_alloc : memref<!tpu.dma_semaphore, #tpu.memory_space<semaphore_mem>>
      %dma_start3A_56 = arith.constant 0 : i32
      %dma_start3A_57 = tpu.memref_slice %arg4[%add3A_4, %dma_start3A_56] : memref<64x100000xf32, #tpu.memory_space<hbm>> -> memref<1x100000xf32, #tpu.memory_space<hbm>>
      %dma_start3A_58 = tpu.memref_squeeze %dma_start3A_57 : memref<1x100000xf32, #tpu.memory_space<hbm>> -> memref<100000xf32, #tpu.memory_space<hbm>>
      %dma_start3A_59 = arith.constant 0 : i32
      %dma_start3A_60 = tpu.memref_slice %arg4[%add3A_4, %dma_start3A_59] : memref<64x100000xf32, #tpu.memory_space<hbm>> -> memref<1x100000xf32, #tpu.memory_space<hbm>>
      %dma_start3A_61 = tpu.memref_squeeze %dma_start3A_60 : memref<1x100000xf32, #tpu.memory_space<hbm>> -> memref<100000xf32, #tpu.memory_space<hbm>>
      tpu.enqueue_dma source(%dma_start3A_61 : memref<100000xf32, #tpu.memory_space<hbm>>) target(%arg6 : memref<100000xf32, #tpu.memory_space<vmem>>) target_semaphore(%run_scoped3A : memref<!tpu.dma_semaphore, #tpu.memory_space<semaphore_mem>>)
      %dma_wait3A_62 = arith.constant 0 : i32
      %dma_wait3A_63 = tpu.memref_slice %arg4[%add3A_4, %dma_wait3A_62] : memref<64x100000xf32, #tpu.memory_space<hbm>> -> memref<1x100000xf32, #tpu.memory_space<hbm>>
      %dma_wait3A_64 = tpu.memref_squeeze %dma_wait3A_63 : memref<1x100000xf32, #tpu.memory_space<hbm>> -> memref<100000xf32, #tpu.memory_space<hbm>>
      %dma_wait3A_65 = arith.constant 0 : i32
      %dma_wait3A_66 = tpu.memref_slice %arg4[%add3A_4, %dma_wait3A_65] : memref<64x100000xf32, #tpu.memory_space<hbm>> -> memref<1x100000xf32, #tpu.memory_space<hbm>>
      %dma_wait3A_67 = tpu.memref_squeeze %dma_wait3A_66 : memref<1x100000xf32, #tpu.memory_space<hbm>> -> memref<100000xf32, #tpu.memory_space<hbm>>
      tpu.wait_dma2 semaphore(%run_scoped3A : memref<!tpu.dma_semaphore, #tpu.memory_space<semaphore_mem>>) src(%dma_wait3A_67 : memref<100000xf32, #tpu.memory_space<hbm>>) dst(%arg6 : memref<100000xf32, #tpu.memory_space<vmem>>)
      tpu.yield
    }) : () -> ()
    "tpu.region"() ({
      %run_scoped3A = tpu.sem_alloc : memref<!tpu.dma_semaphore, #tpu.memory_space<semaphore_mem>>
      %dma_start3A_56 = arith.constant 0 : i32
      %dma_start3A_57 = tpu.memref_slice %arg3[%add3A_4, %dma_start3A_56] : memref<64x200xf32, #tpu.memory_space<hbm>> -> memref<1x200xf32, #tpu.memory_space<hbm>>
      %dma_start3A_58 = tpu.memref_squeeze %dma_start3A_57 : memref<1x200xf32, #tpu.memory_space<hbm>> -> memref<200xf32, #tpu.memory_space<hbm>>
      %dma_start3A_59 = arith.constant 0 : i32
      %dma_start3A_60 = tpu.memref_slice %arg3[%add3A_4, %dma_start3A_59] : memref<64x200xf32, #tpu.memory_space<hbm>> -> memref<1x200xf32, #tpu.memory_space<hbm>>
      %dma_start3A_61 = tpu.memref_squeeze %dma_start3A_60 : memref<1x200xf32, #tpu.memory_space<hbm>> -> memref<200xf32, #tpu.memory_space<hbm>>
      tpu.enqueue_dma source(%dma_start3A_61 : memref<200xf32, #tpu.memory_space<hbm>>) target(%arg7 : memref<200xf32, #tpu.memory_space<vmem>>) target_semaphore(%run_scoped3A : memref<!tpu.dma_semaphore, #tpu.memory_space<semaphore_mem>>)
      %dma_wait3A_62 = arith.constant 0 : i32
      %dma_wait3A_63 = tpu.memref_slice %arg3[%add3A_4, %dma_wait3A_62] : memref<64x200xf32, #tpu.memory_space<hbm>> -> memref<1x200xf32, #tpu.memory_space<hbm>>
      %dma_wait3A_64 = tpu.memref_squeeze %dma_wait3A_63 : memref<1x200xf32, #tpu.memory_space<hbm>> -> memref<200xf32, #tpu.memory_space<hbm>>
      %dma_wait3A_65 = arith.constant 0 : i32
      %dma_wait3A_66 = tpu.memref_slice %arg3[%add3A_4, %dma_wait3A_65] : memref<64x200xf32, #tpu.memory_space<hbm>> -> memref<1x200xf32, #tpu.memory_space<hbm>>
      %dma_wait3A_67 = tpu.memref_squeeze %dma_wait3A_66 : memref<1x200xf32, #tpu.memory_space<hbm>> -> memref<200xf32, #tpu.memory_space<hbm>>
      tpu.wait_dma2 semaphore(%run_scoped3A : memref<!tpu.dma_semaphore, #tpu.memory_space<semaphore_mem>>) src(%dma_wait3A_67 : memref<200xf32, #tpu.memory_space<hbm>>) dst(%arg7 : memref<200xf32, #tpu.memory_space<vmem>>)
      tpu.yield
    }) : () -> ()
    %dma_start3A = arith.constant 0 : i32
    %dma_start3A_5 = arith.constant 0 : i32
    %dma_start3A_6 = tpu.memref_slice %arg8[%dma_start3A, %dma_start3A_5] : memref<200x1024xi32, #tpu.memory_space<vmem_shared>> -> memref<4x1024xi32, #tpu.memory_space<vmem_shared>>
    %dma_start3A_7 = arith.constant 0 : i32
    %dma_start3A_8 = arith.constant 0 : i32
    %dma_start3A_9 = tpu.memref_slice %arg8[%dma_start3A_7, %dma_start3A_8] : memref<200x1024xi32, #tpu.memory_space<vmem_shared>> -> memref<4x1024xi32, #tpu.memory_space<vmem_shared>>
    tpu.enqueue_dma source(%dma_start3A_9 : memref<4x1024xi32, #tpu.memory_space<vmem_shared>>) target(%arg9 : memref<4x1024xi32, #tpu.memory_space<vmem>>) target_semaphore(%arg13 : memref<!tpu.dma_semaphore, #tpu.memory_space<semaphore_mem>>)
    %dma_start3A_10 = arith.constant 4 : i32
    %dma_start3A_11 = arith.constant 0 : i32
    %dma_start3A_12 = tpu.memref_slice %arg8[%dma_start3A_10, %dma_start3A_11] : memref<200x1024xi32, #tpu.memory_space<vmem_shared>> -> memref<4x1024xi32, #tpu.memory_space<vmem_shared>>
    %dma_start3A_13 = arith.constant 4 : i32
    %dma_start3A_14 = arith.constant 0 : i32
    %dma_start3A_15 = tpu.memref_slice %arg8[%dma_start3A_13, %dma_start3A_14] : memref<200x1024xi32, #tpu.memory_space<vmem_shared>> -> memref<4x1024xi32, #tpu.memory_space<vmem_shared>>
    tpu.enqueue_dma source(%dma_start3A_15 : memref<4x1024xi32, #tpu.memory_space<vmem_shared>>) target(%arg10 : memref<4x1024xi32, #tpu.memory_space<vmem>>) target_semaphore(%arg14 : memref<!tpu.dma_semaphore, #tpu.memory_space<semaphore_mem>>)
    %scan3A = arith.constant 0 : i32
    %scan3A_16 = arith.constant 25 : i32
    %scan3A_17 = arith.addi %scan3A, %scan3A_16 : i32
    %scan3A_18 = arith.constant 1 : i32
    scf.for %scan3A_56 = %scan3A to %scan3A_17 step %scan3A_18  : i32 {
      %mul3A_57 = arith.constant 2 : i32
      %mul3A_58 = arith.muli %scan3A_56, %mul3A_57 : i32
      %add3A_59 = arith.constant 0 : i32
      %add3A_60 = arith.addi %add3A_59, %mul3A_58 : i32
      %add3A_61 = arith.constant 0 : i32
      %add3A_62 = arith.addi %add3A_60, %add3A_61 : i32
      %mul3A_63 = arith.constant 4 : i32
      %mul3A_64 = arith.muli %add3A_62, %mul3A_63 : i32
      %dma_wait3A_65 = arith.constant 0 : i32
      %dma_wait3A_66 = tpu.memref_slice %arg8[%mul3A_64, %dma_wait3A_65] : memref<200x1024xi32, #tpu.memory_space<vmem_shared>> -> memref<4x1024xi32, #tpu.memory_space<vmem_shared>>
      %dma_wait3A_67 = arith.constant 0 : i32
      %dma_wait3A_68 = tpu.memref_slice %arg8[%mul3A_64, %dma_wait3A_67] : memref<200x1024xi32, #tpu.memory_space<vmem_shared>> -> memref<4x1024xi32, #tpu.memory_space<vmem_shared>>
      tpu.wait_dma2 semaphore(%arg13 : memref<!tpu.dma_semaphore, #tpu.memory_space<semaphore_mem>>) src(%dma_wait3A_68 : memref<4x1024xi32, #tpu.memory_space<vmem_shared>>) dst(%arg9 : memref<4x1024xi32, #tpu.memory_space<vmem>>)
      %gt3A = arith.constant 0 : i32
      %gt3A_69 = arith.cmpi sgt, %add3A_60, %gt3A : i32
      %convert_element_type3A_70 = arith.extui %gt3A_69 : i1 to i32
      %cond3A_71 = arith.constant 0 : i32
      %cond3A_72 = arith.cmpi ne, %convert_element_type3A_70, %cond3A_71 : i32
      scf.if %cond3A_72 {
        %dma_wait3A_184 = arith.constant 0 : i32
        %dma_wait3A_185 = arith.constant 0 : i32
        %dma_wait3A_186 = arith.constant 0 : i32
        %dma_wait3A_187 = tpu.memref_slice %arg5[%dma_wait3A_185, %dma_wait3A_184, %dma_wait3A_186] : memref<200x64x1024xf32, #tpu.memory_space<hbm>> -> memref<4x1x1024xf32, #tpu.memory_space<hbm>>
        %dma_wait3A_188 = tpu.memref_squeeze %dma_wait3A_187 : memref<4x1x1024xf32, #tpu.memory_space<hbm>> -> memref<4x1024xf32, #tpu.memory_space<hbm>>
        %dma_wait3A_189 = arith.constant 0 : i32
        %dma_wait3A_190 = arith.constant 0 : i32
        %dma_wait3A_191 = tpu.memref_slice %arg5[%dma_wait3A_189, %dma_wait3A_184, %dma_wait3A_190] : memref<200x64x1024xf32, #tpu.memory_space<hbm>> -> memref<4x1x1024xf32, #tpu.memory_space<hbm>>
        %dma_wait3A_192 = tpu.memref_squeeze %dma_wait3A_191 : memref<4x1x1024xf32, #tpu.memory_space<hbm>> -> memref<4x1024xf32, #tpu.memory_space<hbm>>
        tpu.wait_dma2 semaphore(%arg15 : memref<!tpu.dma_semaphore, #tpu.memory_space<semaphore_mem>>) src(%arg11 : memref<4x1024xf32, #tpu.memory_space<vmem>>) dst(%dma_wait3A_192 : memref<4x1024xf32, #tpu.memory_space<hbm>>)
      } else {
      }
      %mul3A_73 = arith.constant 4 : i32
      %mul3A_74 = arith.muli %add3A_62, %mul3A_73 : i32
      %add3A_75 = arith.constant 0 : i32
      %add3A_76 = arith.addi %mul3A_74, %add3A_75 : i32
      %broadcast_in_dim3A = vector.broadcast %add3A_76 : i32 to vector<16xi32>
      %gather3A = tpu.vector_load_idx %arg7[%broadcast_in_dim3A] : memref<200xf32, #tpu.memory_space<vmem>>[vector<16xi32>], vector<16xf32>,
      %parallel_loop3A = arith.constant 0 : i32
      %parallel_loop3A_77 = arith.constant 64 : i32
      %parallel_loop3A_78 = arith.constant 1 : i32
      scf.for %parallel_loop3A_184 = %parallel_loop3A to %parallel_loop3A_77 step %parallel_loop3A_78  : i32 {
        %parallel_loop3A_185 = arith.constant 16 : i32
        %parallel_loop3A_186 = arith.muli %parallel_loop3A_184, %parallel_loop3A_185 : i32
        %parallel_loop3A_187 = arith.constant 0 : i32
        %parallel_loop3A_188 = arith.index_cast %parallel_loop3A_187 : i32 to index
        %parallel_loop3A_189 = arith.index_cast %parallel_loop3A_186 : i32 to index
        %parallel_loop3A_190 = tpu.vector_load %arg9[%parallel_loop3A_188, %parallel_loop3A_189] {strides = array<i32>} : memref<4x1024xi32, #tpu.memory_space<vmem>>, vector<16xi32>,
        %parallel_loop3A_191 = tpu.vector_load_idx %arg6[%parallel_loop3A_190] : memref<100000xf32, #tpu.memory_space<vmem>>[vector<16xi32>], vector<16xf32>,
        %parallel_loop3A_192 = arith.constant 8.000000e+00 : f32
        %parallel_loop3A_193 = vector.broadcast %parallel_loop3A_192 : f32 to vector<16xf32>
        %parallel_loop3A_194 = arith.mulf %parallel_loop3A_191, %parallel_loop3A_193 : vector<16xf32>
        %parallel_loop3A_195 = arith.addf %parallel_loop3A_194, %gather3A : vector<16xf32>
        %parallel_loop3A_196 = arith.constant 0 : i32
        %parallel_loop3A_197 = arith.index_cast %parallel_loop3A_196 : i32 to index
        %parallel_loop3A_198 = arith.index_cast %parallel_loop3A_186 : i32 to index
        %parallel_loop3A_199 = tpu.vector_load %arg11[%parallel_loop3A_197, %parallel_loop3A_198] {strides = array<i32>} : memref<4x1024xf32, #tpu.memory_space<vmem>>, vector<16xf32>,
        tpu.vector_store %arg11[%parallel_loop3A_197, %parallel_loop3A_198], %parallel_loop3A_195 {strides = array<i32>} : memref<4x1024xf32, #tpu.memory_space<vmem>>, vector<16xf32>,
      } {sc.loop_unroll_factor = 16 : i64, sc.parallel_access}
      %mul3A_79 = arith.constant 4 : i32
      %mul3A_80 = arith.muli %add3A_62, %mul3A_79 : i32
      %add3A_81 = arith.constant 1 : i32
      %add3A_82 = arith.addi %mul3A_80, %add3A_81 : i32
      %broadcast_in_dim3A_83 = vector.broadcast %add3A_82 : i32 to vector<16xi32>
      %gather3A_84 = tpu.vector_load_idx %arg7[%broadcast_in_dim3A_83] : memref<200xf32, #tpu.memory_space<vmem>>[vector<16xi32>], vector<16xf32>,
      %parallel_loop3A_85 = arith.constant 0 : i32
      %parallel_loop3A_86 = arith.constant 64 : i32
      %parallel_loop3A_87 = arith.constant 1 : i32
      scf.for %parallel_loop3A_184 = %parallel_loop3A_85 to %parallel_loop3A_86 step %parallel_loop3A_87  : i32 {
        %parallel_loop3A_185 = arith.constant 16 : i32
        %parallel_loop3A_186 = arith.muli %parallel_loop3A_184, %parallel_loop3A_185 : i32
        %parallel_loop3A_187 = arith.constant 1 : i32
        %parallel_loop3A_188 = arith.index_cast %parallel_loop3A_187 : i32 to index
        %parallel_loop3A_189 = arith.index_cast %parallel_loop3A_186 : i32 to index
        %parallel_loop3A_190 = tpu.vector_load %arg9[%parallel_loop3A_188, %parallel_loop3A_189] {strides = array<i32>} : memref<4x1024xi32, #tpu.memory_space<vmem>>, vector<16xi32>,
        %parallel_loop3A_191 = tpu.vector_load_idx %arg6[%parallel_loop3A_190] : memref<100000xf32, #tpu.memory_space<vmem>>[vector<16xi32>], vector<16xf32>,
        %parallel_loop3A_192 = arith.constant 8.000000e+00 : f32
        %parallel_loop3A_193 = vector.broadcast %parallel_loop3A_192 : f32 to vector<16xf32>
        %parallel_loop3A_194 = arith.mulf %parallel_loop3A_191, %parallel_loop3A_193 : vector<16xf32>
        %parallel_loop3A_195 = arith.addf %parallel_loop3A_194, %gather3A_84 : vector<16xf32>
        %parallel_loop3A_196 = arith.constant 1 : i32
        %parallel_loop3A_197 = arith.index_cast %parallel_loop3A_196 : i32 to index
        %parallel_loop3A_198 = arith.index_cast %parallel_loop3A_186 : i32 to index
        %parallel_loop3A_199 = tpu.vector_load %arg11[%parallel_loop3A_197, %parallel_loop3A_198] {strides = array<i32>} : memref<4x1024xf32, #tpu.memory_space<vmem>>, vector<16xf32>,
        tpu.vector_store %arg11[%parallel_loop3A_197, %parallel_loop3A_198], %parallel_loop3A_195 {strides = array<i32>} : memref<4x1024xf32, #tpu.memory_space<vmem>>, vector<16xf32>,
      } {sc.loop_unroll_factor = 16 : i64, sc.parallel_access}
      %mul3A_88 = arith.constant 4 : i32
      %mul3A_89 = arith.muli %add3A_62, %mul3A_88 : i32
      %add3A_90 = arith.constant 2 : i32
      %add3A_91 = arith.addi %mul3A_89, %add3A_90 : i32
      %broadcast_in_dim3A_92 = vector.broadcast %add3A_91 : i32 to vector<16xi32>
      %gather3A_93 = tpu.vector_load_idx %arg7[%broadcast_in_dim3A_92] : memref<200xf32, #tpu.memory_space<vmem>>[vector<16xi32>], vector<16xf32>,
      %parallel_loop3A_94 = arith.constant 0 : i32
      %parallel_loop3A_95 = arith.constant 64 : i32
      %parallel_loop3A_96 = arith.constant 1 : i32
      scf.for %parallel_loop3A_184 = %parallel_loop3A_94 to %parallel_loop3A_95 step %parallel_loop3A_96  : i32 {
        %parallel_loop3A_185 = arith.constant 16 : i32
        %parallel_loop3A_186 = arith.muli %parallel_loop3A_184, %parallel_loop3A_185 : i32
        %parallel_loop3A_187 = arith.constant 2 : i32
        %parallel_loop3A_188 = arith.index_cast %parallel_loop3A_187 : i32 to index
        %parallel_loop3A_189 = arith.index_cast %parallel_loop3A_186 : i32 to index
        %parallel_loop3A_190 = tpu.vector_load %arg9[%parallel_loop3A_188, %parallel_loop3A_189] {strides = array<i32>} : memref<4x1024xi32, #tpu.memory_space<vmem>>, vector<16xi32>,
        %parallel_loop3A_191 = tpu.vector_load_idx %arg6[%parallel_loop3A_190] : memref<100000xf32, #tpu.memory_space<vmem>>[vector<16xi32>], vector<16xf32>,
        %parallel_loop3A_192 = arith.constant 8.000000e+00 : f32
        %parallel_loop3A_193 = vector.broadcast %parallel_loop3A_192 : f32 to vector<16xf32>
        %parallel_loop3A_194 = arith.mulf %parallel_loop3A_191, %parallel_loop3A_193 : vector<16xf32>
        %parallel_loop3A_195 = arith.addf %parallel_loop3A_194, %gather3A_93 : vector<16xf32>
        %parallel_loop3A_196 = arith.constant 2 : i32
        %parallel_loop3A_197 = arith.index_cast %parallel_loop3A_196 : i32 to index
        %parallel_loop3A_198 = arith.index_cast %parallel_loop3A_186 : i32 to index
        %parallel_loop3A_199 = tpu.vector_load %arg11[%parallel_loop3A_197, %parallel_loop3A_198] {strides = array<i32>} : memref<4x1024xf32, #tpu.memory_space<vmem>>, vector<16xf32>,
        tpu.vector_store %arg11[%parallel_loop3A_197, %parallel_loop3A_198], %parallel_loop3A_195 {strides = array<i32>} : memref<4x1024xf32, #tpu.memory_space<vmem>>, vector<16xf32>,
      } {sc.loop_unroll_factor = 16 : i64, sc.parallel_access}
      %mul3A_97 = arith.constant 4 : i32
      %mul3A_98 = arith.muli %add3A_62, %mul3A_97 : i32
      %add3A_99 = arith.constant 3 : i32
      %add3A_100 = arith.addi %mul3A_98, %add3A_99 : i32
      %broadcast_in_dim3A_101 = vector.broadcast %add3A_100 : i32 to vector<16xi32>
      %gather3A_102 = tpu.vector_load_idx %arg7[%broadcast_in_dim3A_101] : memref<200xf32, #tpu.memory_space<vmem>>[vector<16xi32>], vector<16xf32>,
      %parallel_loop3A_103 = arith.constant 0 : i32
      %parallel_loop3A_104 = arith.constant 64 : i32
      %parallel_loop3A_105 = arith.constant 1 : i32
      scf.for %parallel_loop3A_184 = %parallel_loop3A_103 to %parallel_loop3A_104 step %parallel_loop3A_105  : i32 {
        %parallel_loop3A_185 = arith.constant 16 : i32
        %parallel_loop3A_186 = arith.muli %parallel_loop3A_184, %parallel_loop3A_185 : i32
        %parallel_loop3A_187 = arith.constant 3 : i32
        %parallel_loop3A_188 = arith.index_cast %parallel_loop3A_187 : i32 to index
        %parallel_loop3A_189 = arith.index_cast %parallel_loop3A_186 : i32 to index
        %parallel_loop3A_190 = tpu.vector_load %arg9[%parallel_loop3A_188, %parallel_loop3A_189] {strides = array<i32>} : memref<4x1024xi32, #tpu.memory_space<vmem>>, vector<16xi32>,
        %parallel_loop3A_191 = tpu.vector_load_idx %arg6[%parallel_loop3A_190] : memref<100000xf32, #tpu.memory_space<vmem>>[vector<16xi32>], vector<16xf32>,
        %parallel_loop3A_192 = arith.constant 8.000000e+00 : f32
        %parallel_loop3A_193 = vector.broadcast %parallel_loop3A_192 : f32 to vector<16xf32>
        %parallel_loop3A_194 = arith.mulf %parallel_loop3A_191, %parallel_loop3A_193 : vector<16xf32>
        %parallel_loop3A_195 = arith.addf %parallel_loop3A_194, %gather3A_102 : vector<16xf32>
        %parallel_loop3A_196 = arith.constant 3 : i32
        %parallel_loop3A_197 = arith.index_cast %parallel_loop3A_196 : i32 to index
        %parallel_loop3A_198 = arith.index_cast %parallel_loop3A_186 : i32 to index
        %parallel_loop3A_199 = tpu.vector_load %arg11[%parallel_loop3A_197, %parallel_loop3A_198] {strides = array<i32>} : memref<4x1024xf32, #tpu.memory_space<vmem>>, vector<16xf32>,
        tpu.vector_store %arg11[%parallel_loop3A_197, %parallel_loop3A_198], %parallel_loop3A_195 {strides = array<i32>} : memref<4x1024xf32, #tpu.memory_space<vmem>>, vector<16xf32>,
      } {sc.loop_unroll_factor = 16 : i64, sc.parallel_access}
      %mul3A_106 = arith.constant 4 : i32
      %mul3A_107 = arith.muli %add3A_62, %mul3A_106 : i32
      %dma_start3A_108 = arith.constant 0 : i32
      %dma_start3A_109 = tpu.memref_slice %arg5[%mul3A_107, %add3A_4, %dma_start3A_108] : memref<200x64x1024xf32, #tpu.memory_space<hbm>> -> memref<4x1x1024xf32, #tpu.memory_space<hbm>>
      %dma_start3A_110 = tpu.memref_squeeze %dma_start3A_109 : memref<4x1x1024xf32, #tpu.memory_space<hbm>> -> memref<4x1024xf32, #tpu.memory_space<hbm>>
      %dma_start3A_111 = arith.constant 0 : i32
      %dma_start3A_112 = tpu.memref_slice %arg5[%mul3A_107, %add3A_4, %dma_start3A_111] : memref<200x64x1024xf32, #tpu.memory_space<hbm>> -> memref<4x1x1024xf32, #tpu.memory_space<hbm>>
      %dma_start3A_113 = tpu.memref_squeeze %dma_start3A_112 : memref<4x1x1024xf32, #tpu.memory_space<hbm>> -> memref<4x1024xf32, #tpu.memory_space<hbm>>
      tpu.enqueue_dma source(%arg11 : memref<4x1024xf32, #tpu.memory_space<vmem>>) target(%dma_start3A_113 : memref<4x1024xf32, #tpu.memory_space<hbm>>) target_semaphore(%arg15 : memref<!tpu.dma_semaphore, #tpu.memory_space<semaphore_mem>>)
      %add3A_114 = arith.constant 2 : i32
      %add3A_115 = arith.addi %add3A_62, %add3A_114 : i32
      %lt3A = arith.constant 50 : i32
      %lt3A_116 = arith.cmpi slt, %add3A_115, %lt3A : i32
      %convert_element_type3A_117 = arith.extui %lt3A_116 : i1 to i32
      %cond3A_118 = arith.constant 0 : i32
      %cond3A_119 = arith.cmpi ne, %convert_element_type3A_117, %cond3A_118 : i32
      scf.if %cond3A_119 {
        %add3A_184 = arith.constant 2 : i32
        %add3A_185 = arith.addi %add3A_62, %add3A_184 : i32
        %mul3A_186 = arith.constant 4 : i32
        %mul3A_187 = arith.muli %add3A_185, %mul3A_186 : i32
        %dma_start3A_188 = arith.constant 0 : i32
        %dma_start3A_189 = tpu.memref_slice %arg8[%mul3A_187, %dma_start3A_188] : memref<200x1024xi32, #tpu.memory_space<vmem_shared>> -> memref<4x1024xi32, #tpu.memory_space<vmem_shared>>
        %dma_start3A_190 = arith.constant 0 : i32
        %dma_start3A_191 = tpu.memref_slice %arg8[%mul3A_187, %dma_start3A_190] : memref<200x1024xi32, #tpu.memory_space<vmem_shared>> -> memref<4x1024xi32, #tpu.memory_space<vmem_shared>>
        tpu.enqueue_dma source(%dma_start3A_191 : memref<4x1024xi32, #tpu.memory_space<vmem_shared>>) target(%arg9 : memref<4x1024xi32, #tpu.memory_space<vmem>>) target_semaphore(%arg13 : memref<!tpu.dma_semaphore, #tpu.memory_space<semaphore_mem>>)
      } else {
      }
      %add3A_120 = arith.constant 1 : i32
      %add3A_121 = arith.addi %add3A_60, %add3A_120 : i32
      %mul3A_122 = arith.constant 4 : i32
      %mul3A_123 = arith.muli %add3A_121, %mul3A_122 : i32
      %dma_wait3A_124 = arith.constant 0 : i32
      %dma_wait3A_125 = tpu.memref_slice %arg8[%mul3A_123, %dma_wait3A_124] : memref<200x1024xi32, #tpu.memory_space<vmem_shared>> -> memref<4x1024xi32, #tpu.memory_space<vmem_shared>>
      %dma_wait3A_126 = arith.constant 0 : i32
      %dma_wait3A_127 = tpu.memref_slice %arg8[%mul3A_123, %dma_wait3A_126] : memref<200x1024xi32, #tpu.memory_space<vmem_shared>> -> memref<4x1024xi32, #tpu.memory_space<vmem_shared>>
      tpu.wait_dma2 semaphore(%arg14 : memref<!tpu.dma_semaphore, #tpu.memory_space<semaphore_mem>>) src(%dma_wait3A_127 : memref<4x1024xi32, #tpu.memory_space<vmem_shared>>) dst(%arg10 : memref<4x1024xi32, #tpu.memory_space<vmem>>)
      %gt3A_128 = arith.constant 0 : i32
      %gt3A_129 = arith.cmpi sgt, %add3A_60, %gt3A_128 : i32
      %convert_element_type3A_130 = arith.extui %gt3A_129 : i1 to i32
      %cond3A_131 = arith.constant 0 : i32
      %cond3A_132 = arith.cmpi ne, %convert_element_type3A_130, %cond3A_131 : i32
      scf.if %cond3A_132 {
        %dma_wait3A_184 = arith.constant 0 : i32
        %dma_wait3A_185 = arith.constant 0 : i32
        %dma_wait3A_186 = arith.constant 0 : i32
        %dma_wait3A_187 = tpu.memref_slice %arg5[%dma_wait3A_185, %dma_wait3A_184, %dma_wait3A_186] : memref<200x64x1024xf32, #tpu.memory_space<hbm>> -> memref<4x1x1024xf32, #tpu.memory_space<hbm>>
        %dma_wait3A_188 = tpu.memref_squeeze %dma_wait3A_187 : memref<4x1x1024xf32, #tpu.memory_space<hbm>> -> memref<4x1024xf32, #tpu.memory_space<hbm>>
        %dma_wait3A_189 = arith.constant 0 : i32
        %dma_wait3A_190 = arith.constant 0 : i32
        %dma_wait3A_191 = tpu.memref_slice %arg5[%dma_wait3A_189, %dma_wait3A_184, %dma_wait3A_190] : memref<200x64x1024xf32, #tpu.memory_space<hbm>> -> memref<4x1x1024xf32, #tpu.memory_space<hbm>>
        %dma_wait3A_192 = tpu.memref_squeeze %dma_wait3A_191 : memref<4x1x1024xf32, #tpu.memory_space<hbm>> -> memref<4x1024xf32, #tpu.memory_space<hbm>>
        tpu.wait_dma2 semaphore(%arg16 : memref<!tpu.dma_semaphore, #tpu.memory_space<semaphore_mem>>) src(%arg12 : memref<4x1024xf32, #tpu.memory_space<vmem>>) dst(%dma_wait3A_192 : memref<4x1024xf32, #tpu.memory_space<hbm>>)
      } else {
      }
      %mul3A_133 = arith.constant 4 : i32
      %mul3A_134 = arith.muli %add3A_121, %mul3A_133 : i32
      %add3A_135 = arith.constant 0 : i32
      %add3A_136 = arith.addi %mul3A_134, %add3A_135 : i32
      %broadcast_in_dim3A_137 = vector.broadcast %add3A_136 : i32 to vector<16xi32>
      %gather3A_138 = tpu.vector_load_idx %arg7[%broadcast_in_dim3A_137] : memref<200xf32, #tpu.memory_space<vmem>>[vector<16xi32>], vector<16xf32>,
      %parallel_loop3A_139 = arith.constant 0 : i32
      %parallel_loop3A_140 = arith.constant 64 : i32
      %parallel_loop3A_141 = arith.constant 1 : i32
      scf.for %parallel_loop3A_184 = %parallel_loop3A_139 to %parallel_loop3A_140 step %parallel_loop3A_141  : i32 {
        %parallel_loop3A_185 = arith.constant 16 : i32
        %parallel_loop3A_186 = arith.muli %parallel_loop3A_184, %parallel_loop3A_185 : i32
        %parallel_loop3A_187 = arith.constant 0 : i32
        %parallel_loop3A_188 = arith.index_cast %parallel_loop3A_187 : i32 to index
        %parallel_loop3A_189 = arith.index_cast %parallel_loop3A_186 : i32 to index
        %parallel_loop3A_190 = tpu.vector_load %arg10[%parallel_loop3A_188, %parallel_loop3A_189] {strides = array<i32>} : memref<4x1024xi32, #tpu.memory_space<vmem>>, vector<16xi32>,
        %parallel_loop3A_191 = tpu.vector_load_idx %arg6[%parallel_loop3A_190] : memref<100000xf32, #tpu.memory_space<vmem>>[vector<16xi32>], vector<16xf32>,
        %parallel_loop3A_192 = arith.constant 8.000000e+00 : f32
        %parallel_loop3A_193 = vector.broadcast %parallel_loop3A_192 : f32 to vector<16xf32>
        %parallel_loop3A_194 = arith.mulf %parallel_loop3A_191, %parallel_loop3A_193 : vector<16xf32>
        %parallel_loop3A_195 = arith.addf %parallel_loop3A_194, %gather3A_138 : vector<16xf32>
        %parallel_loop3A_196 = arith.constant 0 : i32
        %parallel_loop3A_197 = arith.index_cast %parallel_loop3A_196 : i32 to index
        %parallel_loop3A_198 = arith.index_cast %parallel_loop3A_186 : i32 to index
        %parallel_loop3A_199 = tpu.vector_load %arg12[%parallel_loop3A_197, %parallel_loop3A_198] {strides = array<i32>} : memref<4x1024xf32, #tpu.memory_space<vmem>>, vector<16xf32>,
        tpu.vector_store %arg12[%parallel_loop3A_197, %parallel_loop3A_198], %parallel_loop3A_195 {strides = array<i32>} : memref<4x1024xf32, #tpu.memory_space<vmem>>, vector<16xf32>,
      } {sc.loop_unroll_factor = 16 : i64, sc.parallel_access}
      %mul3A_142 = arith.constant 4 : i32
      %mul3A_143 = arith.muli %add3A_121, %mul3A_142 : i32
      %add3A_144 = arith.constant 1 : i32
      %add3A_145 = arith.addi %mul3A_143, %add3A_144 : i32
      %broadcast_in_dim3A_146 = vector.broadcast %add3A_145 : i32 to vector<16xi32>
      %gather3A_147 = tpu.vector_load_idx %arg7[%broadcast_in_dim3A_146] : memref<200xf32, #tpu.memory_space<vmem>>[vector<16xi32>], vector<16xf32>,
      %parallel_loop3A_148 = arith.constant 0 : i32
      %parallel_loop3A_149 = arith.constant 64 : i32
      %parallel_loop3A_150 = arith.constant 1 : i32
      scf.for %parallel_loop3A_184 = %parallel_loop3A_148 to %parallel_loop3A_149 step %parallel_loop3A_150  : i32 {
        %parallel_loop3A_185 = arith.constant 16 : i32
        %parallel_loop3A_186 = arith.muli %parallel_loop3A_184, %parallel_loop3A_185 : i32
        %parallel_loop3A_187 = arith.constant 1 : i32
        %parallel_loop3A_188 = arith.index_cast %parallel_loop3A_187 : i32 to index
        %parallel_loop3A_189 = arith.index_cast %parallel_loop3A_186 : i32 to index
        %parallel_loop3A_190 = tpu.vector_load %arg10[%parallel_loop3A_188, %parallel_loop3A_189] {strides = array<i32>} : memref<4x1024xi32, #tpu.memory_space<vmem>>, vector<16xi32>,
        %parallel_loop3A_191 = tpu.vector_load_idx %arg6[%parallel_loop3A_190] : memref<100000xf32, #tpu.memory_space<vmem>>[vector<16xi32>], vector<16xf32>,
        %parallel_loop3A_192 = arith.constant 8.000000e+00 : f32
        %parallel_loop3A_193 = vector.broadcast %parallel_loop3A_192 : f32 to vector<16xf32>
        %parallel_loop3A_194 = arith.mulf %parallel_loop3A_191, %parallel_loop3A_193 : vector<16xf32>
        %parallel_loop3A_195 = arith.addf %parallel_loop3A_194, %gather3A_147 : vector<16xf32>
        %parallel_loop3A_196 = arith.constant 1 : i32
        %parallel_loop3A_197 = arith.index_cast %parallel_loop3A_196 : i32 to index
        %parallel_loop3A_198 = arith.index_cast %parallel_loop3A_186 : i32 to index
        %parallel_loop3A_199 = tpu.vector_load %arg12[%parallel_loop3A_197, %parallel_loop3A_198] {strides = array<i32>} : memref<4x1024xf32, #tpu.memory_space<vmem>>, vector<16xf32>,
        tpu.vector_store %arg12[%parallel_loop3A_197, %parallel_loop3A_198], %parallel_loop3A_195 {strides = array<i32>} : memref<4x1024xf32, #tpu.memory_space<vmem>>, vector<16xf32>,
      } {sc.loop_unroll_factor = 16 : i64, sc.parallel_access}
      %mul3A_151 = arith.constant 4 : i32
      %mul3A_152 = arith.muli %add3A_121, %mul3A_151 : i32
      %add3A_153 = arith.constant 2 : i32
      %add3A_154 = arith.addi %mul3A_152, %add3A_153 : i32
      %broadcast_in_dim3A_155 = vector.broadcast %add3A_154 : i32 to vector<16xi32>
      %gather3A_156 = tpu.vector_load_idx %arg7[%broadcast_in_dim3A_155] : memref<200xf32, #tpu.memory_space<vmem>>[vector<16xi32>], vector<16xf32>,
      %parallel_loop3A_157 = arith.constant 0 : i32
      %parallel_loop3A_158 = arith.constant 64 : i32
      %parallel_loop3A_159 = arith.constant 1 : i32
      scf.for %parallel_loop3A_184 = %parallel_loop3A_157 to %parallel_loop3A_158 step %parallel_loop3A_159  : i32 {
        %parallel_loop3A_185 = arith.constant 16 : i32
        %parallel_loop3A_186 = arith.muli %parallel_loop3A_184, %parallel_loop3A_185 : i32
        %parallel_loop3A_187 = arith.constant 2 : i32
        %parallel_loop3A_188 = arith.index_cast %parallel_loop3A_187 : i32 to index
        %parallel_loop3A_189 = arith.index_cast %parallel_loop3A_186 : i32 to index
        %parallel_loop3A_190 = tpu.vector_load %arg10[%parallel_loop3A_188, %parallel_loop3A_189] {strides = array<i32>} : memref<4x1024xi32, #tpu.memory_space<vmem>>, vector<16xi32>,
        %parallel_loop3A_191 = tpu.vector_load_idx %arg6[%parallel_loop3A_190] : memref<100000xf32, #tpu.memory_space<vmem>>[vector<16xi32>], vector<16xf32>,
        %parallel_loop3A_192 = arith.constant 8.000000e+00 : f32
        %parallel_loop3A_193 = vector.broadcast %parallel_loop3A_192 : f32 to vector<16xf32>
        %parallel_loop3A_194 = arith.mulf %parallel_loop3A_191, %parallel_loop3A_193 : vector<16xf32>
        %parallel_loop3A_195 = arith.addf %parallel_loop3A_194, %gather3A_156 : vector<16xf32>
        %parallel_loop3A_196 = arith.constant 2 : i32
        %parallel_loop3A_197 = arith.index_cast %parallel_loop3A_196 : i32 to index
        %parallel_loop3A_198 = arith.index_cast %parallel_loop3A_186 : i32 to index
        %parallel_loop3A_199 = tpu.vector_load %arg12[%parallel_loop3A_197, %parallel_loop3A_198] {strides = array<i32>} : memref<4x1024xf32, #tpu.memory_space<vmem>>, vector<16xf32>,
        tpu.vector_store %arg12[%parallel_loop3A_197, %parallel_loop3A_198], %parallel_loop3A_195 {strides = array<i32>} : memref<4x1024xf32, #tpu.memory_space<vmem>>, vector<16xf32>,
      } {sc.loop_unroll_factor = 16 : i64, sc.parallel_access}
      %mul3A_160 = arith.constant 4 : i32
      %mul3A_161 = arith.muli %add3A_121, %mul3A_160 : i32
      %add3A_162 = arith.constant 3 : i32
      %add3A_163 = arith.addi %mul3A_161, %add3A_162 : i32
      %broadcast_in_dim3A_164 = vector.broadcast %add3A_163 : i32 to vector<16xi32>
      %gather3A_165 = tpu.vector_load_idx %arg7[%broadcast_in_dim3A_164] : memref<200xf32, #tpu.memory_space<vmem>>[vector<16xi32>], vector<16xf32>,
      %parallel_loop3A_166 = arith.constant 0 : i32
      %parallel_loop3A_167 = arith.constant 64 : i32
      %parallel_loop3A_168 = arith.constant 1 : i32
      scf.for %parallel_loop3A_184 = %parallel_loop3A_166 to %parallel_loop3A_167 step %parallel_loop3A_168  : i32 {
        %parallel_loop3A_185 = arith.constant 16 : i32
        %parallel_loop3A_186 = arith.muli %parallel_loop3A_184, %parallel_loop3A_185 : i32
        %parallel_loop3A_187 = arith.constant 3 : i32
        %parallel_loop3A_188 = arith.index_cast %parallel_loop3A_187 : i32 to index
        %parallel_loop3A_189 = arith.index_cast %parallel_loop3A_186 : i32 to index
        %parallel_loop3A_190 = tpu.vector_load %arg10[%parallel_loop3A_188, %parallel_loop3A_189] {strides = array<i32>} : memref<4x1024xi32, #tpu.memory_space<vmem>>, vector<16xi32>,
        %parallel_loop3A_191 = tpu.vector_load_idx %arg6[%parallel_loop3A_190] : memref<100000xf32, #tpu.memory_space<vmem>>[vector<16xi32>], vector<16xf32>,
        %parallel_loop3A_192 = arith.constant 8.000000e+00 : f32
        %parallel_loop3A_193 = vector.broadcast %parallel_loop3A_192 : f32 to vector<16xf32>
        %parallel_loop3A_194 = arith.mulf %parallel_loop3A_191, %parallel_loop3A_193 : vector<16xf32>
        %parallel_loop3A_195 = arith.addf %parallel_loop3A_194, %gather3A_165 : vector<16xf32>
        %parallel_loop3A_196 = arith.constant 3 : i32
        %parallel_loop3A_197 = arith.index_cast %parallel_loop3A_196 : i32 to index
        %parallel_loop3A_198 = arith.index_cast %parallel_loop3A_186 : i32 to index
        %parallel_loop3A_199 = tpu.vector_load %arg12[%parallel_loop3A_197, %parallel_loop3A_198] {strides = array<i32>} : memref<4x1024xf32, #tpu.memory_space<vmem>>, vector<16xf32>,
        tpu.vector_store %arg12[%parallel_loop3A_197, %parallel_loop3A_198], %parallel_loop3A_195 {strides = array<i32>} : memref<4x1024xf32, #tpu.memory_space<vmem>>, vector<16xf32>,
      } {sc.loop_unroll_factor = 16 : i64, sc.parallel_access}
      %mul3A_169 = arith.constant 4 : i32
      %mul3A_170 = arith.muli %add3A_121, %mul3A_169 : i32
      %dma_start3A_171 = arith.constant 0 : i32
      %dma_start3A_172 = tpu.memref_slice %arg5[%mul3A_170, %add3A_4, %dma_start3A_171] : memref<200x64x1024xf32, #tpu.memory_space<hbm>> -> memref<4x1x1024xf32, #tpu.memory_space<hbm>>
      %dma_start3A_173 = tpu.memref_squeeze %dma_start3A_172 : memref<4x1x1024xf32, #tpu.memory_space<hbm>> -> memref<4x1024xf32, #tpu.memory_space<hbm>>
      %dma_start3A_174 = arith.constant 0 : i32
      %dma_start3A_175 = tpu.memref_slice %arg5[%mul3A_170, %add3A_4, %dma_start3A_174] : memref<200x64x1024xf32, #tpu.memory_space<hbm>> -> memref<4x1x1024xf32, #tpu.memory_space<hbm>>
      %dma_start3A_176 = tpu.memref_squeeze %dma_start3A_175 : memref<4x1x1024xf32, #tpu.memory_space<hbm>> -> memref<4x1024xf32, #tpu.memory_space<hbm>>
      tpu.enqueue_dma source(%arg12 : memref<4x1024xf32, #tpu.memory_space<vmem>>) target(%dma_start3A_176 : memref<4x1024xf32, #tpu.memory_space<hbm>>) target_semaphore(%arg16 : memref<!tpu.dma_semaphore, #tpu.memory_space<semaphore_mem>>)
      %add3A_177 = arith.constant 2 : i32
      %add3A_178 = arith.addi %add3A_121, %add3A_177 : i32
      %lt3A_179 = arith.constant 50 : i32
      %lt3A_180 = arith.cmpi slt, %add3A_178, %lt3A_179 : i32
      %convert_element_type3A_181 = arith.extui %lt3A_180 : i1 to i32
      %cond3A_182 = arith.constant 0 : i32
      %cond3A_183 = arith.cmpi ne, %convert_element_type3A_181, %cond3A_182 : i32
      scf.if %cond3A_183 {
        %add3A_184 = arith.constant 2 : i32
        %add3A_185 = arith.addi %add3A_121, %add3A_184 : i32
        %mul3A_186 = arith.constant 4 : i32
        %mul3A_187 = arith.muli %add3A_185, %mul3A_186 : i32
        %dma_start3A_188 = arith.constant 0 : i32
        %dma_start3A_189 = tpu.memref_slice %arg8[%mul3A_187, %dma_start3A_188] : memref<200x1024xi32, #tpu.memory_space<vmem_shared>> -> memref<4x1024xi32, #tpu.memory_space<vmem_shared>>
        %dma_start3A_190 = arith.constant 0 : i32
        %dma_start3A_191 = tpu.memref_slice %arg8[%mul3A_187, %dma_start3A_190] : memref<200x1024xi32, #tpu.memory_space<vmem_shared>> -> memref<4x1024xi32, #tpu.memory_space<vmem_shared>>
        tpu.enqueue_dma source(%dma_start3A_191 : memref<4x1024xi32, #tpu.memory_space<vmem_shared>>) target(%arg10 : memref<4x1024xi32, #tpu.memory_space<vmem>>) target_semaphore(%arg14 : memref<!tpu.dma_semaphore, #tpu.memory_space<semaphore_mem>>)
      } else {
      }
    }
    %scan3A_19 = arith.constant 25 : i32
    %add3A_20 = arith.constant 32 : i32
    %add3A_21 = arith.addi %add3A_20, %add3A : i32
    "tpu.region"() ({
      %run_scoped3A = tpu.sem_alloc : memref<!tpu.dma_semaphore, #tpu.memory_space<semaphore_mem>>
      %dma_start3A_56 = arith.constant 0 : i32
      %dma_start3A_57 = tpu.memref_slice %arg4[%add3A_21, %dma_start3A_56] : memref<64x100000xf32, #tpu.memory_space<hbm>> -> memref<1x100000xf32, #tpu.memory_space<hbm>>
      %dma_start3A_58 = tpu.memref_squeeze %dma_start3A_57 : memref<1x100000xf32, #tpu.memory_space<hbm>> -> memref<100000xf32, #tpu.memory_space<hbm>>
      %dma_start3A_59 = arith.constant 0 : i32
      %dma_start3A_60 = tpu.memref_slice %arg4[%add3A_21, %dma_start3A_59] : memref<64x100000xf32, #tpu.memory_space<hbm>> -> memref<1x100000xf32, #tpu.memory_space<hbm>>
      %dma_start3A_61 = tpu.memref_squeeze %dma_start3A_60 : memref<1x100000xf32, #tpu.memory_space<hbm>> -> memref<100000xf32, #tpu.memory_space<hbm>>
      tpu.enqueue_dma source(%dma_start3A_61 : memref<100000xf32, #tpu.memory_space<hbm>>) target(%arg6 : memref<100000xf32, #tpu.memory_space<vmem>>) target_semaphore(%run_scoped3A : memref<!tpu.dma_semaphore, #tpu.memory_space<semaphore_mem>>)
      %dma_wait3A_62 = arith.constant 0 : i32
      %dma_wait3A_63 = tpu.memref_slice %arg4[%add3A_21, %dma_wait3A_62] : memref<64x100000xf32, #tpu.memory_space<hbm>> -> memref<1x100000xf32, #tpu.memory_space<hbm>>
      %dma_wait3A_64 = tpu.memref_squeeze %dma_wait3A_63 : memref<1x100000xf32, #tpu.memory_space<hbm>> -> memref<100000xf32, #tpu.memory_space<hbm>>
      %dma_wait3A_65 = arith.constant 0 : i32
      %dma_wait3A_66 = tpu.memref_slice %arg4[%add3A_21, %dma_wait3A_65] : memref<64x100000xf32, #tpu.memory_space<hbm>> -> memref<1x100000xf32, #tpu.memory_space<hbm>>
      %dma_wait3A_67 = tpu.memref_squeeze %dma_wait3A_66 : memref<1x100000xf32, #tpu.memory_space<hbm>> -> memref<100000xf32, #tpu.memory_space<hbm>>
      tpu.wait_dma2 semaphore(%run_scoped3A : memref<!tpu.dma_semaphore, #tpu.memory_space<semaphore_mem>>) src(%dma_wait3A_67 : memref<100000xf32, #tpu.memory_space<hbm>>) dst(%arg6 : memref<100000xf32, #tpu.memory_space<vmem>>)
      tpu.yield
    }) : () -> ()
    "tpu.region"() ({
      %run_scoped3A = tpu.sem_alloc : memref<!tpu.dma_semaphore, #tpu.memory_space<semaphore_mem>>
      %dma_start3A_56 = arith.constant 0 : i32
      %dma_start3A_57 = tpu.memref_slice %arg3[%add3A_21, %dma_start3A_56] : memref<64x200xf32, #tpu.memory_space<hbm>> -> memref<1x200xf32, #tpu.memory_space<hbm>>
      %dma_start3A_58 = tpu.memref_squeeze %dma_start3A_57 : memref<1x200xf32, #tpu.memory_space<hbm>> -> memref<200xf32, #tpu.memory_space<hbm>>
      %dma_start3A_59 = arith.constant 0 : i32
      %dma_start3A_60 = tpu.memref_slice %arg3[%add3A_21, %dma_start3A_59] : memref<64x200xf32, #tpu.memory_space<hbm>> -> memref<1x200xf32, #tpu.memory_space<hbm>>
      %dma_start3A_61 = tpu.memref_squeeze %dma_start3A_60 : memref<1x200xf32, #tpu.memory_space<hbm>> -> memref<200xf32, #tpu.memory_space<hbm>>
      tpu.enqueue_dma source(%dma_start3A_61 : memref<200xf32, #tpu.memory_space<hbm>>) target(%arg7 : memref<200xf32, #tpu.memory_space<vmem>>) target_semaphore(%run_scoped3A : memref<!tpu.dma_semaphore, #tpu.memory_space<semaphore_mem>>)
      %dma_wait3A_62 = arith.constant 0 : i32
      %dma_wait3A_63 = tpu.memref_slice %arg3[%add3A_21, %dma_wait3A_62] : memref<64x200xf32, #tpu.memory_space<hbm>> -> memref<1x200xf32, #tpu.memory_space<hbm>>
      %dma_wait3A_64 = tpu.memref_squeeze %dma_wait3A_63 : memref<1x200xf32, #tpu.memory_space<hbm>> -> memref<200xf32, #tpu.memory_space<hbm>>
      %dma_wait3A_65 = arith.constant 0 : i32
      %dma_wait3A_66 = tpu.memref_slice %arg3[%add3A_21, %dma_wait3A_65] : memref<64x200xf32, #tpu.memory_space<hbm>> -> memref<1x200xf32, #tpu.memory_space<hbm>>
      %dma_wait3A_67 = tpu.memref_squeeze %dma_wait3A_66 : memref<1x200xf32, #tpu.memory_space<hbm>> -> memref<200xf32, #tpu.memory_space<hbm>>
      tpu.wait_dma2 semaphore(%run_scoped3A : memref<!tpu.dma_semaphore, #tpu.memory_space<semaphore_mem>>) src(%dma_wait3A_67 : memref<200xf32, #tpu.memory_space<hbm>>) dst(%arg7 : memref<200xf32, #tpu.memory_space<vmem>>)
      tpu.yield
    }) : () -> ()
    %dma_start3A_22 = arith.constant 0 : i32
    %dma_start3A_23 = arith.constant 0 : i32
    %dma_start3A_24 = tpu.memref_slice %arg8[%dma_start3A_22, %dma_start3A_23] : memref<200x1024xi32, #tpu.memory_space<vmem_shared>> -> memref<4x1024xi32, #tpu.memory_space<vmem_shared>>
    %dma_start3A_25 = arith.constant 0 : i32
    %dma_start3A_26 = arith.constant 0 : i32
    %dma_start3A_27 = tpu.memref_slice %arg8[%dma_start3A_25, %dma_start3A_26] : memref<200x1024xi32, #tpu.memory_space<vmem_shared>> -> memref<4x1024xi32, #tpu.memory_space<vmem_shared>>
    tpu.enqueue_dma source(%dma_start3A_27 : memref<4x1024xi32, #tpu.memory_space<vmem_shared>>) target(%arg9 : memref<4x1024xi32, #tpu.memory_space<vmem>>) target_semaphore(%arg13 : memref<!tpu.dma_semaphore, #tpu.memory_space<semaphore_mem>>)
    %dma_start3A_28 = arith.constant 4 : i32
    %dma_start3A_29 = arith.constant 0 : i32
    %dma_start3A_30 = tpu.memref_slice %arg8[%dma_start3A_28, %dma_start3A_29] : memref<200x1024xi32, #tpu.memory_space<vmem_shared>> -> memref<4x1024xi32, #tpu.memory_space<vmem_shared>>
    %dma_start3A_31 = arith.constant 4 : i32
    %dma_start3A_32 = arith.constant 0 : i32
    %dma_start3A_33 = tpu.memref_slice %arg8[%dma_start3A_31, %dma_start3A_32] : memref<200x1024xi32, #tpu.memory_space<vmem_shared>> -> memref<4x1024xi32, #tpu.memory_space<vmem_shared>>
    tpu.enqueue_dma source(%dma_start3A_33 : memref<4x1024xi32, #tpu.memory_space<vmem_shared>>) target(%arg10 : memref<4x1024xi32, #tpu.memory_space<vmem>>) target_semaphore(%arg14 : memref<!tpu.dma_semaphore, #tpu.memory_space<semaphore_mem>>)
    %scan3A_34 = arith.constant 0 : i32
    %scan3A_35 = arith.constant 25 : i32
    %scan3A_36 = arith.addi %scan3A_34, %scan3A_35 : i32
    %scan3A_37 = arith.constant 1 : i32
    scf.for %scan3A_56 = %scan3A_34 to %scan3A_36 step %scan3A_37  : i32 {
      %mul3A_57 = arith.constant 2 : i32
      %mul3A_58 = arith.muli %scan3A_56, %mul3A_57 : i32
      %add3A_59 = arith.constant 0 : i32
      %add3A_60 = arith.addi %add3A_59, %mul3A_58 : i32
      %add3A_61 = arith.constant 0 : i32
      %add3A_62 = arith.addi %add3A_60, %add3A_61 : i32
      %mul3A_63 = arith.constant 4 : i32
      %mul3A_64 = arith.muli %add3A_62, %mul3A_63 : i32
      %dma_wait3A_65 = arith.constant 0 : i32
      %dma_wait3A_66 = tpu.memref_slice %arg8[%mul3A_64, %dma_wait3A_65] : memref<200x1024xi32, #tpu.memory_space<vmem_shared>> -> memref<4x1024xi32, #tpu.memory_space<vmem_shared>>
      %dma_wait3A_67 = arith.constant 0 : i32
      %dma_wait3A_68 = tpu.memref_slice %arg8[%mul3A_64, %dma_wait3A_67] : memref<200x1024xi32, #tpu.memory_space<vmem_shared>> -> memref<4x1024xi32, #tpu.memory_space<vmem_shared>>
      tpu.wait_dma2 semaphore(%arg13 : memref<!tpu.dma_semaphore, #tpu.memory_space<semaphore_mem>>) src(%dma_wait3A_68 : memref<4x1024xi32, #tpu.memory_space<vmem_shared>>) dst(%arg9 : memref<4x1024xi32, #tpu.memory_space<vmem>>)
      %dma_wait3A_69 = arith.constant 0 : i32
      %dma_wait3A_70 = arith.constant 0 : i32
      %dma_wait3A_71 = arith.constant 0 : i32
      %dma_wait3A_72 = tpu.memref_slice %arg5[%dma_wait3A_70, %dma_wait3A_69, %dma_wait3A_71] : memref<200x64x1024xf32, #tpu.memory_space<hbm>> -> memref<4x1x1024xf32, #tpu.memory_space<hbm>>
      %dma_wait3A_73 = tpu.memref_squeeze %dma_wait3A_72 : memref<4x1x1024xf32, #tpu.memory_space<hbm>> -> memref<4x1024xf32, #tpu.memory_space<hbm>>
      %dma_wait3A_74 = arith.constant 0 : i32
      %dma_wait3A_75 = arith.constant 0 : i32
      %dma_wait3A_76 = tpu.memref_slice %arg5[%dma_wait3A_74, %dma_wait3A_69, %dma_wait3A_75] : memref<200x64x1024xf32, #tpu.memory_space<hbm>> -> memref<4x1x1024xf32, #tpu.memory_space<hbm>>
      %dma_wait3A_77 = tpu.memref_squeeze %dma_wait3A_76 : memref<4x1x1024xf32, #tpu.memory_space<hbm>> -> memref<4x1024xf32, #tpu.memory_space<hbm>>
      tpu.wait_dma2 semaphore(%arg15 : memref<!tpu.dma_semaphore, #tpu.memory_space<semaphore_mem>>) src(%arg11 : memref<4x1024xf32, #tpu.memory_space<vmem>>) dst(%dma_wait3A_77 : memref<4x1024xf32, #tpu.memory_space<hbm>>)
      %mul3A_78 = arith.constant 4 : i32
      %mul3A_79 = arith.muli %add3A_62, %mul3A_78 : i32
      %add3A_80 = arith.constant 0 : i32
      %add3A_81 = arith.addi %mul3A_79, %add3A_80 : i32
      %broadcast_in_dim3A = vector.broadcast %add3A_81 : i32 to vector<16xi32>
      %gather3A = tpu.vector_load_idx %arg7[%broadcast_in_dim3A] : memref<200xf32, #tpu.memory_space<vmem>>[vector<16xi32>], vector<16xf32>,
      %parallel_loop3A = arith.constant 0 : i32
      %parallel_loop3A_82 = arith.constant 64 : i32
      %parallel_loop3A_83 = arith.constant 1 : i32
      scf.for %parallel_loop3A_193 = %parallel_loop3A to %parallel_loop3A_82 step %parallel_loop3A_83  : i32 {
        %parallel_loop3A_194 = arith.constant 16 : i32
        %parallel_loop3A_195 = arith.muli %parallel_loop3A_193, %parallel_loop3A_194 : i32
        %parallel_loop3A_196 = arith.constant 0 : i32
        %parallel_loop3A_197 = arith.index_cast %parallel_loop3A_196 : i32 to index
        %parallel_loop3A_198 = arith.index_cast %parallel_loop3A_195 : i32 to index
        %parallel_loop3A_199 = tpu.vector_load %arg9[%parallel_loop3A_197, %parallel_loop3A_198] {strides = array<i32>} : memref<4x1024xi32, #tpu.memory_space<vmem>>, vector<16xi32>,
        %parallel_loop3A_200 = tpu.vector_load_idx %arg6[%parallel_loop3A_199] : memref<100000xf32, #tpu.memory_space<vmem>>[vector<16xi32>], vector<16xf32>,
        %parallel_loop3A_201 = arith.constant 8.000000e+00 : f32
        %parallel_loop3A_202 = vector.broadcast %parallel_loop3A_201 : f32 to vector<16xf32>
        %parallel_loop3A_203 = arith.mulf %parallel_loop3A_200, %parallel_loop3A_202 : vector<16xf32>
        %parallel_loop3A_204 = arith.addf %parallel_loop3A_203, %gather3A : vector<16xf32>
        %parallel_loop3A_205 = arith.constant 0 : i32
        %parallel_loop3A_206 = arith.index_cast %parallel_loop3A_205 : i32 to index
        %parallel_loop3A_207 = arith.index_cast %parallel_loop3A_195 : i32 to index
        %parallel_loop3A_208 = tpu.vector_load %arg11[%parallel_loop3A_206, %parallel_loop3A_207] {strides = array<i32>} : memref<4x1024xf32, #tpu.memory_space<vmem>>, vector<16xf32>,
        tpu.vector_store %arg11[%parallel_loop3A_206, %parallel_loop3A_207], %parallel_loop3A_204 {strides = array<i32>} : memref<4x1024xf32, #tpu.memory_space<vmem>>, vector<16xf32>,
      } {sc.loop_unroll_factor = 16 : i64, sc.parallel_access}
      %mul3A_84 = arith.constant 4 : i32
      %mul3A_85 = arith.muli %add3A_62, %mul3A_84 : i32
      %add3A_86 = arith.constant 1 : i32
      %add3A_87 = arith.addi %mul3A_85, %add3A_86 : i32
      %broadcast_in_dim3A_88 = vector.broadcast %add3A_87 : i32 to vector<16xi32>
      %gather3A_89 = tpu.vector_load_idx %arg7[%broadcast_in_dim3A_88] : memref<200xf32, #tpu.memory_space<vmem>>[vector<16xi32>], vector<16xf32>,
      %parallel_loop3A_90 = arith.constant 0 : i32
      %parallel_loop3A_91 = arith.constant 64 : i32
      %parallel_loop3A_92 = arith.constant 1 : i32
      scf.for %parallel_loop3A_193 = %parallel_loop3A_90 to %parallel_loop3A_91 step %parallel_loop3A_92  : i32 {
        %parallel_loop3A_194 = arith.constant 16 : i32
        %parallel_loop3A_195 = arith.muli %parallel_loop3A_193, %parallel_loop3A_194 : i32
        %parallel_loop3A_196 = arith.constant 1 : i32
        %parallel_loop3A_197 = arith.index_cast %parallel_loop3A_196 : i32 to index
        %parallel_loop3A_198 = arith.index_cast %parallel_loop3A_195 : i32 to index
        %parallel_loop3A_199 = tpu.vector_load %arg9[%parallel_loop3A_197, %parallel_loop3A_198] {strides = array<i32>} : memref<4x1024xi32, #tpu.memory_space<vmem>>, vector<16xi32>,
        %parallel_loop3A_200 = tpu.vector_load_idx %arg6[%parallel_loop3A_199] : memref<100000xf32, #tpu.memory_space<vmem>>[vector<16xi32>], vector<16xf32>,
        %parallel_loop3A_201 = arith.constant 8.000000e+00 : f32
        %parallel_loop3A_202 = vector.broadcast %parallel_loop3A_201 : f32 to vector<16xf32>
        %parallel_loop3A_203 = arith.mulf %parallel_loop3A_200, %parallel_loop3A_202 : vector<16xf32>
        %parallel_loop3A_204 = arith.addf %parallel_loop3A_203, %gather3A_89 : vector<16xf32>
        %parallel_loop3A_205 = arith.constant 1 : i32
        %parallel_loop3A_206 = arith.index_cast %parallel_loop3A_205 : i32 to index
        %parallel_loop3A_207 = arith.index_cast %parallel_loop3A_195 : i32 to index
        %parallel_loop3A_208 = tpu.vector_load %arg11[%parallel_loop3A_206, %parallel_loop3A_207] {strides = array<i32>} : memref<4x1024xf32, #tpu.memory_space<vmem>>, vector<16xf32>,
        tpu.vector_store %arg11[%parallel_loop3A_206, %parallel_loop3A_207], %parallel_loop3A_204 {strides = array<i32>} : memref<4x1024xf32, #tpu.memory_space<vmem>>, vector<16xf32>,
      } {sc.loop_unroll_factor = 16 : i64, sc.parallel_access}
      %mul3A_93 = arith.constant 4 : i32
      %mul3A_94 = arith.muli %add3A_62, %mul3A_93 : i32
      %add3A_95 = arith.constant 2 : i32
      %add3A_96 = arith.addi %mul3A_94, %add3A_95 : i32
      %broadcast_in_dim3A_97 = vector.broadcast %add3A_96 : i32 to vector<16xi32>
      %gather3A_98 = tpu.vector_load_idx %arg7[%broadcast_in_dim3A_97] : memref<200xf32, #tpu.memory_space<vmem>>[vector<16xi32>], vector<16xf32>,
      %parallel_loop3A_99 = arith.constant 0 : i32
      %parallel_loop3A_100 = arith.constant 64 : i32
      %parallel_loop3A_101 = arith.constant 1 : i32
      scf.for %parallel_loop3A_193 = %parallel_loop3A_99 to %parallel_loop3A_100 step %parallel_loop3A_101  : i32 {
        %parallel_loop3A_194 = arith.constant 16 : i32
        %parallel_loop3A_195 = arith.muli %parallel_loop3A_193, %parallel_loop3A_194 : i32
        %parallel_loop3A_196 = arith.constant 2 : i32
        %parallel_loop3A_197 = arith.index_cast %parallel_loop3A_196 : i32 to index
        %parallel_loop3A_198 = arith.index_cast %parallel_loop3A_195 : i32 to index
        %parallel_loop3A_199 = tpu.vector_load %arg9[%parallel_loop3A_197, %parallel_loop3A_198] {strides = array<i32>} : memref<4x1024xi32, #tpu.memory_space<vmem>>, vector<16xi32>,
        %parallel_loop3A_200 = tpu.vector_load_idx %arg6[%parallel_loop3A_199] : memref<100000xf32, #tpu.memory_space<vmem>>[vector<16xi32>], vector<16xf32>,
        %parallel_loop3A_201 = arith.constant 8.000000e+00 : f32
        %parallel_loop3A_202 = vector.broadcast %parallel_loop3A_201 : f32 to vector<16xf32>
        %parallel_loop3A_203 = arith.mulf %parallel_loop3A_200, %parallel_loop3A_202 : vector<16xf32>
        %parallel_loop3A_204 = arith.addf %parallel_loop3A_203, %gather3A_98 : vector<16xf32>
        %parallel_loop3A_205 = arith.constant 2 : i32
        %parallel_loop3A_206 = arith.index_cast %parallel_loop3A_205 : i32 to index
        %parallel_loop3A_207 = arith.index_cast %parallel_loop3A_195 : i32 to index
        %parallel_loop3A_208 = tpu.vector_load %arg11[%parallel_loop3A_206, %parallel_loop3A_207] {strides = array<i32>} : memref<4x1024xf32, #tpu.memory_space<vmem>>, vector<16xf32>,
        tpu.vector_store %arg11[%parallel_loop3A_206, %parallel_loop3A_207], %parallel_loop3A_204 {strides = array<i32>} : memref<4x1024xf32, #tpu.memory_space<vmem>>, vector<16xf32>,
      } {sc.loop_unroll_factor = 16 : i64, sc.parallel_access}
      %mul3A_102 = arith.constant 4 : i32
      %mul3A_103 = arith.muli %add3A_62, %mul3A_102 : i32
      %add3A_104 = arith.constant 3 : i32
      %add3A_105 = arith.addi %mul3A_103, %add3A_104 : i32
      %broadcast_in_dim3A_106 = vector.broadcast %add3A_105 : i32 to vector<16xi32>
      %gather3A_107 = tpu.vector_load_idx %arg7[%broadcast_in_dim3A_106] : memref<200xf32, #tpu.memory_space<vmem>>[vector<16xi32>], vector<16xf32>,
      %parallel_loop3A_108 = arith.constant 0 : i32
      %parallel_loop3A_109 = arith.constant 64 : i32
      %parallel_loop3A_110 = arith.constant 1 : i32
      scf.for %parallel_loop3A_193 = %parallel_loop3A_108 to %parallel_loop3A_109 step %parallel_loop3A_110  : i32 {
        %parallel_loop3A_194 = arith.constant 16 : i32
        %parallel_loop3A_195 = arith.muli %parallel_loop3A_193, %parallel_loop3A_194 : i32
        %parallel_loop3A_196 = arith.constant 3 : i32
        %parallel_loop3A_197 = arith.index_cast %parallel_loop3A_196 : i32 to index
        %parallel_loop3A_198 = arith.index_cast %parallel_loop3A_195 : i32 to index
        %parallel_loop3A_199 = tpu.vector_load %arg9[%parallel_loop3A_197, %parallel_loop3A_198] {strides = array<i32>} : memref<4x1024xi32, #tpu.memory_space<vmem>>, vector<16xi32>,
        %parallel_loop3A_200 = tpu.vector_load_idx %arg6[%parallel_loop3A_199] : memref<100000xf32, #tpu.memory_space<vmem>>[vector<16xi32>], vector<16xf32>,
        %parallel_loop3A_201 = arith.constant 8.000000e+00 : f32
        %parallel_loop3A_202 = vector.broadcast %parallel_loop3A_201 : f32 to vector<16xf32>
        %parallel_loop3A_203 = arith.mulf %parallel_loop3A_200, %parallel_loop3A_202 : vector<16xf32>
        %parallel_loop3A_204 = arith.addf %parallel_loop3A_203, %gather3A_107 : vector<16xf32>
        %parallel_loop3A_205 = arith.constant 3 : i32
        %parallel_loop3A_206 = arith.index_cast %parallel_loop3A_205 : i32 to index
        %parallel_loop3A_207 = arith.index_cast %parallel_loop3A_195 : i32 to index
        %parallel_loop3A_208 = tpu.vector_load %arg11[%parallel_loop3A_206, %parallel_loop3A_207] {strides = array<i32>} : memref<4x1024xf32, #tpu.memory_space<vmem>>, vector<16xf32>,
        tpu.vector_store %arg11[%parallel_loop3A_206, %parallel_loop3A_207], %parallel_loop3A_204 {strides = array<i32>} : memref<4x1024xf32, #tpu.memory_space<vmem>>, vector<16xf32>,
      } {sc.loop_unroll_factor = 16 : i64, sc.parallel_access}
      %mul3A_111 = arith.constant 4 : i32
      %mul3A_112 = arith.muli %add3A_62, %mul3A_111 : i32
      %dma_start3A_113 = arith.constant 0 : i32
      %dma_start3A_114 = tpu.memref_slice %arg5[%mul3A_112, %add3A_21, %dma_start3A_113] : memref<200x64x1024xf32, #tpu.memory_space<hbm>> -> memref<4x1x1024xf32, #tpu.memory_space<hbm>>
      %dma_start3A_115 = tpu.memref_squeeze %dma_start3A_114 : memref<4x1x1024xf32, #tpu.memory_space<hbm>> -> memref<4x1024xf32, #tpu.memory_space<hbm>>
      %dma_start3A_116 = arith.constant 0 : i32
      %dma_start3A_117 = tpu.memref_slice %arg5[%mul3A_112, %add3A_21, %dma_start3A_116] : memref<200x64x1024xf32, #tpu.memory_space<hbm>> -> memref<4x1x1024xf32, #tpu.memory_space<hbm>>
      %dma_start3A_118 = tpu.memref_squeeze %dma_start3A_117 : memref<4x1x1024xf32, #tpu.memory_space<hbm>> -> memref<4x1024xf32, #tpu.memory_space<hbm>>
      tpu.enqueue_dma source(%arg11 : memref<4x1024xf32, #tpu.memory_space<vmem>>) target(%dma_start3A_118 : memref<4x1024xf32, #tpu.memory_space<hbm>>) target_semaphore(%arg15 : memref<!tpu.dma_semaphore, #tpu.memory_space<semaphore_mem>>)
      %add3A_119 = arith.constant 2 : i32
      %add3A_120 = arith.addi %add3A_62, %add3A_119 : i32
      %lt3A = arith.constant 50 : i32
      %lt3A_121 = arith.cmpi slt, %add3A_120, %lt3A : i32
      %convert_element_type3A_122 = arith.extui %lt3A_121 : i1 to i32
      %cond3A_123 = arith.constant 0 : i32
      %cond3A_124 = arith.cmpi ne, %convert_element_type3A_122, %cond3A_123 : i32
      scf.if %cond3A_124 {
        %add3A_193 = arith.constant 2 : i32
        %add3A_194 = arith.addi %add3A_62, %add3A_193 : i32
        %mul3A_195 = arith.constant 4 : i32
        %mul3A_196 = arith.muli %add3A_194, %mul3A_195 : i32
        %dma_start3A_197 = arith.constant 0 : i32
        %dma_start3A_198 = tpu.memref_slice %arg8[%mul3A_196, %dma_start3A_197] : memref<200x1024xi32, #tpu.memory_space<vmem_shared>> -> memref<4x1024xi32, #tpu.memory_space<vmem_shared>>
        %dma_start3A_199 = arith.constant 0 : i32
        %dma_start3A_200 = tpu.memref_slice %arg8[%mul3A_196, %dma_start3A_199] : memref<200x1024xi32, #tpu.memory_space<vmem_shared>> -> memref<4x1024xi32, #tpu.memory_space<vmem_shared>>
        tpu.enqueue_dma source(%dma_start3A_200 : memref<4x1024xi32, #tpu.memory_space<vmem_shared>>) target(%arg9 : memref<4x1024xi32, #tpu.memory_space<vmem>>) target_semaphore(%arg13 : memref<!tpu.dma_semaphore, #tpu.memory_space<semaphore_mem>>)
      } else {
      }
      %add3A_125 = arith.constant 1 : i32
      %add3A_126 = arith.addi %add3A_60, %add3A_125 : i32
      %mul3A_127 = arith.constant 4 : i32
      %mul3A_128 = arith.muli %add3A_126, %mul3A_127 : i32
      %dma_wait3A_129 = arith.constant 0 : i32
      %dma_wait3A_130 = tpu.memref_slice %arg8[%mul3A_128, %dma_wait3A_129] : memref<200x1024xi32, #tpu.memory_space<vmem_shared>> -> memref<4x1024xi32, #tpu.memory_space<vmem_shared>>
      %dma_wait3A_131 = arith.constant 0 : i32
      %dma_wait3A_132 = tpu.memref_slice %arg8[%mul3A_128, %dma_wait3A_131] : memref<200x1024xi32, #tpu.memory_space<vmem_shared>> -> memref<4x1024xi32, #tpu.memory_space<vmem_shared>>
      tpu.wait_dma2 semaphore(%arg14 : memref<!tpu.dma_semaphore, #tpu.memory_space<semaphore_mem>>) src(%dma_wait3A_132 : memref<4x1024xi32, #tpu.memory_space<vmem_shared>>) dst(%arg10 : memref<4x1024xi32, #tpu.memory_space<vmem>>)
      %dma_wait3A_133 = arith.constant 0 : i32
      %dma_wait3A_134 = arith.constant 0 : i32
      %dma_wait3A_135 = arith.constant 0 : i32
      %dma_wait3A_136 = tpu.memref_slice %arg5[%dma_wait3A_134, %dma_wait3A_133, %dma_wait3A_135] : memref<200x64x1024xf32, #tpu.memory_space<hbm>> -> memref<4x1x1024xf32, #tpu.memory_space<hbm>>
      %dma_wait3A_137 = tpu.memref_squeeze %dma_wait3A_136 : memref<4x1x1024xf32, #tpu.memory_space<hbm>> -> memref<4x1024xf32, #tpu.memory_space<hbm>>
      %dma_wait3A_138 = arith.constant 0 : i32
      %dma_wait3A_139 = arith.constant 0 : i32
      %dma_wait3A_140 = tpu.memref_slice %arg5[%dma_wait3A_138, %dma_wait3A_133, %dma_wait3A_139] : memref<200x64x1024xf32, #tpu.memory_space<hbm>> -> memref<4x1x1024xf32, #tpu.memory_space<hbm>>
      %dma_wait3A_141 = tpu.memref_squeeze %dma_wait3A_140 : memref<4x1x1024xf32, #tpu.memory_space<hbm>> -> memref<4x1024xf32, #tpu.memory_space<hbm>>
      tpu.wait_dma2 semaphore(%arg16 : memref<!tpu.dma_semaphore, #tpu.memory_space<semaphore_mem>>) src(%arg12 : memref<4x1024xf32, #tpu.memory_space<vmem>>) dst(%dma_wait3A_141 : memref<4x1024xf32, #tpu.memory_space<hbm>>)
      %mul3A_142 = arith.constant 4 : i32
      %mul3A_143 = arith.muli %add3A_126, %mul3A_142 : i32
      %add3A_144 = arith.constant 0 : i32
      %add3A_145 = arith.addi %mul3A_143, %add3A_144 : i32
      %broadcast_in_dim3A_146 = vector.broadcast %add3A_145 : i32 to vector<16xi32>
      %gather3A_147 = tpu.vector_load_idx %arg7[%broadcast_in_dim3A_146] : memref<200xf32, #tpu.memory_space<vmem>>[vector<16xi32>], vector<16xf32>,
      %parallel_loop3A_148 = arith.constant 0 : i32
      %parallel_loop3A_149 = arith.constant 64 : i32
      %parallel_loop3A_150 = arith.constant 1 : i32
      scf.for %parallel_loop3A_193 = %parallel_loop3A_148 to %parallel_loop3A_149 step %parallel_loop3A_150  : i32 {
        %parallel_loop3A_194 = arith.constant 16 : i32
        %parallel_loop3A_195 = arith.muli %parallel_loop3A_193, %parallel_loop3A_194 : i32
        %parallel_loop3A_196 = arith.constant 0 : i32
        %parallel_loop3A_197 = arith.index_cast %parallel_loop3A_196 : i32 to index
        %parallel_loop3A_198 = arith.index_cast %parallel_loop3A_195 : i32 to index
        %parallel_loop3A_199 = tpu.vector_load %arg10[%parallel_loop3A_197, %parallel_loop3A_198] {strides = array<i32>} : memref<4x1024xi32, #tpu.memory_space<vmem>>, vector<16xi32>,
        %parallel_loop3A_200 = tpu.vector_load_idx %arg6[%parallel_loop3A_199] : memref<100000xf32, #tpu.memory_space<vmem>>[vector<16xi32>], vector<16xf32>,
        %parallel_loop3A_201 = arith.constant 8.000000e+00 : f32
        %parallel_loop3A_202 = vector.broadcast %parallel_loop3A_201 : f32 to vector<16xf32>
        %parallel_loop3A_203 = arith.mulf %parallel_loop3A_200, %parallel_loop3A_202 : vector<16xf32>
        %parallel_loop3A_204 = arith.addf %parallel_loop3A_203, %gather3A_147 : vector<16xf32>
        %parallel_loop3A_205 = arith.constant 0 : i32
        %parallel_loop3A_206 = arith.index_cast %parallel_loop3A_205 : i32 to index
        %parallel_loop3A_207 = arith.index_cast %parallel_loop3A_195 : i32 to index
        %parallel_loop3A_208 = tpu.vector_load %arg12[%parallel_loop3A_206, %parallel_loop3A_207] {strides = array<i32>} : memref<4x1024xf32, #tpu.memory_space<vmem>>, vector<16xf32>,
        tpu.vector_store %arg12[%parallel_loop3A_206, %parallel_loop3A_207], %parallel_loop3A_204 {strides = array<i32>} : memref<4x1024xf32, #tpu.memory_space<vmem>>, vector<16xf32>,
      } {sc.loop_unroll_factor = 16 : i64, sc.parallel_access}
      %mul3A_151 = arith.constant 4 : i32
      %mul3A_152 = arith.muli %add3A_126, %mul3A_151 : i32
      %add3A_153 = arith.constant 1 : i32
      %add3A_154 = arith.addi %mul3A_152, %add3A_153 : i32
      %broadcast_in_dim3A_155 = vector.broadcast %add3A_154 : i32 to vector<16xi32>
      %gather3A_156 = tpu.vector_load_idx %arg7[%broadcast_in_dim3A_155] : memref<200xf32, #tpu.memory_space<vmem>>[vector<16xi32>], vector<16xf32>,
      %parallel_loop3A_157 = arith.constant 0 : i32
      %parallel_loop3A_158 = arith.constant 64 : i32
      %parallel_loop3A_159 = arith.constant 1 : i32
      scf.for %parallel_loop3A_193 = %parallel_loop3A_157 to %parallel_loop3A_158 step %parallel_loop3A_159  : i32 {
        %parallel_loop3A_194 = arith.constant 16 : i32
        %parallel_loop3A_195 = arith.muli %parallel_loop3A_193, %parallel_loop3A_194 : i32
        %parallel_loop3A_196 = arith.constant 1 : i32
        %parallel_loop3A_197 = arith.index_cast %parallel_loop3A_196 : i32 to index
        %parallel_loop3A_198 = arith.index_cast %parallel_loop3A_195 : i32 to index
        %parallel_loop3A_199 = tpu.vector_load %arg10[%parallel_loop3A_197, %parallel_loop3A_198] {strides = array<i32>} : memref<4x1024xi32, #tpu.memory_space<vmem>>, vector<16xi32>,
        %parallel_loop3A_200 = tpu.vector_load_idx %arg6[%parallel_loop3A_199] : memref<100000xf32, #tpu.memory_space<vmem>>[vector<16xi32>], vector<16xf32>,
        %parallel_loop3A_201 = arith.constant 8.000000e+00 : f32
        %parallel_loop3A_202 = vector.broadcast %parallel_loop3A_201 : f32 to vector<16xf32>
        %parallel_loop3A_203 = arith.mulf %parallel_loop3A_200, %parallel_loop3A_202 : vector<16xf32>
        %parallel_loop3A_204 = arith.addf %parallel_loop3A_203, %gather3A_156 : vector<16xf32>
        %parallel_loop3A_205 = arith.constant 1 : i32
        %parallel_loop3A_206 = arith.index_cast %parallel_loop3A_205 : i32 to index
        %parallel_loop3A_207 = arith.index_cast %parallel_loop3A_195 : i32 to index
        %parallel_loop3A_208 = tpu.vector_load %arg12[%parallel_loop3A_206, %parallel_loop3A_207] {strides = array<i32>} : memref<4x1024xf32, #tpu.memory_space<vmem>>, vector<16xf32>,
        tpu.vector_store %arg12[%parallel_loop3A_206, %parallel_loop3A_207], %parallel_loop3A_204 {strides = array<i32>} : memref<4x1024xf32, #tpu.memory_space<vmem>>, vector<16xf32>,
      } {sc.loop_unroll_factor = 16 : i64, sc.parallel_access}
      %mul3A_160 = arith.constant 4 : i32
      %mul3A_161 = arith.muli %add3A_126, %mul3A_160 : i32
      %add3A_162 = arith.constant 2 : i32
      %add3A_163 = arith.addi %mul3A_161, %add3A_162 : i32
      %broadcast_in_dim3A_164 = vector.broadcast %add3A_163 : i32 to vector<16xi32>
      %gather3A_165 = tpu.vector_load_idx %arg7[%broadcast_in_dim3A_164] : memref<200xf32, #tpu.memory_space<vmem>>[vector<16xi32>], vector<16xf32>,
      %parallel_loop3A_166 = arith.constant 0 : i32
      %parallel_loop3A_167 = arith.constant 64 : i32
      %parallel_loop3A_168 = arith.constant 1 : i32
      scf.for %parallel_loop3A_193 = %parallel_loop3A_166 to %parallel_loop3A_167 step %parallel_loop3A_168  : i32 {
        %parallel_loop3A_194 = arith.constant 16 : i32
        %parallel_loop3A_195 = arith.muli %parallel_loop3A_193, %parallel_loop3A_194 : i32
        %parallel_loop3A_196 = arith.constant 2 : i32
        %parallel_loop3A_197 = arith.index_cast %parallel_loop3A_196 : i32 to index
        %parallel_loop3A_198 = arith.index_cast %parallel_loop3A_195 : i32 to index
        %parallel_loop3A_199 = tpu.vector_load %arg10[%parallel_loop3A_197, %parallel_loop3A_198] {strides = array<i32>} : memref<4x1024xi32, #tpu.memory_space<vmem>>, vector<16xi32>,
        %parallel_loop3A_200 = tpu.vector_load_idx %arg6[%parallel_loop3A_199] : memref<100000xf32, #tpu.memory_space<vmem>>[vector<16xi32>], vector<16xf32>,
        %parallel_loop3A_201 = arith.constant 8.000000e+00 : f32
        %parallel_loop3A_202 = vector.broadcast %parallel_loop3A_201 : f32 to vector<16xf32>
        %parallel_loop3A_203 = arith.mulf %parallel_loop3A_200, %parallel_loop3A_202 : vector<16xf32>
        %parallel_loop3A_204 = arith.addf %parallel_loop3A_203, %gather3A_165 : vector<16xf32>
        %parallel_loop3A_205 = arith.constant 2 : i32
        %parallel_loop3A_206 = arith.index_cast %parallel_loop3A_205 : i32 to index
        %parallel_loop3A_207 = arith.index_cast %parallel_loop3A_195 : i32 to index
        %parallel_loop3A_208 = tpu.vector_load %arg12[%parallel_loop3A_206, %parallel_loop3A_207] {strides = array<i32>} : memref<4x1024xf32, #tpu.memory_space<vmem>>, vector<16xf32>,
        tpu.vector_store %arg12[%parallel_loop3A_206, %parallel_loop3A_207], %parallel_loop3A_204 {strides = array<i32>} : memref<4x1024xf32, #tpu.memory_space<vmem>>, vector<16xf32>,
      } {sc.loop_unroll_factor = 16 : i64, sc.parallel_access}
      %mul3A_169 = arith.constant 4 : i32
      %mul3A_170 = arith.muli %add3A_126, %mul3A_169 : i32
      %add3A_171 = arith.constant 3 : i32
      %add3A_172 = arith.addi %mul3A_170, %add3A_171 : i32
      %broadcast_in_dim3A_173 = vector.broadcast %add3A_172 : i32 to vector<16xi32>
      %gather3A_174 = tpu.vector_load_idx %arg7[%broadcast_in_dim3A_173] : memref<200xf32, #tpu.memory_space<vmem>>[vector<16xi32>], vector<16xf32>,
      %parallel_loop3A_175 = arith.constant 0 : i32
      %parallel_loop3A_176 = arith.constant 64 : i32
      %parallel_loop3A_177 = arith.constant 1 : i32
      scf.for %parallel_loop3A_193 = %parallel_loop3A_175 to %parallel_loop3A_176 step %parallel_loop3A_177  : i32 {
        %parallel_loop3A_194 = arith.constant 16 : i32
        %parallel_loop3A_195 = arith.muli %parallel_loop3A_193, %parallel_loop3A_194 : i32
        %parallel_loop3A_196 = arith.constant 3 : i32
        %parallel_loop3A_197 = arith.index_cast %parallel_loop3A_196 : i32 to index
        %parallel_loop3A_198 = arith.index_cast %parallel_loop3A_195 : i32 to index
        %parallel_loop3A_199 = tpu.vector_load %arg10[%parallel_loop3A_197, %parallel_loop3A_198] {strides = array<i32>} : memref<4x1024xi32, #tpu.memory_space<vmem>>, vector<16xi32>,
        %parallel_loop3A_200 = tpu.vector_load_idx %arg6[%parallel_loop3A_199] : memref<100000xf32, #tpu.memory_space<vmem>>[vector<16xi32>], vector<16xf32>,
        %parallel_loop3A_201 = arith.constant 8.000000e+00 : f32
        %parallel_loop3A_202 = vector.broadcast %parallel_loop3A_201 : f32 to vector<16xf32>
        %parallel_loop3A_203 = arith.mulf %parallel_loop3A_200, %parallel_loop3A_202 : vector<16xf32>
        %parallel_loop3A_204 = arith.addf %parallel_loop3A_203, %gather3A_174 : vector<16xf32>
        %parallel_loop3A_205 = arith.constant 3 : i32
        %parallel_loop3A_206 = arith.index_cast %parallel_loop3A_205 : i32 to index
        %parallel_loop3A_207 = arith.index_cast %parallel_loop3A_195 : i32 to index
        %parallel_loop3A_208 = tpu.vector_load %arg12[%parallel_loop3A_206, %parallel_loop3A_207] {strides = array<i32>} : memref<4x1024xf32, #tpu.memory_space<vmem>>, vector<16xf32>,
        tpu.vector_store %arg12[%parallel_loop3A_206, %parallel_loop3A_207], %parallel_loop3A_204 {strides = array<i32>} : memref<4x1024xf32, #tpu.memory_space<vmem>>, vector<16xf32>,
      } {sc.loop_unroll_factor = 16 : i64, sc.parallel_access}
      %mul3A_178 = arith.constant 4 : i32
      %mul3A_179 = arith.muli %add3A_126, %mul3A_178 : i32
      %dma_start3A_180 = arith.constant 0 : i32
      %dma_start3A_181 = tpu.memref_slice %arg5[%mul3A_179, %add3A_21, %dma_start3A_180] : memref<200x64x1024xf32, #tpu.memory_space<hbm>> -> memref<4x1x1024xf32, #tpu.memory_space<hbm>>
      %dma_start3A_182 = tpu.memref_squeeze %dma_start3A_181 : memref<4x1x1024xf32, #tpu.memory_space<hbm>> -> memref<4x1024xf32, #tpu.memory_space<hbm>>
      %dma_start3A_183 = arith.constant 0 : i32
      %dma_start3A_184 = tpu.memref_slice %arg5[%mul3A_179, %add3A_21, %dma_start3A_183] : memref<200x64x1024xf32, #tpu.memory_space<hbm>> -> memref<4x1x1024xf32, #tpu.memory_space<hbm>>
      %dma_start3A_185 = tpu.memref_squeeze %dma_start3A_184 : memref<4x1x1024xf32, #tpu.memory_space<hbm>> -> memref<4x1024xf32, #tpu.memory_space<hbm>>
      tpu.enqueue_dma source(%arg12 : memref<4x1024xf32, #tpu.memory_space<vmem>>) target(%dma_start3A_185 : memref<4x1024xf32, #tpu.memory_space<hbm>>) target_semaphore(%arg16 : memref<!tpu.dma_semaphore, #tpu.memory_space<semaphore_mem>>)
      %add3A_186 = arith.constant 2 : i32
      %add3A_187 = arith.addi %add3A_126, %add3A_186 : i32
      %lt3A_188 = arith.constant 50 : i32
      %lt3A_189 = arith.cmpi slt, %add3A_187, %lt3A_188 : i32
      %convert_element_type3A_190 = arith.extui %lt3A_189 : i1 to i32
      %cond3A_191 = arith.constant 0 : i32
      %cond3A_192 = arith.cmpi ne, %convert_element_type3A_190, %cond3A_191 : i32
      scf.if %cond3A_192 {
        %add3A_193 = arith.constant 2 : i32
        %add3A_194 = arith.addi %add3A_126, %add3A_193 : i32
        %mul3A_195 = arith.constant 4 : i32
        %mul3A_196 = arith.muli %add3A_194, %mul3A_195 : i32
        %dma_start3A_197 = arith.constant 0 : i32
        %dma_start3A_198 = tpu.memref_slice %arg8[%mul3A_196, %dma_start3A_197] : memref<200x1024xi32, #tpu.memory_space<vmem_shared>> -> memref<4x1024xi32, #tpu.memory_space<vmem_shared>>
        %dma_start3A_199 = arith.constant 0 : i32
        %dma_start3A_200 = tpu.memref_slice %arg8[%mul3A_196, %dma_start3A_199] : memref<200x1024xi32, #tpu.memory_space<vmem_shared>> -> memref<4x1024xi32, #tpu.memory_space<vmem_shared>>
        tpu.enqueue_dma source(%dma_start3A_200 : memref<4x1024xi32, #tpu.memory_space<vmem_shared>>) target(%arg10 : memref<4x1024xi32, #tpu.memory_space<vmem>>) target_semaphore(%arg14 : memref<!tpu.dma_semaphore, #tpu.memory_space<semaphore_mem>>)
      } else {
      }
    }
    %scan3A_38 = arith.constant 25 : i32
    %dma_wait3A = arith.constant 0 : i32
    %dma_wait3A_39 = arith.constant 0 : i32
    %dma_wait3A_40 = arith.constant 0 : i32
    %dma_wait3A_41 = tpu.memref_slice %arg5[%dma_wait3A_39, %dma_wait3A, %dma_wait3A_40] : memref<200x64x1024xf32, #tpu.memory_space<hbm>> -> memref<4x1x1024xf32, #tpu.memory_space<hbm>>
    %dma_wait3A_42 = tpu.memref_squeeze %dma_wait3A_41 : memref<4x1x1024xf32, #tpu.memory_space<hbm>> -> memref<4x1024xf32, #tpu.memory_space<hbm>>
    %dma_wait3A_43 = arith.constant 0 : i32
    %dma_wait3A_44 = arith.constant 0 : i32
    %dma_wait3A_45 = tpu.memref_slice %arg5[%dma_wait3A_43, %dma_wait3A, %dma_wait3A_44] : memref<200x64x1024xf32, #tpu.memory_space<hbm>> -> memref<4x1x1024xf32, #tpu.memory_space<hbm>>
    %dma_wait3A_46 = tpu.memref_squeeze %dma_wait3A_45 : memref<4x1x1024xf32, #tpu.memory_space<hbm>> -> memref<4x1024xf32, #tpu.memory_space<hbm>>
    tpu.wait_dma2 semaphore(%arg15 : memref<!tpu.dma_semaphore, #tpu.memory_space<semaphore_mem>>) src(%arg11 : memref<4x1024xf32, #tpu.memory_space<vmem>>) dst(%dma_wait3A_46 : memref<4x1024xf32, #tpu.memory_space<hbm>>)
    %dma_wait3A_47 = arith.constant 0 : i32
    %dma_wait3A_48 = arith.constant 0 : i32
    %dma_wait3A_49 = arith.constant 0 : i32
    %dma_wait3A_50 = tpu.memref_slice %arg5[%dma_wait3A_48, %dma_wait3A_47, %dma_wait3A_49] : memref<200x64x1024xf32, #tpu.memory_space<hbm>> -> memref<4x1x1024xf32, #tpu.memory_space<hbm>>
    %dma_wait3A_51 = tpu.memref_squeeze %dma_wait3A_50 : memref<4x1x1024xf32, #tpu.memory_space<hbm>> -> memref<4x1024xf32, #tpu.memory_space<hbm>>
    %dma_wait3A_52 = arith.constant 0 : i32
    %dma_wait3A_53 = arith.constant 0 : i32
    %dma_wait3A_54 = tpu.memref_slice %arg5[%dma_wait3A_52, %dma_wait3A_47, %dma_wait3A_53] : memref<200x64x1024xf32, #tpu.memory_space<hbm>> -> memref<4x1x1024xf32, #tpu.memory_space<hbm>>
    %dma_wait3A_55 = tpu.memref_squeeze %dma_wait3A_54 : memref<4x1x1024xf32, #tpu.memory_space<hbm>> -> memref<4x1024xf32, #tpu.memory_space<hbm>>
    tpu.wait_dma2 semaphore(%arg16 : memref<!tpu.dma_semaphore, #tpu.memory_space<semaphore_mem>>) src(%arg12 : memref<4x1024xf32, #tpu.memory_space<vmem>>) dst(%dma_wait3A_55 : memref<4x1024xf32, #tpu.memory_space<hbm>>)
    return
  }
}

</mosaic_0001>

<sc_bundles>
// kernel: kernel.3.cloned.1.call-start
scs
__scs_entry_jumppad:
0x0: {  	(pc) =	sbr.rel $0x88, $3  }
0x1: {  	(tag) =	ssettag $0x0;
	lr =	simm.s32 $0x1  }
0x2: {  	[smem:$0x3F9F] =	sst lr;
	_ =	strace $0xD0000000  }
0x3: {  	_ = 	snop  }
0x4: {  	_ = 	snop  }
0x5: {  	_ = 	snop  }
0x6: {  	_ = 	snop  }
0x7: {  	_ = 	snop  }
__scs_overlays_trampoline_lowered:
0x8: {  	[smem:$0x3FAE] =	sst s0  }
0x9: {  	[smem:$0x3FAF] =	sst s1  }
0xa: {  	[smem:$0x3FB0] =	sst s2  }
0xb: {  	[smem:$0x3FB1] =	sst s3  }
0xc: {  	[smem:$0x3FB2] =	sst s4  }
0xd: {  	[smem:$0x3FB3] =	sst s5  }
0xe: {  	[smem:$0x3FB4] =	sst s6  }
0xf: {  	[smem:$0x3FB5] =	sst s7  }
0x10: {  	[smem:$0x3FB6] =	sst s8  }
0x11: {  	[smem:$0x3FB7] =	sst s9;
	s0 =	simm.s32 @!p0 $0x0  }
0x12: {  	s1 =	sld [smem:$0x3F9D];
	s0 =	simm.s32 @p0 $0x1  }
0x13: {  	[smem:$0x3FB8] =	sst s0;
	s0 =	simm.s32 @!p1 $0x0  }
0x14: {  	s2 =	sld [smem:$0x3F9C];
	s0 =	simm.s32 @p1 $0x1  }
0x15: {  	[smem:$0x3FB9] =	sst s0;
	s0 =	simm.s32 @!p2 $0x0  }
0x16: {  	s3 =	sld [smem:$0x3FDB];
	s0 =	simm.s32 @p2 $0x1  }
0x17: {  	s4 =	simm.s32 $0x1BF5;
	[smem:$0x3FBB] =	sst s0  }
0x18: {  	s0 =	sld [smem:$0x3F9E];
	_ =	swait.ge [sflag:s4], $0x0  }
0x19: {  	s7 =	sld [smem:$0x3F9F]  }
0x1a: {  	s8 =	sadd.s32 $0xFFFFE003, lr  }
0x1b: {  	s9 =	sadd.s32 $0xFFFFFEF7, lr;
	s5 =	simm.s32 $0xFFFFFFFF;
	p2 =	slt.u32 s8, $0xFFFFF086  }
0x1c: {  	p1 =	slt.u32 s9, $0xF7A;
	s5 =	simm.s32 @!p2 $0x0  }
0x1d: {  	s5 =	simm.s32 @p1 $0x1;
	p0 =	seq.s32 s7, s2  }
0x1e: {  	s7 =	smul.u32 @!p0 $0xF7A, s2;
	p2 =	seq.s32 @!p0 s5, $0x0  }
0x1f: {  	s9 =	smul.u32 $0xF7A, s1;
	s8 =	simm.s32 @!p0 $0x1BF5;
	p2 =	por !p2, p0  }
0x20: {  	[sflag:s8] =	ssyncset.s32 @!p0 $0xFFFFF086;
	s6 =	sadd.s32 @!p0 s3, s7;
	s7 =	simm.s32 @!p0 $0x108  }
0x21: {  	s3 =	sadd.s32 s3, s9;
	s6 =	sadd.s32 @!p0 $0x88, s6;
	s7 =	simm.s32 @p2 $0x1082  }
0x22: {  	[simem:s7], [sflag:s8] =	dma.local @!p0 [hbm:s6], $0xF7A  }
0x23: {  	s9 =	sor.u32 $0xD0000000, s2;
	s6 =	simm.s32 $0x108;
	_ =	swait.ge @!p0 [sflag:s8], $0x0  }
0x24: {  	s3 =	sadd.s32 $0x88, s3;
	s6 =	simm.s32 @!p1 $0x1082;
	[sflag:s4] =	ssyncset.s32 $0xFFFFF086  }
0x25: {  	[simem:s6], [sflag:s4] =	dma.local [hbm:s3], $0xF7A  }
0x26: {  	[smem:$0x3F9F] =	sst s1;
	(tag) =	ssettag s2;
	_ =	strace s9  }
0x27: {  	s1 =	sld [smem:$0x3FAF]  }
0x28: {  	s2 =	sld [smem:$0x3FB0]  }
0x29: {  	s4 =	sld [smem:$0x3FB2]  }
0x2a: {  	p0 =	seq.s32 s5, $0x0;
	s5 =	sld [smem:$0x3FB3]  }
0x2b: {  	s6 =	sld [smem:$0x3FB4]  }
0x2c: {  	s7 =	sld [smem:$0x3FB5]  }
0x2d: {  	s3 =	simm.s32 $0x108;
	s8 =	sld [smem:$0x3FB6]  }
0x2e: {  	s3 =	simm.s32 @!p0 $0x1082;
	s9 =	sld [smem:$0x3FB7]  }
0x2f: {  	lr =	sadd.s32 s0, s3;
	s0 =	sld [smem:$0x3FAE]  }
0x30: {  	s3 =	sld [smem:$0x3FB1]  }
0x31: {  	[smem:$0x3FBA] =	sst s10  }
0x32: {  	s10 =	sld [smem:$0x3FB8];
	_ =	sdelay $0x3  }
0x33: {  	p0 =	seq.s32 s10, $0x1;
	s10 =	sld [smem:$0x3FBA];
	_ =	sdelay $0x3  }
0x34: {  	[smem:$0x3FBA] =	sst s10  }
0x35: {  	s10 =	sld [smem:$0x3FB9];
	_ =	sdelay $0x3  }
0x36: {  	p1 =	seq.s32 s10, $0x1;
	s10 =	sld [smem:$0x3FBA];
	_ =	sdelay $0x3  }
0x37: {  	[smem:$0x3FBA] =	sst s10  }
0x38: {  	s10 =	sld [smem:$0x3FBB]  }
0x39: {  	_ = 	snop;
	(pc) =	sbr.ind lr, $3  }
0x3a: {  	_ = 	snop  }
0x3b: {  	_ = 	snop  }
0x3c: {  	p2 =	seq.s32 s10, $0x1;
	s10 =	sld [smem:$0x3FBA]  }
0x3d: {  	_ =	shalt  }
0x3e: {  	_ =	shalt  }
0x3f: {  	_ =	shalt  }
0x40: {  	_ =	shalt  }
0x41: {  	_ =	shalt  }
0x42: {  	_ =	shalt  }
0x43: {  	_ =	shalt  }
0x44: {  	_ =	shalt  }
0x45: {  	_ =	shalt  }
0x46: {  	_ =	shalt  }
0x47: {  	_ =	shalt  }
0x48: {  	_ =	shalt  }
0x49: {  	_ =	shalt  }
0x4a: {  	_ =	shalt  }
0x4b: {  	_ =	shalt  }
0x4c: {  	_ =	shalt  }
0x4d: {  	_ =	shalt  }
0x4e: {  	_ =	shalt  }
0x4f: {  	_ =	shalt  }
0x50: {  	_ =	shalt  }
0x51: {  	_ =	shalt  }
0x52: {  	_ =	shalt  }
0x53: {  	_ =	shalt  }
0x54: {  	_ =	shalt  }
0x55: {  	_ =	shalt  }
0x56: {  	_ =	shalt  }
0x57: {  	_ =	shalt  }
0x58: {  	_ =	shalt  }
0x59: {  	_ =	shalt  }
0x5a: {  	_ =	shalt  }
0x5b: {  	_ =	shalt  }
0x5c: {  	_ =	shalt  }
0x5d: {  	_ =	shalt  }
0x5e: {  	_ =	shalt  }
0x5f: {  	_ =	shalt  }
0x60: {  	_ =	shalt  }
0x61: {  	_ =	shalt  }
0x62: {  	_ =	shalt  }
0x63: {  	_ =	shalt  }
0x64: {  	_ =	shalt  }
0x65: {  	_ =	shalt  }
0x66: {  	_ =	shalt  }
0x67: {  	_ =	shalt  }
0x68: {  	_ =	shalt  }
0x69: {  	_ =	shalt  }
0x6a: {  	_ =	shalt  }
0x6b: {  	_ =	shalt  }
0x6c: {  	_ =	shalt  }
0x6d: {  	_ =	shalt  }
0x6e: {  	_ =	shalt  }
0x6f: {  	_ =	shalt  }
0x70: {  	_ =	shalt  }
0x71: {  	_ =	shalt  }
0x72: {  	_ =	shalt  }
0x73: {  	_ =	shalt  }
0x74: {  	_ =	shalt  }
0x75: {  	_ =	shalt  }
0x76: {  	_ =	shalt  }
0x77: {  	_ =	shalt  }
0x78: {  	_ =	shalt  }
0x79: {  	_ =	shalt  }
0x7a: {  	_ =	shalt  }
0x7b: {  	_ =	shalt  }
0x7c: {  	_ =	shalt  }
0x7d: {  	_ =	shalt  }
0x7e: {  	_ =	shalt  }
0x7f: {  	_ =	shalt  }
0x80: {  	_ =	shalt  }
0x81: {  	_ =	shalt  }
0x82: {  	_ =	shalt  }
0x83: {  	_ =	shalt  }
0x84: {  	_ =	shalt  }
0x85: {  	_ =	shalt  }
0x86: {  	_ =	shalt  }
0x87: {  	_ =	shalt  }
.Lfunc_end0:
.L_simem_size_0:
called_computation_lowered:
.L_overlay_start_0:
0x88: {  	s2 =	sld [smem:$0x3FD9]  }
0x89: {  	s3 =	sld [smem:$0x3FFE];
	_ =	sdelay $0x1  }
0x8a: {  	s1 =	srdreg.scid  }
0x8b: {  	s0 =	sand.u32 $0x1, s1  }
0x8c: {  	s17 =	sshll.u32 s0, $0xA;
	s2 =	sadd.s32 s3, s2  }
0x8d: {  	s2 =	sadd.s32 s2, s17  }
0x8e: {  	[smem:$0x3FC6] =	sst s2  }
0x8f: {  	_ = 	snop  }
0x90: {  	s2 =	sld [smem:$0x3FC9]  }
0x91: {  	s18 =	sld [smem:$0x3FC8]  }
0x92: {  	s4 =	sld [smem:$0x3FD0];
	(tm) =	ssettm $0x1  }
0x93: {  	s5 =	sld [smem:$0x3FFB];
	_ =	sdelay $0x3  }
0x94: {  	_ =	strace s5  }
0x95: {  	s5 =	sld [smem:$0x3FFC];
	_ =	sdelay $0x3  }
0x96: {  	_ =	strace s5  }
0x97: {  	s5 =	sld [smem:$0x3FFD];
	_ =	sdelay $0x3  }
0x98: {  	_ =	strace s5  }
0x99: {  	_ =	strace $0x8FFFFFFF  }
0x9a: {  	s19 =	sld [smem:$0x3FDB];
	_ =	sdelay $0x1  }
0x9b: {  	s6 =	simm.s32 $_scs_section_size  }
0x9c: {  	s7 =	simm.s32 $_size__tile_overlayer_lowered;
	s8 =	simm.s32 $_tile_overlayer_lowered  }
0x9d: {  	s22 =	simm.s32 $0x1BFF;
	s21 =	sshll.u32 s8, $0x1;
	s5 =	sadd.s32 s6, s19  }
0x9e: {  	s9 =	simm.s32 $0x0;
	s20 =	sshll.u32 s7, $0x1;
	s7 =	sadd.s32 s21, s5  }
0x9f: {  	[timem:s9], [sflag:s22] =	dma.local [hbm:s7], s20  }
0xa0: {  	_ =	swait.ge [sflag:s22], s20  }
0xa1: {  	s6 =	ssub.s32 $0x0, s20;
	[sflag:s22] =	ssyncset.done $0x0  }
0xa2: {  	[sflag:s22] =	ssyncadd.s32 s6;
	_ =	sdelay $0x1  }
0xa3: {  	s23 =	simm.s32 $0x1B8B  }
0xa4: {  	_ =	swait.ge [sflag:s23], $0x1  }
0xa5: {  	[sflag:s23] =	ssyncset.done $0x0  }
0xa6: {  	s25 =	simm.s32 $0x1B8E;
	s24 =	sld [smem:$0x3FFE];
	[sflag:s23] =	ssyncadd.s32 $0xFFFFFFFF  }
0xa7: {  	s26 =	simm.s32 $execute0_lowered;
	[smem:$0x3FD2] =	sst s25  }
0xa8: {  	s7 =	sshll.u32 s26, $0x1;
	_ =	strace $0x80000046;
	[dreg:$0x1] =	wrdreg $0xFFFFFFFF  }
0xa9: {  	s28 =	simm.s32 $_size_execute0_lowered;
	s5 =	sadd.s32 s5, s7;
	[dreg:$0x0] =	wrdreg $0x0  }
0xaa: {  	s7 =	sshll.u32 s28, $0x1;
	[dreg:$0x2] =	wrdreg s5  }
0xab: {  	[dreg:$0x3] =	wrdreg s7  }
0xac: {  	[dreg:$0x4] =	wrdreg $0xC0  }
0xad: {  	_ =	task [dreg:s9], $0x5FFFF  }
0xae: {  	[dreg:$0x1] =	wrdreg $0xFFFFFFFF  }
0xaf: {  	[dreg:$0x0] =	wrdreg $0x60  }
0xb0: {  	[dreg:$0x2] =	wrdreg s2  }
0xb1: {  	[dreg:$0x3] =	wrdreg s24  }
0xb2: {  	[dreg:$0x4] =	wrdreg s18  }
0xb3: {  	[dreg:$0x5] =	wrdreg s4  }
0xb4: {  	[dreg:$0x6] =	wrdreg $0x188000  }
0xb5: {  	[dreg:$0x7] =	wrdreg $0x9  }
0xb6: {  	_ =	task.clear_ibuf [dreg:s9], $0x8FFFF;
	_ =	strace $0x90000046  }
0xb7: {  	s29 =	simm.s32 $0x9;
	_ =	strace $0x80000048  }
0xb8: {  	_ =	swait.ge [sflag:s29], $0x1  }
0xb9: {  	[sflag:s29] =	ssyncadd.s32 $0xFFFFFFFF  }
0xba: {  	_ =	strace $0x90000048  }
0xbb: {  	_ =	sfence  }
0xbc: {  	s30 =	sld [smem:$0x0];
	_ =	sdelay $0x2  }
0xbd: {  	s31 =	sshll.u32 s1, $0xD;
	s1 =	sshrl.u32 s1, $0x2  }
0xbe: {  	s3 =	sand.u32 $0x4000, s31;
	s1 =	sadd.s32 s1, s30  }
0xbf: {  	s0 =	sor.u32 s3, s0;
	s1 =	sshll.u32 s1, $0x11  }
0xc0: {  	s0 =	sor.u32 s1, s0  }
0xc1: {  	s0 =	sadd.s32 $0x8F2B, s0  }
0xc2: {  	[sflag:s0] =	ssyncadd.remote.s32 $0x1  }
0xc3: {  	_ =	sfence.sel $0xFFFF  }
0xc4: {  	[dreg:$0x0] =	wrdreg $0xFFFFFFFF;
	(pc) =	sbr.abs _section_cstart, $3  }
0xc5: {  	[dreg:$0x1] =	wrdreg $0xFFFFFFFF  }
0xc6: {  	_ =	task.clear_ibuf [dreg:s9], $0x2FFFF;
	_ =	strace $0x9FFFFFFF  }
0xc7: {  	(tm) =	ssettm $0x7FFFFFFF  }
tec
execute0_lowered:
.L_overlay_start_1:
0x0: {  	(tag) =	ssettag $0x1  }
0x1: {  	s0 =	rddreg [dreg:$0x1]  }
0x2: {  	s1 =	rddreg [dreg:$0x2]  }
0x3: {  	s2 =	rddreg [dreg:$0x3]  }
0x4: {  	s3 =	rddreg [dreg:$0x4];
	s4 =	simm.s32 $0x0;
	s5 =	srdreg.scid  }
0x5: {  	s6 =	stileid.u32;
	s14 =	simm.s32 $0x80;
	s15 =	simm.s32 $0x400  }
0x6: {  	s17 =	simm.s32 $0x18700;
	s18 =	simm.s32 $0x200;
	s30 =	simm.s32 $0x1E600  }
0x7: {  	s31 =	simm.s32 $0x1E800;
	s19 =	simm.s32 $0x1EC00;
	s16 =	simm.s32 $0x4  }
0x8: {  	[smem:$0x7FF] =	sst s4;
	s5 =	sand.u32 $0x1, s5;
	s8 =	sshrl.u32 s6, $0x2  }
0x9: {  	s9 =	sshll.u32 s6, $0x8;
	s0 =	sadd.s32 $0x400, s0;
	s25 =	sadd.s32 $0x200, s3  }
0xa: {  	p0 =	sne.s32 s6, $0x0;
	s6 =	simm.s32 $0x1F000;
	_ =	strace $0x80000047  }
0xb: {  	s7 =	ssub.s32 $0x2, s5;
	s5 =	sshll.u32 s5, $0x7;
	s9 =	sand.u32 $0x300, s9  }
0xc: {  	s10 =	smul.u32 $0xC3800, s8;
	s21 =	sshll.u32 s8, $0xB;
	s12 =	sor.u32 $0x4, s8  }
0xd: {  	[dreg:$0x8] =	wrdreg s25;
	s8 =	sshll.u32 s8, $0xD;
	s11 =	sshrl.u32 s7, $0x1  }
0xe: {  	s5 =	sor.u32 s5, s9;
	s13 =	smul.u32 $0xC3800, s12;
	s24 =	sshll.u32 s12, $0xB  }
0xf: {  	s28 =	sshll.u32 s12, $0xD;
	s9 =	sor.u32 s10, s5;
	s10 =	sor.u32 s21, s5  }
0x10: {  	s7 =	ssub.s32 s7, s11;
	s11 =	sor.u32 s5, s8;
	s12 =	sor.u32 s5, s28  }
0x11: {  	s21 =	simm.s32 $0x1;
	s8 =	simm.s32 $0x1F200;
	s9 =	sshrl.u32 s9, $0x3  }
0x12: {  	s22 =	sshrl.u32 s10, $0x3;
	s23 =	sor.u32 s5, s13;
	s10 =	sor.u32 s5, s24  }
0x13: {  	s29 =	smax.u32 s7, $0x1;
	s5 =	simm.s32 $0x1EE00;
	s13 =	simm.s32 $0x1F800  }
0x14: {  	s7 =	simm.s32 $0x3;
	s9 =	sadd.s32 s1, s9;
	[dreg:$0xb] =	wrdreg s29  }
0x15: {  	s26 =	sshrl.u32 s10, $0x3;
	s10 =	simm.s32 $0x1F600;
	[dreg:$0x6] =	wrdreg s9  }
.Ltmp0:
0x16: {  	s9 =	sadd.s32 s0, s22;
	s0 =	sadd.s32 s0, s26;
	(pc) =	sbr.rel .LBB2_1-.Ltmp0, $4  }
0x17: {  	s22 =	simm.s32 $0x10000;
	[dreg:$0x7] =	wrdreg s9;
	s9 =	sshrl.u32 s23, $0x3  }
0x18: {  	[dreg:$0xa] =	wrdreg s0;
	s0 =	sshrl.u32 @!p0 s3, $0x3;
	s23 =	simm.s32 $0x0  }
0x19: {  	s1 =	sadd.s32 s1, s9;
	[dreg:$0xc] =	wrdreg s0;
	s0 =	simm.s32 $0x2  }
0x1a: {  	s9 =	simm.s32 $0x1F400;
	[dreg:$0x9] =	wrdreg s1;
	s1 =	simm.s32 $0x1EA00  }
.LBB2_39:
0x1b: {  	_ =	swait.ge [sflag:s7], $0x1000  }
0x1c: {  	[sflag:s7] =	ssyncset.done $0x0  }
0x1d: {  	[sflag:s7] =	ssyncadd.s32 $0xFFFFF000  }
0x1e: {  	_ =	swait.ge [sflag:s16], $0x1000  }
0x1f: {  	s23 =	rddreg [dreg:$0xd]  }
0x20: {  	s20 =	rddreg [dreg:$0xb];
	s23 =	sadd.s32 $0x1, s23  }
0x21: {  	p1 =	sne.s32 s23, s20  }
.Ltmp1:
0x22: {  	_ = 	snop;
	(pc) =	sbr.rel @!p1 .LBB2_40-.Ltmp1, $3  }
0x23: {  	_ =	sdelay $0x1  }
0x24: {  	[sflag:s16] =	ssyncset.done $0x0  }
0x25: {  	[sflag:s16] =	ssyncadd.s32 $0xFFFFF000  }
.LBB2_1:
0x26: {  	[dreg:$0xd] =	wrdreg s23  }
0x27: {  	s23 =	rddreg [dreg:$0x0]  }
0x28: {  	s20 =	simm.s32 @!p0 $0x1C05;
	s24 =	rddreg [dreg:$0xc]  }
0x29: {  	[spmem:s24], [sflag:s20] =	dma.local @!p0 [hbm:s23], $0x6400  }
0x2a: {  	s20 =	simm.s32 @!p0 $0x5  }
0x2b: {  	_ =	swait.ge @!p0 [sflag:s20], $0x6400  }
0x2c: {  	[sflag:s20] =	ssyncset.done @!p0 $0x0  }
0x2d: {  	[sflag:s20] =	ssyncadd.s32 @!p0 $0xFFFF9C00  }
0x2e: {  	[bflag:$0x0] =	sbarrier.arrive $0xFFFF  }
0x2f: {  	s24 =	simm.s32 $0x5;
	s23 =	rddreg [dreg:$0x6]  }
0x30: {  	[tilespmem:s4], [sflag:$0x5] =	stream.strided.gather [hbm4b:s23+s14], $0x18700, s15, s14, $0x38;
	[tilespmem:$0x1FA00] =	vst v63  }
0x31: {  	_ =	swait.ge [sflag:s24], $0x18700  }
0x32: {  	[sflag:s24] =	ssyncset.done $0x0  }
0x33: {  	s25 =	rddreg [dreg:$0x7];
	[sflag:s24] =	ssyncadd.s32 $0xFFFE7900  }
0x34: {  	[tilespmem:s17], [sflag:$0x5] =	stream.strided.gather [hbm4b:s25+s14], $0x100, s15, s14, $0x38;
	[tilespmem:$0x1FA00] =	vst v63  }
0x35: {  	_ =	swait.ge [sflag:s24], $0x100  }
0x36: {  	[sflag:s24] =	ssyncset.done $0x0  }
0x37: {  	s26 =	simm.s32 $0x1BA00;
	[sflag:s24] =	ssyncadd.s32 $0xFFFFFF00  }
0x38: {  	[tilespmem:s26], [sflag:$0x1] =	stream.strided.gather [spmem:s3], $0x1000, s15, s18, $0x38;
	[tilespmem:$0x1FA00] =	vst v63  }
0x39: {  	s29 =	simm.s32 $0x1CA00;
	s20 =	simm.s32 $0x0;
	s28 =	rddreg [dreg:$0x8]  }
0x3a: {  	[tilespmem:s29], [sflag:$0x2] =	stream.strided.gather [spmem:s28], $0x1000, s15, s18, $0x38;
	[tilespmem:$0x1FA00] =	vst v63  }
.LBB2_2:
0x3b: {  	_ =	swait.ge [sflag:s21], $0x1000  }
0x3c: {  	p1 =	seq.s32 s20, $0x0;
	[sflag:s21] =	ssyncset.done $0x0  }
0x3d: {  	s23 =	simm.s32 @!p1 $0x3;
	[sflag:s21] =	ssyncadd.s32 $0xFFFFF000  }
0x3e: {  	_ =	swait.ge @!p1 [sflag:s23], $0x1000  }
0x3f: {  	[sflag:s23] =	ssyncset.done @!p1 $0x0  }
0x40: {  	s29 =	simm.s32 $0x1BC00;
	[sflag:s23] =	ssyncadd.s32 @!p1 $0xFFFFF000  }
0x41: {  	v1 =	vld [tilespmem:s29+$0x70]  }
0x42: {  	v2 =	vld [tilespmem:s29+$0xFFFFFE10]  }
0x43: {  	v3 =	vld [tilespmem:s29+$0xFFFFFE20]  }
0x44: {  	v4 =	vld [tilespmem:s29+$0xFFFFFE30]  }
0x45: {  	v5 =	vld [tilespmem:s29+$0xFFFFFE40]  }
0x46: {  	v6 =	vld [tilespmem:s29+$0xFFFFFE50]  }
0x47: {  	v7 =	vld [tilespmem:s29+$0xFFFFFE60]  }
0x48: {  	s24 =	sshll.u32 s20, $0x3;
	v8 =	vld [tilespmem:s29+$0xFFFFFE70]  }
0x49: {  	v0 =	vmov s24;
	v9 =	vld [tilespmem:s29+$0x0]  }
0x4a: {  	v0 =	vand.u32 $0xFFFFFFF8, v0;
	v10 =	vld [tilespmem:s29+$0x10]  }
0x4b: {  	v0 =	vbroadcast v0, $0x0;
	v11 =	vld [tilespmem:s29+$0x20]  }
0x4c: {  	v12 =	vld [tilespmem:s29+$0x30]  }
0x4d: {  	v13 =	vld [tilespmem:s29+$0x40]  }
0x4e: {  	v14 =	vld [tilespmem:s29+$0x50]  }
0x4f: {  	v15 =	vld [tilespmem:s29+$0x60]  }
0x50: {  	v16 =	vld [tilespmem:s29+$0xFFFFFE00]  }
0x51: {  	v0 =	vld.idx.msk [tilespmem:v0+s17+$0x0], $0xffff  }
0x52: {  	v1 =	vld.idx.msk [tilespmem:v1+s4+$0x0], $0xffff  }
0x53: {  	v2 =	vld.idx.msk [tilespmem:v2+s4+$0x0], $0xffff  }
0x54: {  	v3 =	vld.idx.msk [tilespmem:v3+s4+$0x0], $0xffff  }
0x55: {  	v6 =	vld.idx.msk [tilespmem:v6+s4+$0x0], $0xffff  }
0x56: {  	v4 =	vld.idx.msk [tilespmem:v4+s4+$0x0], $0xffff  }
0x57: {  	v5 =	vld.idx.msk [tilespmem:v5+s4+$0x0], $0xffff  }
0x58: {  	v7 =	vld.idx.msk [tilespmem:v7+s4+$0x0], $0xffff;
	v1 =	vmul.f32 $8.000000000e+00, v1  }
0x59: {  	v8 =	vld.idx.msk [tilespmem:v8+s4+$0x0], $0xffff;
	v2 =	vmul.f32 $8.000000000e+00, v2  }
0x5a: {  	v16 =	vld.idx.msk [tilespmem:v16+s4+$0x0], $0xffff;
	v3 =	vmul.f32 $8.000000000e+00, v3;
	v6 =	vmul.f32 $8.000000000e+00, v6;
	v1 =	vadd.f32 v1, v0  }
0x5b: {  	s25 =	simm.s32 $0x1DC00;
	v9 =	vld.idx.msk [tilespmem:v9+s4+$0x0], $0xffff;
	v4 =	vmul.f32 $8.000000000e+00, v4;
	v2 =	vadd.f32 v2, v0  }
0x5c: {  	v5 =	vmul.f32 $8.000000000e+00, v5;
	v6 =	vadd.f32 v6, v0;
	[tilespmem:s25+$0x70] =	vst v1;
	v1 =	vadd.f32 v3, v0;
	v3 =	vld.idx.msk [tilespmem:v10+s4+$0x0], $0xffff  }
0x5d: {  	[tilespmem:s25+$0xFFFFFE10] =	vst v2;
	v2 =	vadd.f32 v4, v0;
	v4 =	vld.idx.msk [tilespmem:v11+s4+$0x0], $0xffff  }
0x5e: {  	v10 =	vadd.f32 v5, v0;
	v11 =	vmul.f32 $8.000000000e+00, v7;
	v5 =	vld.idx.msk [tilespmem:v13+s4+$0x0], $0xffff;
	[tilespmem:s25+$0xFFFFFE50] =	vst v6  }
0x5f: {  	v8 =	vmul.f32 $8.000000000e+00, v8;
	[tilespmem:s25+$0xFFFFFE20] =	vst v1;
	v1 =	vld.idx.msk [tilespmem:v12+s4+$0x0], $0xffff  }
0x60: {  	v7 =	vmul.f32 $8.000000000e+00, v16;
	v6 =	vld.idx.msk [tilespmem:v15+s4+$0x0], $0xffff;
	[tilespmem:s25+$0xFFFFFE40] =	vst v10;
	v10 =	vadd.f32 v11, v0  }
0x61: {  	s26 =	simm.s32 $0x0;
	s28 =	simm.s32 $0x1C000;
	s23 =	sshll.u32 s20, $0x1;
	v9 =	vmul.f32 $8.000000000e+00, v9;
	v8 =	vadd.f32 v8, v0;
	[tilespmem:s25+$0xFFFFFE30] =	vst v2;
	v2 =	vld.idx.msk [tilespmem:v14+s4+$0x0], $0xffff  }
.LBB2_3:
0x62: {  	v11 =	vld [tilespmem:s28+$0x70];
	s26 =	sadd.s32 $0x10, s26;
	v7 =	vadd.f32 v7, v0;
	[tilespmem:s25+$0xFFFFFE60] =	vst v10;
	v3 =	vmul.f32 $8.000000000e+00, v3  }
0x63: {  	v4 =	vmul.f32 $8.000000000e+00, v4;
	v10 =	vld [tilespmem:s28+$0xFFFFFE10];
	p2 =	slt.u32 s26, $0x30;
	[tilespmem:s25+$0xFFFFFE70] =	vst v8;
	v8 =	vadd.f32 v9, v0  }
0x64: {  	v1 =	vmul.f32 $8.000000000e+00, v1;
	v9 =	vld [tilespmem:s28+$0xFFFFFE20];
	[tilespmem:s25+$0xFFFFFE00] =	vst v7;
	v3 =	vadd.f32 v3, v0  }
0x65: {  	v4 =	vadd.f32 v4, v0;
	v5 =	vmul.f32 $8.000000000e+00, v5;
	v7 =	vld [tilespmem:s28+$0xFFFFFE30];
	[tilespmem:s25+$0x0] =	vst v8  }
0x66: {  	v1 =	vadd.f32 v1, v0;
	v2 =	vmul.f32 $8.000000000e+00, v2;
	v8 =	vld [tilespmem:s28+$0xFFFFFE40];
	[tilespmem:s25+$0x10] =	vst v3  }
0x67: {  	v3 =	vld [tilespmem:s28+$0xFFFFFE50];
	[tilespmem:s25+$0x20] =	vst v4;
	v4 =	vadd.f32 v5, v0;
	v5 =	vmul.f32 $8.000000000e+00, v6  }
0x68: {  	v6 =	vld [tilespmem:s28+$0xFFFFFE60];
	[tilespmem:s25+$0x30] =	vst v1;
	v1 =	vadd.f32 v2, v0  }
0x69: {  	v2 =	vld [tilespmem:s28+$0xFFFFFE70];
	[tilespmem:s25+$0x40] =	vst v4;
	v4 =	vadd.f32 v5, v0  }
0x6a: {  	v5 =	vld.idx.msk [tilespmem:v11+s4+$0x0], $0xffff;
	[tilespmem:s25+$0x50] =	vst v1  }
0x6b: {  	v1 =	vld [tilespmem:s28+$0x0];
	[tilespmem:s25+$0x60] =	vst v4  }
0x6c: {  	v4 =	vld [tilespmem:s28+$0x10]  }
0x6d: {  	v11 =	vld [tilespmem:s28+$0x20]  }
0x6e: {  	v12 =	vld [tilespmem:s28+$0x30]  }
0x6f: {  	v13 =	vld [tilespmem:s28+$0x40]  }
0x70: {  	v5 =	vmul.f32 $8.000000000e+00, v5;
	v14 =	vld [tilespmem:s28+$0x50]  }
0x71: {  	v15 =	vld [tilespmem:s28+$0x60]  }
0x72: {  	v5 =	vadd.f32 v5, v0;
	v16 =	vld [tilespmem:s28+$0xFFFFFE00]  }
0x73: {  	s25 =	sadd.s32 $0x400, s25;
	v10 =	vld.idx.msk [tilespmem:v10+s4+$0x0], $0xffff  }
0x74: {  	v9 =	vld.idx.msk [tilespmem:v9+s4+$0x0], $0xffff;
	[tilespmem:s25+$0x70] =	vst v5  }
0x75: {  	v5 =	vld.idx.msk [tilespmem:v7+s4+$0x0], $0xffff  }
0x76: {  	v7 =	vld.idx.msk [tilespmem:v8+s4+$0x0], $0xffff  }
0x77: {  	v8 =	vld.idx.msk [tilespmem:v3+s4+$0x0], $0xffff  }
0x78: {  	v6 =	vld.idx.msk [tilespmem:v6+s4+$0x0], $0xffff  }
0x79: {  	v3 =	vmul.f32 $8.000000000e+00, v10;
	v2 =	vld.idx.msk [tilespmem:v2+s4+$0x0], $0xffff  }
0x7a: {  	v9 =	vmul.f32 $8.000000000e+00, v9;
	v10 =	vld.idx.msk [tilespmem:v16+s4+$0x0], $0xffff  }
0x7b: {  	v16 =	vadd.f32 v3, v0;
	v5 =	vmul.f32 $8.000000000e+00, v5;
	v17 =	vld.idx.msk [tilespmem:v1+s4+$0x0], $0xffff  }
0x7c: {  	v1 =	vadd.f32 v9, v0;
	v7 =	vmul.f32 $8.000000000e+00, v7;
	v3 =	vld.idx.msk [tilespmem:v4+s4+$0x0], $0xffff  }
.Ltmp2:
0x7d: {  	v5 =	vadd.f32 v5, v0;
	v8 =	vmul.f32 $8.000000000e+00, v8;
	[tilespmem:s25+$0xFFFFFE10] =	vst v16;
	v4 =	vld.idx.msk [tilespmem:v11+s4+$0x0], $0xffff;
	(pc) =	sbr.rel @p2 .LBB2_3-.Ltmp2, $4  }
0x7e: {  	v9 =	vadd.f32 v7, v0;
	v6 =	vmul.f32 $8.000000000e+00, v6;
	[tilespmem:s25+$0xFFFFFE20] =	vst v1;
	v1 =	vld.idx.msk [tilespmem:v12+s4+$0x0], $0xffff  }
0x7f: {  	v8 =	vadd.f32 v8, v0;
	v11 =	vmul.f32 $8.000000000e+00, v2;
	[tilespmem:s25+$0xFFFFFE30] =	vst v5;
	v5 =	vld.idx.msk [tilespmem:v13+s4+$0x0], $0xffff  }
0x80: {  	v7 =	vmul.f32 $8.000000000e+00, v10;
	v10 =	vadd.f32 v6, v0;
	[tilespmem:s25+$0xFFFFFE40] =	vst v9;
	v2 =	vld.idx.msk [tilespmem:v14+s4+$0x0], $0xffff  }
0x81: {  	s28 =	sadd.s32 $0x400, s28;
	v9 =	vmul.f32 $8.000000000e+00, v17;
	[tilespmem:s25+$0xFFFFFE50] =	vst v8;
	v8 =	vadd.f32 v11, v0;
	v6 =	vld.idx.msk [tilespmem:v15+s4+$0x0], $0xffff  }
0x82: {  	v7 =	vadd.f32 v7, v0;
	[tilespmem:s25+$0xFFFFFE60] =	vst v10;
	v3 =	vmul.f32 $8.000000000e+00, v3  }
0x83: {  	v4 =	vmul.f32 $8.000000000e+00, v4;
	[tilespmem:s25+$0xFFFFFE70] =	vst v8;
	v8 =	vadd.f32 v9, v0  }
0x84: {  	v1 =	vmul.f32 $8.000000000e+00, v1;
	[tilespmem:s25+$0xFFFFFE00] =	vst v7;
	v3 =	vadd.f32 v3, v0  }
0x85: {  	v4 =	vadd.f32 v4, v0;
	v5 =	vmul.f32 $8.000000000e+00, v5;
	[tilespmem:s25+$0x0] =	vst v8  }
0x86: {  	v1 =	vadd.f32 v1, v0;
	v2 =	vmul.f32 $8.000000000e+00, v2;
	[tilespmem:s25+$0x10] =	vst v3  }
0x87: {  	[tilespmem:s25+$0x20] =	vst v4;
	v4 =	vadd.f32 v5, v0;
	v5 =	vmul.f32 $8.000000000e+00, v6  }
0x88: {  	[tilespmem:s25+$0x30] =	vst v1;
	v1 =	vadd.f32 v2, v0  }
0x89: {  	[tilespmem:s25+$0x40] =	vst v4;
	v0 =	vadd.f32 v5, v0  }
0x8a: {  	[tilespmem:s25+$0x50] =	vst v1  }
0x8b: {  	s29 =	simm.s32 $0x1BC80;
	[tilespmem:s25+$0x60] =	vst v0  }
0x8c: {  	v1 =	vld [tilespmem:s29+$0x70]  }
0x8d: {  	v2 =	vld [tilespmem:s29+$0xFFFFFE10]  }
0x8e: {  	s26 =	sor.u32 $0x1, s24;
	v4 =	vld [tilespmem:s29+$0xFFFFFE30]  }
0x8f: {  	v7 =	vmov s26;
	v5 =	vld [tilespmem:s29+$0xFFFFFE40]  }
0x90: {  	v7 =	vand.u32 $0xFFFFFFF9, v7;
	v6 =	vld [tilespmem:s29+$0xFFFFFE50]  }
0x91: {  	v3 =	vbroadcast v7, $0x0;
	v7 =	vld [tilespmem:s29+$0xFFFFFE60]  }
0x92: {  	v8 =	vld [tilespmem:s29+$0xFFFFFE70]  }
0x93: {  	v9 =	vld [tilespmem:s29+$0x0]  }
0x94: {  	v10 =	vld [tilespmem:s29+$0x10]  }
0x95: {  	v11 =	vld [tilespmem:s29+$0x20]  }
0x96: {  	v12 =	vld [tilespmem:s29+$0x30]  }
0x97: {  	v0 =	vld.idx.msk [tilespmem:v3+s17+$0x0], $0xffff  }
0x98: {  	v3 =	vld [tilespmem:s29+$0xFFFFFE20]  }
0x99: {  	v13 =	vld [tilespmem:s29+$0x40]  }
0x9a: {  	v14 =	vld [tilespmem:s29+$0x50]  }
0x9b: {  	v15 =	vld [tilespmem:s29+$0x60]  }
0x9c: {  	v16 =	vld [tilespmem:s29+$0xFFFFFE00]  }
0x9d: {  	v1 =	vld.idx.msk [tilespmem:v1+s4+$0x0], $0xffff  }
0x9e: {  	v2 =	vld.idx.msk [tilespmem:v2+s4+$0x0], $0xffff  }
0x9f: {  	v6 =	vld.idx.msk [tilespmem:v6+s4+$0x0], $0xffff  }
0xa0: {  	v3 =	vld.idx.msk [tilespmem:v3+s4+$0x0], $0xffff  }
0xa1: {  	v4 =	vld.idx.msk [tilespmem:v4+s4+$0x0], $0xffff  }
0xa2: {  	v5 =	vld.idx.msk [tilespmem:v5+s4+$0x0], $0xffff  }
0xa3: {  	v7 =	vld.idx.msk [tilespmem:v7+s4+$0x0], $0xffff;
	v1 =	vmul.f32 $8.000000000e+00, v1  }
0xa4: {  	v8 =	vld.idx.msk [tilespmem:v8+s4+$0x0], $0xffff;
	v2 =	vmul.f32 $8.000000000e+00, v2  }
0xa5: {  	v16 =	vld.idx.msk [tilespmem:v16+s4+$0x0], $0xffff;
	v6 =	vmul.f32 $8.000000000e+00, v6;
	v3 =	vmul.f32 $8.000000000e+00, v3;
	v1 =	vadd.f32 v1, v0  }
0xa6: {  	s25 =	simm.s32 $0x1DC80;
	v9 =	vld.idx.msk [tilespmem:v9+s4+$0x0], $0xffff;
	v4 =	vmul.f32 $8.000000000e+00, v4;
	v2 =	vadd.f32 v2, v0  }
0xa7: {  	v5 =	vmul.f32 $8.000000000e+00, v5;
	v6 =	vadd.f32 v6, v0;
	[tilespmem:s25+$0x70] =	vst v1;
	v1 =	vadd.f32 v3, v0;
	v3 =	vld.idx.msk [tilespmem:v10+s4+$0x0], $0xffff  }
0xa8: {  	[tilespmem:s25+$0xFFFFFE10] =	vst v2;
	v2 =	vadd.f32 v4, v0;
	v4 =	vld.idx.msk [tilespmem:v11+s4+$0x0], $0xffff  }
0xa9: {  	v10 =	vadd.f32 v5, v0;
	v11 =	vmul.f32 $8.000000000e+00, v7;
	v5 =	vld.idx.msk [tilespmem:v13+s4+$0x0], $0xffff;
	[tilespmem:s25+$0xFFFFFE50] =	vst v6  }
0xaa: {  	v8 =	vmul.f32 $8.000000000e+00, v8;
	[tilespmem:s25+$0xFFFFFE20] =	vst v1;
	v1 =	vld.idx.msk [tilespmem:v12+s4+$0x0], $0xffff  }
0xab: {  	v7 =	vmul.f32 $8.000000000e+00, v16;
	v6 =	vld.idx.msk [tilespmem:v15+s4+$0x0], $0xffff;
	[tilespmem:s25+$0xFFFFFE40] =	vst v10;
	v10 =	vadd.f32 v11, v0  }
0xac: {  	s28 =	simm.s32 $0x1C080;
	s26 =	simm.s32 $0x0;
	v9 =	vmul.f32 $8.000000000e+00, v9;
	v8 =	vadd.f32 v8, v0;
	[tilespmem:s25+$0xFFFFFE30] =	vst v2;
	v2 =	vld.idx.msk [tilespmem:v14+s4+$0x0], $0xffff  }
.LBB2_5:
0xad: {  	v11 =	vld [tilespmem:s28+$0x70];
	s26 =	sadd.s32 $0x10, s26;
	v7 =	vadd.f32 v7, v0;
	[tilespmem:s25+$0xFFFFFE60] =	vst v10;
	v3 =	vmul.f32 $8.000000000e+00, v3  }
0xae: {  	v4 =	vmul.f32 $8.000000000e+00, v4;
	v10 =	vld [tilespmem:s28+$0xFFFFFE10];
	p2 =	slt.u32 s26, $0x30;
	[tilespmem:s25+$0xFFFFFE70] =	vst v8;
	v8 =	vadd.f32 v9, v0  }
0xaf: {  	v1 =	vmul.f32 $8.000000000e+00, v1;
	v9 =	vld [tilespmem:s28+$0xFFFFFE20];
	[tilespmem:s25+$0xFFFFFE00] =	vst v7;
	v3 =	vadd.f32 v3, v0  }
0xb0: {  	v4 =	vadd.f32 v4, v0;
	v5 =	vmul.f32 $8.000000000e+00, v5;
	v7 =	vld [tilespmem:s28+$0xFFFFFE30];
	[tilespmem:s25+$0x0] =	vst v8  }
0xb1: {  	v1 =	vadd.f32 v1, v0;
	v2 =	vmul.f32 $8.000000000e+00, v2;
	v8 =	vld [tilespmem:s28+$0xFFFFFE40];
	[tilespmem:s25+$0x10] =	vst v3  }
0xb2: {  	v3 =	vld [tilespmem:s28+$0xFFFFFE50];
	[tilespmem:s25+$0x20] =	vst v4;
	v4 =	vadd.f32 v5, v0;
	v5 =	vmul.f32 $8.000000000e+00, v6  }
0xb3: {  	v6 =	vld [tilespmem:s28+$0xFFFFFE60];
	[tilespmem:s25+$0x30] =	vst v1;
	v1 =	vadd.f32 v2, v0  }
0xb4: {  	v2 =	vld [tilespmem:s28+$0xFFFFFE70];
	[tilespmem:s25+$0x40] =	vst v4;
	v4 =	vadd.f32 v5, v0  }
0xb5: {  	v5 =	vld.idx.msk [tilespmem:v11+s4+$0x0], $0xffff;
	[tilespmem:s25+$0x50] =	vst v1  }
0xb6: {  	v1 =	vld [tilespmem:s28+$0x0];
	[tilespmem:s25+$0x60] =	vst v4  }
0xb7: {  	v4 =	vld [tilespmem:s28+$0x10]  }
0xb8: {  	v11 =	vld [tilespmem:s28+$0x20]  }
0xb9: {  	v12 =	vld [tilespmem:s28+$0x30]  }
0xba: {  	v13 =	vld [tilespmem:s28+$0x40]  }
0xbb: {  	v5 =	vmul.f32 $8.000000000e+00, v5;
	v14 =	vld [tilespmem:s28+$0x50]  }
0xbc: {  	v15 =	vld [tilespmem:s28+$0x60]  }
0xbd: {  	v5 =	vadd.f32 v5, v0;
	v16 =	vld [tilespmem:s28+$0xFFFFFE00]  }
0xbe: {  	s25 =	sadd.s32 $0x400, s25;
	v10 =	vld.idx.msk [tilespmem:v10+s4+$0x0], $0xffff  }
0xbf: {  	v9 =	vld.idx.msk [tilespmem:v9+s4+$0x0], $0xffff;
	[tilespmem:s25+$0x70] =	vst v5  }
0xc0: {  	v5 =	vld.idx.msk [tilespmem:v7+s4+$0x0], $0xffff  }
0xc1: {  	v7 =	vld.idx.msk [tilespmem:v8+s4+$0x0], $0xffff  }
0xc2: {  	v8 =	vld.idx.msk [tilespmem:v3+s4+$0x0], $0xffff  }
0xc3: {  	v6 =	vld.idx.msk [tilespmem:v6+s4+$0x0], $0xffff  }
0xc4: {  	v3 =	vmul.f32 $8.000000000e+00, v10;
	v2 =	vld.idx.msk [tilespmem:v2+s4+$0x0], $0xffff  }
0xc5: {  	v9 =	vmul.f32 $8.000000000e+00, v9;
	v10 =	vld.idx.msk [tilespmem:v16+s4+$0x0], $0xffff  }
0xc6: {  	v16 =	vadd.f32 v3, v0;
	v5 =	vmul.f32 $8.000000000e+00, v5;
	v17 =	vld.idx.msk [tilespmem:v1+s4+$0x0], $0xffff  }
0xc7: {  	v1 =	vadd.f32 v9, v0;
	v7 =	vmul.f32 $8.000000000e+00, v7;
	v3 =	vld.idx.msk [tilespmem:v4+s4+$0x0], $0xffff  }
.Ltmp3:
0xc8: {  	v5 =	vadd.f32 v5, v0;
	v8 =	vmul.f32 $8.000000000e+00, v8;
	[tilespmem:s25+$0xFFFFFE10] =	vst v16;
	v4 =	vld.idx.msk [tilespmem:v11+s4+$0x0], $0xffff;
	(pc) =	sbr.rel @p2 .LBB2_5-.Ltmp3, $4  }
0xc9: {  	v9 =	vadd.f32 v7, v0;
	v6 =	vmul.f32 $8.000000000e+00, v6;
	[tilespmem:s25+$0xFFFFFE20] =	vst v1;
	v1 =	vld.idx.msk [tilespmem:v12+s4+$0x0], $0xffff  }
0xca: {  	v8 =	vadd.f32 v8, v0;
	v11 =	vmul.f32 $8.000000000e+00, v2;
	[tilespmem:s25+$0xFFFFFE30] =	vst v5;
	v5 =	vld.idx.msk [tilespmem:v13+s4+$0x0], $0xffff  }
0xcb: {  	v7 =	vmul.f32 $8.000000000e+00, v10;
	v10 =	vadd.f32 v6, v0;
	[tilespmem:s25+$0xFFFFFE40] =	vst v9;
	v2 =	vld.idx.msk [tilespmem:v14+s4+$0x0], $0xffff  }
0xcc: {  	s28 =	sadd.s32 $0x400, s28;
	v9 =	vmul.f32 $8.000000000e+00, v17;
	[tilespmem:s25+$0xFFFFFE50] =	vst v8;
	v8 =	vadd.f32 v11, v0;
	v6 =	vld.idx.msk [tilespmem:v15+s4+$0x0], $0xffff  }
0xcd: {  	v7 =	vadd.f32 v7, v0;
	[tilespmem:s25+$0xFFFFFE60] =	vst v10;
	v3 =	vmul.f32 $8.000000000e+00, v3  }
0xce: {  	v4 =	vmul.f32 $8.000000000e+00, v4;
	[tilespmem:s25+$0xFFFFFE70] =	vst v8;
	v8 =	vadd.f32 v9, v0  }
0xcf: {  	v1 =	vmul.f32 $8.000000000e+00, v1;
	[tilespmem:s25+$0xFFFFFE00] =	vst v7;
	v3 =	vadd.f32 v3, v0  }
0xd0: {  	v4 =	vadd.f32 v4, v0;
	v5 =	vmul.f32 $8.000000000e+00, v5;
	[tilespmem:s25+$0x0] =	vst v8  }
0xd1: {  	v1 =	vadd.f32 v1, v0;
	v2 =	vmul.f32 $8.000000000e+00, v2;
	[tilespmem:s25+$0x10] =	vst v3  }
0xd2: {  	[tilespmem:s25+$0x20] =	vst v4;
	v4 =	vadd.f32 v5, v0;
	v5 =	vmul.f32 $8.000000000e+00, v6  }
0xd3: {  	[tilespmem:s25+$0x30] =	vst v1;
	v1 =	vadd.f32 v2, v0  }
0xd4: {  	[tilespmem:s25+$0x40] =	vst v4;
	v0 =	vadd.f32 v5, v0  }
0xd5: {  	[tilespmem:s25+$0x50] =	vst v1  }
0xd6: {  	s29 =	simm.s32 $0x1BD00;
	[tilespmem:s25+$0x60] =	vst v0  }
0xd7: {  	v1 =	vld [tilespmem:s29+$0x70]  }
0xd8: {  	v2 =	vld [tilespmem:s29+$0xFFFFFE10]  }
0xd9: {  	s26 =	sor.u32 $0x2, s24;
	v4 =	vld [tilespmem:s29+$0xFFFFFE30]  }
0xda: {  	v7 =	vmov s26;
	v5 =	vld [tilespmem:s29+$0xFFFFFE40]  }
0xdb: {  	v7 =	vand.u32 $0xFFFFFFFA, v7;
	v6 =	vld [tilespmem:s29+$0xFFFFFE50]  }
0xdc: {  	v3 =	vbroadcast v7, $0x0;
	v7 =	vld [tilespmem:s29+$0xFFFFFE60]  }
0xdd: {  	v8 =	vld [tilespmem:s29+$0xFFFFFE70]  }
0xde: {  	v9 =	vld [tilespmem:s29+$0x0]  }
0xdf: {  	v10 =	vld [tilespmem:s29+$0x10]  }
0xe0: {  	v11 =	vld [tilespmem:s29+$0x20]  }
0xe1: {  	v12 =	vld [tilespmem:s29+$0x30]  }
0xe2: {  	v0 =	vld.idx.msk [tilespmem:v3+s17+$0x0], $0xffff  }
0xe3: {  	v3 =	vld [tilespmem:s29+$0xFFFFFE20]  }
0xe4: {  	v13 =	vld [tilespmem:s29+$0x40]  }
0xe5: {  	v14 =	vld [tilespmem:s29+$0x50]  }
0xe6: {  	v15 =	vld [tilespmem:s29+$0x60]  }
0xe7: {  	v16 =	vld [tilespmem:s29+$0xFFFFFE00]  }
0xe8: {  	v1 =	vld.idx.msk [tilespmem:v1+s4+$0x0], $0xffff  }
0xe9: {  	v2 =	vld.idx.msk [tilespmem:v2+s4+$0x0], $0xffff  }
0xea: {  	v6 =	vld.idx.msk [tilespmem:v6+s4+$0x0], $0xffff  }
0xeb: {  	v3 =	vld.idx.msk [tilespmem:v3+s4+$0x0], $0xffff  }
0xec: {  	v4 =	vld.idx.msk [tilespmem:v4+s4+$0x0], $0xffff  }
0xed: {  	v5 =	vld.idx.msk [tilespmem:v5+s4+$0x0], $0xffff  }
0xee: {  	v7 =	vld.idx.msk [tilespmem:v7+s4+$0x0], $0xffff;
	v1 =	vmul.f32 $8.000000000e+00, v1  }
0xef: {  	v8 =	vld.idx.msk [tilespmem:v8+s4+$0x0], $0xffff;
	v2 =	vmul.f32 $8.000000000e+00, v2  }
0xf0: {  	v16 =	vld.idx.msk [tilespmem:v16+s4+$0x0], $0xffff;
	v6 =	vmul.f32 $8.000000000e+00, v6;
	v3 =	vmul.f32 $8.000000000e+00, v3;
	v1 =	vadd.f32 v1, v0  }
0xf1: {  	s25 =	simm.s32 $0x1DD00;
	v9 =	vld.idx.msk [tilespmem:v9+s4+$0x0], $0xffff;
	v4 =	vmul.f32 $8.000000000e+00, v4;
	v2 =	vadd.f32 v2, v0  }
0xf2: {  	v5 =	vmul.f32 $8.000000000e+00, v5;
	v6 =	vadd.f32 v6, v0;
	[tilespmem:s25+$0x70] =	vst v1;
	v1 =	vadd.f32 v3, v0;
	v3 =	vld.idx.msk [tilespmem:v10+s4+$0x0], $0xffff  }
0xf3: {  	[tilespmem:s25+$0xFFFFFE10] =	vst v2;
	v2 =	vadd.f32 v4, v0;
	v4 =	vld.idx.msk [tilespmem:v11+s4+$0x0], $0xffff  }
0xf4: {  	v10 =	vadd.f32 v5, v0;
	v11 =	vmul.f32 $8.000000000e+00, v7;
	v5 =	vld.idx.msk [tilespmem:v13+s4+$0x0], $0xffff;
	[tilespmem:s25+$0xFFFFFE50] =	vst v6  }
0xf5: {  	v8 =	vmul.f32 $8.000000000e+00, v8;
	[tilespmem:s25+$0xFFFFFE20] =	vst v1;
	v1 =	vld.idx.msk [tilespmem:v12+s4+$0x0], $0xffff  }
0xf6: {  	v7 =	vmul.f32 $8.000000000e+00, v16;
	v6 =	vld.idx.msk [tilespmem:v15+s4+$0x0], $0xffff;
	[tilespmem:s25+$0xFFFFFE40] =	vst v10;
	v10 =	vadd.f32 v11, v0  }
0xf7: {  	s28 =	simm.s32 $0x1C100;
	s26 =	simm.s32 $0x0;
	v9 =	vmul.f32 $8.000000000e+00, v9;
	v8 =	vadd.f32 v8, v0;
	[tilespmem:s25+$0xFFFFFE30] =	vst v2;
	v2 =	vld.idx.msk [tilespmem:v14+s4+$0x0], $0xffff  }
.LBB2_7:
0xf8: {  	v11 =	vld [tilespmem:s28+$0x70];
	s26 =	sadd.s32 $0x10, s26;
	v7 =	vadd.f32 v7, v0;
	[tilespmem:s25+$0xFFFFFE60] =	vst v10;
	v3 =	vmul.f32 $8.000000000e+00, v3  }
0xf9: {  	v4 =	vmul.f32 $8.000000000e+00, v4;
	v10 =	vld [tilespmem:s28+$0xFFFFFE10];
	p2 =	slt.u32 s26, $0x30;
	[tilespmem:s25+$0xFFFFFE70] =	vst v8;
	v8 =	vadd.f32 v9, v0  }
0xfa: {  	v1 =	vmul.f32 $8.000000000e+00, v1;
	v9 =	vld [tilespmem:s28+$0xFFFFFE20];
	[tilespmem:s25+$0xFFFFFE00] =	vst v7;
	v3 =	vadd.f32 v3, v0  }
0xfb: {  	v4 =	vadd.f32 v4, v0;
	v5 =	vmul.f32 $8.000000000e+00, v5;
	v7 =	vld [tilespmem:s28+$0xFFFFFE30];
	[tilespmem:s25+$0x0] =	vst v8  }
0xfc: {  	v1 =	vadd.f32 v1, v0;
	v2 =	vmul.f32 $8.000000000e+00, v2;
	v8 =	vld [tilespmem:s28+$0xFFFFFE40];
	[tilespmem:s25+$0x10] =	vst v3  }
0xfd: {  	v3 =	vld [tilespmem:s28+$0xFFFFFE50];
	[tilespmem:s25+$0x20] =	vst v4;
	v4 =	vadd.f32 v5, v0;
	v5 =	vmul.f32 $8.000000000e+00, v6  }
0xfe: {  	v6 =	vld [tilespmem:s28+$0xFFFFFE60];
	[tilespmem:s25+$0x30] =	vst v1;
	v1 =	vadd.f32 v2, v0  }
0xff: {  	v2 =	vld [tilespmem:s28+$0xFFFFFE70];
	[tilespmem:s25+$0x40] =	vst v4;
	v4 =	vadd.f32 v5, v0  }
0x100: {  	v5 =	vld.idx.msk [tilespmem:v11+s4+$0x0], $0xffff;
	[tilespmem:s25+$0x50] =	vst v1  }
0x101: {  	v1 =	vld [tilespmem:s28+$0x0];
	[tilespmem:s25+$0x60] =	vst v4  }
0x102: {  	v4 =	vld [tilespmem:s28+$0x10]  }
0x103: {  	v11 =	vld [tilespmem:s28+$0x20]  }
0x104: {  	v12 =	vld [tilespmem:s28+$0x30]  }
0x105: {  	v13 =	vld [tilespmem:s28+$0x40]  }
0x106: {  	v5 =	vmul.f32 $8.000000000e+00, v5;
	v14 =	vld [tilespmem:s28+$0x50]  }
0x107: {  	v15 =	vld [tilespmem:s28+$0x60]  }
0x108: {  	v5 =	vadd.f32 v5, v0;
	v16 =	vld [tilespmem:s28+$0xFFFFFE00]  }
0x109: {  	s25 =	sadd.s32 $0x400, s25;
	v10 =	vld.idx.msk [tilespmem:v10+s4+$0x0], $0xffff  }
0x10a: {  	v9 =	vld.idx.msk [tilespmem:v9+s4+$0x0], $0xffff;
	[tilespmem:s25+$0x70] =	vst v5  }
0x10b: {  	v5 =	vld.idx.msk [tilespmem:v7+s4+$0x0], $0xffff  }
0x10c: {  	v7 =	vld.idx.msk [tilespmem:v8+s4+$0x0], $0xffff  }
0x10d: {  	v8 =	vld.idx.msk [tilespmem:v3+s4+$0x0], $0xffff  }
0x10e: {  	v6 =	vld.idx.msk [tilespmem:v6+s4+$0x0], $0xffff  }
0x10f: {  	v3 =	vmul.f32 $8.000000000e+00, v10;
	v2 =	vld.idx.msk [tilespmem:v2+s4+$0x0], $0xffff  }
0x110: {  	v9 =	vmul.f32 $8.000000000e+00, v9;
	v10 =	vld.idx.msk [tilespmem:v16+s4+$0x0], $0xffff  }
0x111: {  	v16 =	vadd.f32 v3, v0;
	v5 =	vmul.f32 $8.000000000e+00, v5;
	v17 =	vld.idx.msk [tilespmem:v1+s4+$0x0], $0xffff  }
0x112: {  	v1 =	vadd.f32 v9, v0;
	v7 =	vmul.f32 $8.000000000e+00, v7;
	v3 =	vld.idx.msk [tilespmem:v4+s4+$0x0], $0xffff  }
.Ltmp4:
0x113: {  	v5 =	vadd.f32 v5, v0;
	v8 =	vmul.f32 $8.000000000e+00, v8;
	[tilespmem:s25+$0xFFFFFE10] =	vst v16;
	v4 =	vld.idx.msk [tilespmem:v11+s4+$0x0], $0xffff;
	(pc) =	sbr.rel @p2 .LBB2_7-.Ltmp4, $4  }
0x114: {  	v9 =	vadd.f32 v7, v0;
	v6 =	vmul.f32 $8.000000000e+00, v6;
	[tilespmem:s25+$0xFFFFFE20] =	vst v1;
	v1 =	vld.idx.msk [tilespmem:v12+s4+$0x0], $0xffff  }
0x115: {  	v8 =	vadd.f32 v8, v0;
	v11 =	vmul.f32 $8.000000000e+00, v2;
	[tilespmem:s25+$0xFFFFFE30] =	vst v5;
	v5 =	vld.idx.msk [tilespmem:v13+s4+$0x0], $0xffff  }
0x116: {  	v7 =	vmul.f32 $8.000000000e+00, v10;
	v10 =	vadd.f32 v6, v0;
	[tilespmem:s25+$0xFFFFFE40] =	vst v9;
	v2 =	vld.idx.msk [tilespmem:v14+s4+$0x0], $0xffff  }
0x117: {  	s28 =	sadd.s32 $0x400, s28;
	v9 =	vmul.f32 $8.000000000e+00, v17;
	[tilespmem:s25+$0xFFFFFE50] =	vst v8;
	v8 =	vadd.f32 v11, v0;
	v6 =	vld.idx.msk [tilespmem:v15+s4+$0x0], $0xffff  }
0x118: {  	v7 =	vadd.f32 v7, v0;
	[tilespmem:s25+$0xFFFFFE60] =	vst v10;
	v3 =	vmul.f32 $8.000000000e+00, v3  }
0x119: {  	v4 =	vmul.f32 $8.000000000e+00, v4;
	[tilespmem:s25+$0xFFFFFE70] =	vst v8;
	v8 =	vadd.f32 v9, v0  }
0x11a: {  	v1 =	vmul.f32 $8.000000000e+00, v1;
	[tilespmem:s25+$0xFFFFFE00] =	vst v7;
	v3 =	vadd.f32 v3, v0  }
0x11b: {  	v4 =	vadd.f32 v4, v0;
	v5 =	vmul.f32 $8.000000000e+00, v5;
	[tilespmem:s25+$0x0] =	vst v8  }
0x11c: {  	v1 =	vadd.f32 v1, v0;
	v2 =	vmul.f32 $8.000000000e+00, v2;
	[tilespmem:s25+$0x10] =	vst v3  }
0x11d: {  	[tilespmem:s25+$0x20] =	vst v4;
	v4 =	vadd.f32 v5, v0;
	v5 =	vmul.f32 $8.000000000e+00, v6  }
0x11e: {  	[tilespmem:s25+$0x30] =	vst v1;
	v1 =	vadd.f32 v2, v0  }
0x11f: {  	[tilespmem:s25+$0x40] =	vst v4;
	v0 =	vadd.f32 v5, v0  }
0x120: {  	[tilespmem:s25+$0x50] =	vst v1  }
0x121: {  	s29 =	simm.s32 $0x1BD80;
	[tilespmem:s25+$0x60] =	vst v0  }
0x122: {  	v1 =	vld [tilespmem:s29+$0x70]  }
0x123: {  	v2 =	vld [tilespmem:s29+$0xFFFFFE10]  }
0x124: {  	s24 =	sor.u32 $0x3, s24;
	v4 =	vld [tilespmem:s29+$0xFFFFFE30]  }
0x125: {  	v7 =	vmov s24;
	v5 =	vld [tilespmem:s29+$0xFFFFFE40]  }
0x126: {  	v7 =	vand.u32 $0xFFFFFFFB, v7;
	v6 =	vld [tilespmem:s29+$0xFFFFFE50]  }
0x127: {  	v3 =	vbroadcast v7, $0x0;
	v7 =	vld [tilespmem:s29+$0xFFFFFE60]  }
0x128: {  	v8 =	vld [tilespmem:s29+$0xFFFFFE70]  }
0x129: {  	v9 =	vld [tilespmem:s29+$0x0]  }
0x12a: {  	v10 =	vld [tilespmem:s29+$0x10]  }
0x12b: {  	v11 =	vld [tilespmem:s29+$0x20]  }
0x12c: {  	v12 =	vld [tilespmem:s29+$0x30]  }
0x12d: {  	v13 =	vld [tilespmem:s29+$0x40]  }
0x12e: {  	v0 =	vld.idx.msk [tilespmem:v3+s17+$0x0], $0xffff  }
0x12f: {  	v3 =	vld [tilespmem:s29+$0xFFFFFE20]  }
0x130: {  	v14 =	vld [tilespmem:s29+$0x50]  }
0x131: {  	v15 =	vld [tilespmem:s29+$0x60]  }
0x132: {  	v16 =	vld [tilespmem:s29+$0xFFFFFE00]  }
0x133: {  	v1 =	vld.idx.msk [tilespmem:v1+s4+$0x0], $0xffff  }
0x134: {  	v2 =	vld.idx.msk [tilespmem:v2+s4+$0x0], $0xffff  }
0x135: {  	v4 =	vld.idx.msk [tilespmem:v4+s4+$0x0], $0xffff  }
0x136: {  	v5 =	vld.idx.msk [tilespmem:v5+s4+$0x0], $0xffff  }
0x137: {  	v3 =	vld.idx.msk [tilespmem:v3+s4+$0x0], $0xffff  }
0x138: {  	v6 =	vld.idx.msk [tilespmem:v6+s4+$0x0], $0xffff  }
0x139: {  	v7 =	vld.idx.msk [tilespmem:v7+s4+$0x0], $0xffff;
	v1 =	vmul.f32 $8.000000000e+00, v1  }
0x13a: {  	v8 =	vld.idx.msk [tilespmem:v8+s4+$0x0], $0xffff;
	v2 =	vmul.f32 $8.000000000e+00, v2  }
0x13b: {  	v16 =	vld.idx.msk [tilespmem:v16+s4+$0x0], $0xffff;
	v4 =	vmul.f32 $8.000000000e+00, v4;
	v1 =	vadd.f32 v1, v0  }
0x13c: {  	s24 =	simm.s32 $0x1DD80;
	v9 =	vld.idx.msk [tilespmem:v9+s4+$0x0], $0xffff;
	v3 =	vmul.f32 $8.000000000e+00, v3;
	v2 =	vadd.f32 v2, v0  }
0x13d: {  	v5 =	vmul.f32 $8.000000000e+00, v5;
	v4 =	vadd.f32 v4, v0;
	[tilespmem:s24+$0x70] =	vst v1;
	v1 =	vld.idx.msk [tilespmem:v10+s4+$0x0], $0xffff  }
0x13e: {  	v6 =	vmul.f32 $8.000000000e+00, v6;
	v3 =	vadd.f32 v3, v0;
	[tilespmem:s24+$0xFFFFFE10] =	vst v2;
	v2 =	vld.idx.msk [tilespmem:v11+s4+$0x0], $0xffff  }
0x13f: {  	v5 =	vadd.f32 v5, v0;
	v10 =	vmul.f32 $8.000000000e+00, v7;
	[tilespmem:s24+$0xFFFFFE30] =	vst v4;
	v4 =	vld.idx.msk [tilespmem:v13+s4+$0x0], $0xffff  }
0x140: {  	v8 =	vmul.f32 $8.000000000e+00, v8;
	v6 =	vadd.f32 v6, v0;
	[tilespmem:s24+$0xFFFFFE20] =	vst v3;
	v3 =	vld.idx.msk [tilespmem:v12+s4+$0x0], $0xffff  }
0x141: {  	v7 =	vmul.f32 $8.000000000e+00, v16;
	[tilespmem:s24+$0xFFFFFE40] =	vst v5;
	v5 =	vld.idx.msk [tilespmem:v14+s4+$0x0], $0xffff;
	v10 =	vadd.f32 v10, v0  }
0x142: {  	s26 =	simm.s32 $0x1C180;
	s25 =	simm.s32 $0x0;
	v9 =	vmul.f32 $8.000000000e+00, v9;
	v8 =	vadd.f32 v8, v0;
	[tilespmem:s24+$0xFFFFFE50] =	vst v6;
	v6 =	vld.idx.msk [tilespmem:v15+s4+$0x0], $0xffff  }
.LBB2_9:
0x143: {  	v11 =	vld [tilespmem:s26+$0x70];
	s25 =	sadd.s32 $0x10, s25;
	v7 =	vadd.f32 v7, v0;
	[tilespmem:s24+$0xFFFFFE60] =	vst v10;
	v1 =	vmul.f32 $8.000000000e+00, v1  }
0x144: {  	v2 =	vmul.f32 $8.000000000e+00, v2;
	v10 =	vld [tilespmem:s26+$0xFFFFFE10];
	p2 =	slt.u32 s25, $0x30;
	[tilespmem:s24+$0xFFFFFE70] =	vst v8;
	v8 =	vadd.f32 v9, v0  }
0x145: {  	v3 =	vmul.f32 $8.000000000e+00, v3;
	v9 =	vld [tilespmem:s26+$0xFFFFFE20];
	[tilespmem:s24+$0xFFFFFE00] =	vst v7;
	v1 =	vadd.f32 v1, v0  }
0x146: {  	v2 =	vadd.f32 v2, v0;
	v4 =	vmul.f32 $8.000000000e+00, v4;
	v7 =	vld [tilespmem:s26+$0xFFFFFE30];
	[tilespmem:s24+$0x0] =	vst v8  }
0x147: {  	v8 =	vld [tilespmem:s26+$0xFFFFFE40];
	[tilespmem:s24+$0x10] =	vst v1;
	v1 =	vadd.f32 v3, v0;
	v3 =	vmul.f32 $8.000000000e+00, v5  }
0x148: {  	v5 =	vld [tilespmem:s26+$0xFFFFFE50];
	[tilespmem:s24+$0x20] =	vst v2;
	v2 =	vadd.f32 v4, v0;
	v4 =	vmul.f32 $8.000000000e+00, v6  }
0x149: {  	v6 =	vld [tilespmem:s26+$0xFFFFFE60];
	[tilespmem:s24+$0x30] =	vst v1;
	v1 =	vadd.f32 v3, v0  }
0x14a: {  	v3 =	vld [tilespmem:s26+$0xFFFFFE70];
	[tilespmem:s24+$0x40] =	vst v2;
	v2 =	vadd.f32 v4, v0  }
0x14b: {  	v4 =	vld.idx.msk [tilespmem:v11+s4+$0x0], $0xffff;
	[tilespmem:s24+$0x50] =	vst v1  }
0x14c: {  	v1 =	vld [tilespmem:s26+$0x0];
	[tilespmem:s24+$0x60] =	vst v2  }
0x14d: {  	v2 =	vld [tilespmem:s26+$0x10]  }
0x14e: {  	v11 =	vld [tilespmem:s26+$0x20]  }
0x14f: {  	v12 =	vld [tilespmem:s26+$0x30]  }
0x150: {  	v13 =	vld [tilespmem:s26+$0x40]  }
0x151: {  	v4 =	vmul.f32 $8.000000000e+00, v4;
	v14 =	vld [tilespmem:s26+$0x50]  }
0x152: {  	v15 =	vld [tilespmem:s26+$0x60]  }
0x153: {  	v4 =	vadd.f32 v4, v0;
	v16 =	vld [tilespmem:s26+$0xFFFFFE00]  }
0x154: {  	s24 =	sadd.s32 $0x400, s24;
	v10 =	vld.idx.msk [tilespmem:v10+s4+$0x0], $0xffff  }
0x155: {  	v9 =	vld.idx.msk [tilespmem:v9+s4+$0x0], $0xffff;
	[tilespmem:s24+$0x70] =	vst v4  }
0x156: {  	v4 =	vld.idx.msk [tilespmem:v7+s4+$0x0], $0xffff  }
0x157: {  	v7 =	vld.idx.msk [tilespmem:v8+s4+$0x0], $0xffff  }
0x158: {  	v5 =	vld.idx.msk [tilespmem:v5+s4+$0x0], $0xffff  }
0x159: {  	v6 =	vld.idx.msk [tilespmem:v6+s4+$0x0], $0xffff  }
0x15a: {  	v8 =	vmul.f32 $8.000000000e+00, v10;
	v10 =	vld.idx.msk [tilespmem:v3+s4+$0x0], $0xffff  }
0x15b: {  	v3 =	vmul.f32 $8.000000000e+00, v9;
	v16 =	vld.idx.msk [tilespmem:v16+s4+$0x0], $0xffff  }
0x15c: {  	v8 =	vadd.f32 v8, v0;
	v4 =	vmul.f32 $8.000000000e+00, v4;
	v9 =	vld.idx.msk [tilespmem:v1+s4+$0x0], $0xffff  }
0x15d: {  	v3 =	vadd.f32 v3, v0;
	v7 =	vmul.f32 $8.000000000e+00, v7;
	v1 =	vld.idx.msk [tilespmem:v2+s4+$0x0], $0xffff  }
.Ltmp5:
0x15e: {  	v4 =	vadd.f32 v4, v0;
	v5 =	vmul.f32 $8.000000000e+00, v5;
	[tilespmem:s24+$0xFFFFFE10] =	vst v8;
	v2 =	vld.idx.msk [tilespmem:v11+s4+$0x0], $0xffff;
	(pc) =	sbr.rel @p2 .LBB2_9-.Ltmp5, $4  }
0x15f: {  	v8 =	vadd.f32 v7, v0;
	v6 =	vmul.f32 $8.000000000e+00, v6;
	[tilespmem:s24+$0xFFFFFE20] =	vst v3;
	v3 =	vld.idx.msk [tilespmem:v12+s4+$0x0], $0xffff  }
0x160: {  	v11 =	vadd.f32 v5, v0;
	v12 =	vmul.f32 $8.000000000e+00, v10;
	[tilespmem:s24+$0xFFFFFE30] =	vst v4;
	v4 =	vld.idx.msk [tilespmem:v13+s4+$0x0], $0xffff  }
0x161: {  	v7 =	vmul.f32 $8.000000000e+00, v16;
	v10 =	vadd.f32 v6, v0;
	[tilespmem:s24+$0xFFFFFE40] =	vst v8;
	v5 =	vld.idx.msk [tilespmem:v14+s4+$0x0], $0xffff  }
0x162: {  	s26 =	sadd.s32 $0x400, s26;
	v8 =	vadd.f32 v12, v0;
	v9 =	vmul.f32 $8.000000000e+00, v9;
	[tilespmem:s24+$0xFFFFFE50] =	vst v11;
	v6 =	vld.idx.msk [tilespmem:v15+s4+$0x0], $0xffff  }
0x163: {  	v7 =	vadd.f32 v7, v0;
	[tilespmem:s24+$0xFFFFFE60] =	vst v10;
	v1 =	vmul.f32 $8.000000000e+00, v1  }
0x164: {  	v2 =	vmul.f32 $8.000000000e+00, v2;
	[tilespmem:s24+$0xFFFFFE70] =	vst v8;
	v8 =	vadd.f32 v9, v0  }
0x165: {  	v3 =	vmul.f32 $8.000000000e+00, v3;
	[tilespmem:s24+$0xFFFFFE00] =	vst v7;
	v1 =	vadd.f32 v1, v0  }
0x166: {  	v2 =	vadd.f32 v2, v0;
	v4 =	vmul.f32 $8.000000000e+00, v4;
	[tilespmem:s24+$0x0] =	vst v8  }
0x167: {  	[tilespmem:s24+$0x10] =	vst v1;
	v1 =	vadd.f32 v3, v0;
	v3 =	vmul.f32 $8.000000000e+00, v5  }
0x168: {  	[tilespmem:s24+$0x20] =	vst v2;
	v2 =	vadd.f32 v4, v0;
	v4 =	vmul.f32 $8.000000000e+00, v6  }
0x169: {  	s25 =	sshll.u32 s20, $0x13;
	[tilespmem:s24+$0x30] =	vst v1;
	v1 =	vadd.f32 v3, v0  }
0x16a: {  	s25 =	sor.u32 s11, s25;
	[tilespmem:s24+$0x40] =	vst v2;
	v0 =	vadd.f32 v4, v0  }
0x16b: {  	s25 =	sshrl.u32 s25, $0x3;
	[tilespmem:s24+$0x50] =	vst v1  }
0x16c: {  	s26 =	simm.s32 $0x1DA00;
	[tilespmem:s24+$0x60] =	vst v0;
	s24 =	sadd.s32 s2, s25  }
0x16d: {  	[hbm4b:s24+s14] =	stream.strided.scatter [tilespmem:s26], [sflag:$0x3], $0x200, s22, s14, $0x38;
	[tilespmem:$0x1FA00] =	vst v63  }
0x16e: {  	s29 =	sadd.s32 $0x80, s24;
	s26 =	simm.s32 $0x1DC00  }
0x16f: {  	[hbm4b:s29+s14] =	stream.strided.scatter [tilespmem:s26], [sflag:$0x3], $0x200, s22, s14, $0x38;
	[tilespmem:$0x1FA00] =	vst v63  }
0x170: {  	s26 =	sadd.s32 $0x100, s24;
	s29 =	simm.s32 $0x1DE00  }
0x171: {  	[hbm4b:s26+s14] =	stream.strided.scatter [tilespmem:s29], [sflag:$0x3], $0x200, s22, s14, $0x38;
	[tilespmem:$0x1FA00] =	vst v63  }
0x172: {  	s26 =	sadd.s32 $0x180, s24;
	s29 =	simm.s32 $0x1E000  }
0x173: {  	[hbm4b:s26+s14] =	stream.strided.scatter [tilespmem:s29], [sflag:$0x3], $0x200, s22, s14, $0x38;
	[tilespmem:$0x1FA00] =	vst v63  }
0x174: {  	s26 =	sadd.s32 $0x200, s24;
	s29 =	simm.s32 $0x1E200  }
0x175: {  	[hbm4b:s26+s14] =	stream.strided.scatter [tilespmem:s29], [sflag:$0x3], $0x200, s22, s14, $0x38;
	[tilespmem:$0x1FA00] =	vst v63  }
0x176: {  	s26 =	sadd.s32 $0x280, s24;
	s29 =	simm.s32 $0x1E400  }
0x177: {  	[hbm4b:s26+s14] =	stream.strided.scatter [tilespmem:s29], [sflag:$0x3], $0x200, s22, s14, $0x38;
	[tilespmem:$0x1FA00] =	vst v63  }
0x178: {  	s26 =	sadd.s32 $0x300, s24  }
0x179: {  	[hbm4b:s26+s14] =	stream.strided.scatter [tilespmem:s30], [sflag:$0x3], $0x200, s22, s14, $0x38;
	[tilespmem:$0x1FA00] =	vst v63  }
0x17a: {  	p2 =	seq.s32 s20, $0x18;
	s24 =	sadd.s32 $0x380, s24  }
0x17b: {  	[hbm4b:s24+s14] =	stream.strided.scatter [tilespmem:s31], [sflag:$0x3], $0x200, s22, s14, $0x38;
	[tilespmem:$0x1FA00] =	vst v63  }
0x17c: {  	s24 =	sshll.u32 @!p2 s20, $0xD  }
0x17d: {  	s24 =	sand.u32 @!p2 $0x3FFFE000, s24  }
0x17e: {  	s28 =	simm.s32 @!p2 $0x400;
	s24 =	sadd.s32 @!p2 s24, s3  }
0x17f: {  	s29 =	simm.s32 @!p2 $0x1BA00;
	s26 =	simm.s32 @!p2 $0x200;
	s25 =	sadd.s32 @!p2 $0x2000, s24  }
0x180: {  	[tilespmem:s29], [sflag:$0x1] =	stream.strided.gather @!p2 [spmem:s25], $0x1000, s28, s26, $0x38;
	[tilespmem:$0x1FA00] =	vst v63  }
0x181: {  	_ =	swait.ge [sflag:s0], $0x1000  }
0x182: {  	[sflag:s0] =	ssyncset.done $0x0  }
0x183: {  	s25 =	simm.s32 @!p1 $0x4;
	[sflag:s0] =	ssyncadd.s32 $0xFFFFF000  }
0x184: {  	_ =	swait.ge @!p1 [sflag:s25], $0x1000  }
0x185: {  	[sflag:s25] =	ssyncset.done @!p1 $0x0  }
0x186: {  	s29 =	simm.s32 $0x1CC00;
	[sflag:s25] =	ssyncadd.s32 @!p1 $0xFFFFF000  }
0x187: {  	v1 =	vld [tilespmem:s29+$0x70]  }
0x188: {  	v2 =	vld [tilespmem:s29+$0xFFFFFE10]  }
0x189: {  	v3 =	vld [tilespmem:s29+$0xFFFFFE20]  }
0x18a: {  	v4 =	vld [tilespmem:s29+$0xFFFFFE30]  }
0x18b: {  	v5 =	vld [tilespmem:s29+$0xFFFFFE40]  }
0x18c: {  	v6 =	vld [tilespmem:s29+$0xFFFFFE50]  }
0x18d: {  	s23 =	sor.u32 $0x1, s23;
	v7 =	vld [tilespmem:s29+$0xFFFFFE60]  }
0x18e: {  	s24 =	sshll.u32 s23, $0x2;
	v8 =	vld [tilespmem:s29+$0xFFFFFE70]  }
0x18f: {  	v0 =	vmov s24;
	v9 =	vld [tilespmem:s29+$0x0]  }
0x190: {  	v0 =	vand.u32 $0xFFFFFFFC, v0;
	v10 =	vld [tilespmem:s29+$0x10]  }
0x191: {  	v0 =	vbroadcast v0, $0x0;
	v11 =	vld [tilespmem:s29+$0x20]  }
0x192: {  	v12 =	vld [tilespmem:s29+$0x30]  }
0x193: {  	v13 =	vld [tilespmem:s29+$0x40]  }
0x194: {  	v14 =	vld [tilespmem:s29+$0x50]  }
0x195: {  	v15 =	vld [tilespmem:s29+$0x60]  }
0x196: {  	v16 =	vld [tilespmem:s29+$0xFFFFFE00]  }
0x197: {  	v0 =	vld.idx.msk [tilespmem:v0+s17+$0x0], $0xffff  }
0x198: {  	v1 =	vld.idx.msk [tilespmem:v1+s4+$0x0], $0xffff  }
0x199: {  	v2 =	vld.idx.msk [tilespmem:v2+s4+$0x0], $0xffff  }
0x19a: {  	v3 =	vld.idx.msk [tilespmem:v3+s4+$0x0], $0xffff  }
0x19b: {  	v6 =	vld.idx.msk [tilespmem:v6+s4+$0x0], $0xffff  }
0x19c: {  	v4 =	vld.idx.msk [tilespmem:v4+s4+$0x0], $0xffff  }
0x19d: {  	v5 =	vld.idx.msk [tilespmem:v5+s4+$0x0], $0xffff  }
0x19e: {  	v7 =	vld.idx.msk [tilespmem:v7+s4+$0x0], $0xffff;
	v1 =	vmul.f32 $8.000000000e+00, v1  }
0x19f: {  	v8 =	vld.idx.msk [tilespmem:v8+s4+$0x0], $0xffff;
	v2 =	vmul.f32 $8.000000000e+00, v2  }
0x1a0: {  	v16 =	vld.idx.msk [tilespmem:v16+s4+$0x0], $0xffff;
	v3 =	vmul.f32 $8.000000000e+00, v3;
	v6 =	vmul.f32 $8.000000000e+00, v6;
	v1 =	vadd.f32 v1, v0  }
0x1a1: {  	s25 =	simm.s32 $0x1EC00;
	v9 =	vld.idx.msk [tilespmem:v9+s4+$0x0], $0xffff;
	v4 =	vmul.f32 $8.000000000e+00, v4;
	v2 =	vadd.f32 v2, v0  }
0x1a2: {  	v5 =	vmul.f32 $8.000000000e+00, v5;
	v6 =	vadd.f32 v6, v0;
	[tilespmem:s25+$0x70] =	vst v1;
	v1 =	vadd.f32 v3, v0;
	v3 =	vld.idx.msk [tilespmem:v10+s4+$0x0], $0xffff  }
0x1a3: {  	[tilespmem:s25+$0xFFFFFE10] =	vst v2;
	v2 =	vadd.f32 v4, v0;
	v4 =	vld.idx.msk [tilespmem:v11+s4+$0x0], $0xffff  }
0x1a4: {  	v10 =	vadd.f32 v5, v0;
	v11 =	vmul.f32 $8.000000000e+00, v7;
	v5 =	vld.idx.msk [tilespmem:v13+s4+$0x0], $0xffff;
	[tilespmem:s25+$0xFFFFFE50] =	vst v6  }
0x1a5: {  	v8 =	vmul.f32 $8.000000000e+00, v8;
	[tilespmem:s25+$0xFFFFFE20] =	vst v1;
	v1 =	vld.idx.msk [tilespmem:v12+s4+$0x0], $0xffff  }
0x1a6: {  	v7 =	vmul.f32 $8.000000000e+00, v16;
	v6 =	vld.idx.msk [tilespmem:v15+s4+$0x0], $0xffff;
	[tilespmem:s25+$0xFFFFFE40] =	vst v10;
	v10 =	vadd.f32 v11, v0  }
0x1a7: {  	s26 =	simm.s32 $0x0;
	s28 =	simm.s32 $0x1D000;
	v9 =	vmul.f32 $8.000000000e+00, v9;
	v8 =	vadd.f32 v8, v0;
	[tilespmem:s25+$0xFFFFFE30] =	vst v2;
	v2 =	vld.idx.msk [tilespmem:v14+s4+$0x0], $0xffff  }
.LBB2_11:
0x1a8: {  	v11 =	vld [tilespmem:s28+$0x70];
	s26 =	sadd.s32 $0x10, s26;
	v7 =	vadd.f32 v7, v0;
	[tilespmem:s25+$0xFFFFFE60] =	vst v10;
	v3 =	vmul.f32 $8.000000000e+00, v3  }
0x1a9: {  	v4 =	vmul.f32 $8.000000000e+00, v4;
	v10 =	vld [tilespmem:s28+$0xFFFFFE10];
	p1 =	slt.u32 s26, $0x30;
	[tilespmem:s25+$0xFFFFFE70] =	vst v8;
	v8 =	vadd.f32 v9, v0  }
0x1aa: {  	v1 =	vmul.f32 $8.000000000e+00, v1;
	v9 =	vld [tilespmem:s28+$0xFFFFFE20];
	[tilespmem:s25+$0xFFFFFE00] =	vst v7;
	v3 =	vadd.f32 v3, v0  }
0x1ab: {  	v4 =	vadd.f32 v4, v0;
	v5 =	vmul.f32 $8.000000000e+00, v5;
	v7 =	vld [tilespmem:s28+$0xFFFFFE30];
	[tilespmem:s25+$0x0] =	vst v8  }
0x1ac: {  	v1 =	vadd.f32 v1, v0;
	v2 =	vmul.f32 $8.000000000e+00, v2;
	v8 =	vld [tilespmem:s28+$0xFFFFFE40];
	[tilespmem:s25+$0x10] =	vst v3  }
0x1ad: {  	v3 =	vld [tilespmem:s28+$0xFFFFFE50];
	[tilespmem:s25+$0x20] =	vst v4;
	v4 =	vadd.f32 v5, v0;
	v5 =	vmul.f32 $8.000000000e+00, v6  }
0x1ae: {  	v6 =	vld [tilespmem:s28+$0xFFFFFE60];
	[tilespmem:s25+$0x30] =	vst v1;
	v1 =	vadd.f32 v2, v0  }
0x1af: {  	v2 =	vld [tilespmem:s28+$0xFFFFFE70];
	[tilespmem:s25+$0x40] =	vst v4;
	v4 =	vadd.f32 v5, v0  }
0x1b0: {  	v5 =	vld.idx.msk [tilespmem:v11+s4+$0x0], $0xffff;
	[tilespmem:s25+$0x50] =	vst v1  }
0x1b1: {  	v1 =	vld [tilespmem:s28+$0x0];
	[tilespmem:s25+$0x60] =	vst v4  }
0x1b2: {  	v4 =	vld [tilespmem:s28+$0x10]  }
0x1b3: {  	v11 =	vld [tilespmem:s28+$0x20]  }
0x1b4: {  	v12 =	vld [tilespmem:s28+$0x30]  }
0x1b5: {  	v13 =	vld [tilespmem:s28+$0x40]  }
0x1b6: {  	v5 =	vmul.f32 $8.000000000e+00, v5;
	v14 =	vld [tilespmem:s28+$0x50]  }
0x1b7: {  	v15 =	vld [tilespmem:s28+$0x60]  }
0x1b8: {  	v5 =	vadd.f32 v5, v0;
	v16 =	vld [tilespmem:s28+$0xFFFFFE00]  }
0x1b9: {  	s25 =	sadd.s32 $0x400, s25;
	v10 =	vld.idx.msk [tilespmem:v10+s4+$0x0], $0xffff  }
0x1ba: {  	v9 =	vld.idx.msk [tilespmem:v9+s4+$0x0], $0xffff;
	[tilespmem:s25+$0x70] =	vst v5  }
0x1bb: {  	v5 =	vld.idx.msk [tilespmem:v7+s4+$0x0], $0xffff  }
0x1bc: {  	v7 =	vld.idx.msk [tilespmem:v8+s4+$0x0], $0xffff  }
0x1bd: {  	v8 =	vld.idx.msk [tilespmem:v3+s4+$0x0], $0xffff  }
0x1be: {  	v6 =	vld.idx.msk [tilespmem:v6+s4+$0x0], $0xffff  }
0x1bf: {  	v3 =	vmul.f32 $8.000000000e+00, v10;
	v2 =	vld.idx.msk [tilespmem:v2+s4+$0x0], $0xffff  }
0x1c0: {  	v9 =	vmul.f32 $8.000000000e+00, v9;
	v10 =	vld.idx.msk [tilespmem:v16+s4+$0x0], $0xffff  }
0x1c1: {  	v16 =	vadd.f32 v3, v0;
	v5 =	vmul.f32 $8.000000000e+00, v5;
	v17 =	vld.idx.msk [tilespmem:v1+s4+$0x0], $0xffff  }
0x1c2: {  	v1 =	vadd.f32 v9, v0;
	v7 =	vmul.f32 $8.000000000e+00, v7;
	v3 =	vld.idx.msk [tilespmem:v4+s4+$0x0], $0xffff  }
.Ltmp6:
0x1c3: {  	v5 =	vadd.f32 v5, v0;
	v8 =	vmul.f32 $8.000000000e+00, v8;
	[tilespmem:s25+$0xFFFFFE10] =	vst v16;
	v4 =	vld.idx.msk [tilespmem:v11+s4+$0x0], $0xffff;
	(pc) =	sbr.rel @p1 .LBB2_11-.Ltmp6, $4  }
0x1c4: {  	v9 =	vadd.f32 v7, v0;
	v6 =	vmul.f32 $8.000000000e+00, v6;
	[tilespmem:s25+$0xFFFFFE20] =	vst v1;
	v1 =	vld.idx.msk [tilespmem:v12+s4+$0x0], $0xffff  }
0x1c5: {  	v8 =	vadd.f32 v8, v0;
	v11 =	vmul.f32 $8.000000000e+00, v2;
	[tilespmem:s25+$0xFFFFFE30] =	vst v5;
	v5 =	vld.idx.msk [tilespmem:v13+s4+$0x0], $0xffff  }
0x1c6: {  	v7 =	vmul.f32 $8.000000000e+00, v10;
	v10 =	vadd.f32 v6, v0;
	[tilespmem:s25+$0xFFFFFE40] =	vst v9;
	v2 =	vld.idx.msk [tilespmem:v14+s4+$0x0], $0xffff  }
0x1c7: {  	s28 =	sadd.s32 $0x400, s28;
	v9 =	vmul.f32 $8.000000000e+00, v17;
	[tilespmem:s25+$0xFFFFFE50] =	vst v8;
	v8 =	vadd.f32 v11, v0;
	v6 =	vld.idx.msk [tilespmem:v15+s4+$0x0], $0xffff  }
0x1c8: {  	v7 =	vadd.f32 v7, v0;
	[tilespmem:s25+$0xFFFFFE60] =	vst v10;
	v3 =	vmul.f32 $8.000000000e+00, v3  }
0x1c9: {  	v4 =	vmul.f32 $8.000000000e+00, v4;
	[tilespmem:s25+$0xFFFFFE70] =	vst v8;
	v8 =	vadd.f32 v9, v0  }
0x1ca: {  	v1 =	vmul.f32 $8.000000000e+00, v1;
	[tilespmem:s25+$0xFFFFFE00] =	vst v7;
	v3 =	vadd.f32 v3, v0  }
0x1cb: {  	v4 =	vadd.f32 v4, v0;
	v5 =	vmul.f32 $8.000000000e+00, v5;
	[tilespmem:s25+$0x0] =	vst v8  }
0x1cc: {  	v1 =	vadd.f32 v1, v0;
	v2 =	vmul.f32 $8.000000000e+00, v2;
	[tilespmem:s25+$0x10] =	vst v3  }
0x1cd: {  	[tilespmem:s25+$0x20] =	vst v4;
	v4 =	vadd.f32 v5, v0;
	v5 =	vmul.f32 $8.000000000e+00, v6  }
0x1ce: {  	[tilespmem:s25+$0x30] =	vst v1;
	v1 =	vadd.f32 v2, v0  }
0x1cf: {  	[tilespmem:s25+$0x40] =	vst v4;
	v0 =	vadd.f32 v5, v0  }
0x1d0: {  	[tilespmem:s25+$0x50] =	vst v1  }
0x1d1: {  	s29 =	simm.s32 $0x1CC80;
	[tilespmem:s25+$0x60] =	vst v0  }
0x1d2: {  	v1 =	vld [tilespmem:s29+$0x70]  }
0x1d3: {  	v2 =	vld [tilespmem:s29+$0xFFFFFE10]  }
0x1d4: {  	s26 =	sor.u32 $0x1, s24;
	v4 =	vld [tilespmem:s29+$0xFFFFFE30]  }
0x1d5: {  	v7 =	vmov s26;
	v5 =	vld [tilespmem:s29+$0xFFFFFE40]  }
0x1d6: {  	v7 =	vand.u32 $0xFFFFFFFD, v7;
	v6 =	vld [tilespmem:s29+$0xFFFFFE50]  }
0x1d7: {  	v3 =	vbroadcast v7, $0x0;
	v7 =	vld [tilespmem:s29+$0xFFFFFE60]  }
0x1d8: {  	v8 =	vld [tilespmem:s29+$0xFFFFFE70]  }
0x1d9: {  	v9 =	vld [tilespmem:s29+$0x0]  }
0x1da: {  	v10 =	vld [tilespmem:s29+$0x10]  }
0x1db: {  	v11 =	vld [tilespmem:s29+$0x20]  }
0x1dc: {  	v12 =	vld [tilespmem:s29+$0x30]  }
0x1dd: {  	v0 =	vld.idx.msk [tilespmem:v3+s17+$0x0], $0xffff  }
0x1de: {  	v3 =	vld [tilespmem:s29+$0xFFFFFE20]  }
0x1df: {  	v13 =	vld [tilespmem:s29+$0x40]  }
0x1e0: {  	v14 =	vld [tilespmem:s29+$0x50]  }
0x1e1: {  	v15 =	vld [tilespmem:s29+$0x60]  }
0x1e2: {  	v16 =	vld [tilespmem:s29+$0xFFFFFE00]  }
0x1e3: {  	v1 =	vld.idx.msk [tilespmem:v1+s4+$0x0], $0xffff  }
0x1e4: {  	v2 =	vld.idx.msk [tilespmem:v2+s4+$0x0], $0xffff  }
0x1e5: {  	v6 =	vld.idx.msk [tilespmem:v6+s4+$0x0], $0xffff  }
0x1e6: {  	v3 =	vld.idx.msk [tilespmem:v3+s4+$0x0], $0xffff  }
0x1e7: {  	v4 =	vld.idx.msk [tilespmem:v4+s4+$0x0], $0xffff  }
0x1e8: {  	v5 =	vld.idx.msk [tilespmem:v5+s4+$0x0], $0xffff  }
0x1e9: {  	v7 =	vld.idx.msk [tilespmem:v7+s4+$0x0], $0xffff;
	v1 =	vmul.f32 $8.000000000e+00, v1  }
0x1ea: {  	v8 =	vld.idx.msk [tilespmem:v8+s4+$0x0], $0xffff;
	v2 =	vmul.f32 $8.000000000e+00, v2  }
0x1eb: {  	v16 =	vld.idx.msk [tilespmem:v16+s4+$0x0], $0xffff;
	v6 =	vmul.f32 $8.000000000e+00, v6;
	v3 =	vmul.f32 $8.000000000e+00, v3;
	v1 =	vadd.f32 v1, v0  }
0x1ec: {  	s25 =	simm.s32 $0x1EC80;
	v9 =	vld.idx.msk [tilespmem:v9+s4+$0x0], $0xffff;
	v4 =	vmul.f32 $8.000000000e+00, v4;
	v2 =	vadd.f32 v2, v0  }
0x1ed: {  	v5 =	vmul.f32 $8.000000000e+00, v5;
	v6 =	vadd.f32 v6, v0;
	[tilespmem:s25+$0x70] =	vst v1;
	v1 =	vadd.f32 v3, v0;
	v3 =	vld.idx.msk [tilespmem:v10+s4+$0x0], $0xffff  }
0x1ee: {  	[tilespmem:s25+$0xFFFFFE10] =	vst v2;
	v2 =	vadd.f32 v4, v0;
	v4 =	vld.idx.msk [tilespmem:v11+s4+$0x0], $0xffff  }
0x1ef: {  	v10 =	vadd.f32 v5, v0;
	v11 =	vmul.f32 $8.000000000e+00, v7;
	v5 =	vld.idx.msk [tilespmem:v13+s4+$0x0], $0xffff;
	[tilespmem:s25+$0xFFFFFE50] =	vst v6  }
0x1f0: {  	v8 =	vmul.f32 $8.000000000e+00, v8;
	[tilespmem:s25+$0xFFFFFE20] =	vst v1;
	v1 =	vld.idx.msk [tilespmem:v12+s4+$0x0], $0xffff  }
0x1f1: {  	v7 =	vmul.f32 $8.000000000e+00, v16;
	v6 =	vld.idx.msk [tilespmem:v15+s4+$0x0], $0xffff;
	[tilespmem:s25+$0xFFFFFE40] =	vst v10;
	v10 =	vadd.f32 v11, v0  }
0x1f2: {  	s28 =	simm.s32 $0x1D080;
	s26 =	simm.s32 $0x0;
	v9 =	vmul.f32 $8.000000000e+00, v9;
	v8 =	vadd.f32 v8, v0;
	[tilespmem:s25+$0xFFFFFE30] =	vst v2;
	v2 =	vld.idx.msk [tilespmem:v14+s4+$0x0], $0xffff  }
.LBB2_13:
0x1f3: {  	v11 =	vld [tilespmem:s28+$0x70];
	s26 =	sadd.s32 $0x10, s26;
	v7 =	vadd.f32 v7, v0;
	[tilespmem:s25+$0xFFFFFE60] =	vst v10;
	v3 =	vmul.f32 $8.000000000e+00, v3  }
0x1f4: {  	v4 =	vmul.f32 $8.000000000e+00, v4;
	v10 =	vld [tilespmem:s28+$0xFFFFFE10];
	p1 =	slt.u32 s26, $0x30;
	[tilespmem:s25+$0xFFFFFE70] =	vst v8;
	v8 =	vadd.f32 v9, v0  }
0x1f5: {  	v1 =	vmul.f32 $8.000000000e+00, v1;
	v9 =	vld [tilespmem:s28+$0xFFFFFE20];
	[tilespmem:s25+$0xFFFFFE00] =	vst v7;
	v3 =	vadd.f32 v3, v0  }
0x1f6: {  	v4 =	vadd.f32 v4, v0;
	v5 =	vmul.f32 $8.000000000e+00, v5;
	v7 =	vld [tilespmem:s28+$0xFFFFFE30];
	[tilespmem:s25+$0x0] =	vst v8  }
0x1f7: {  	v1 =	vadd.f32 v1, v0;
	v2 =	vmul.f32 $8.000000000e+00, v2;
	v8 =	vld [tilespmem:s28+$0xFFFFFE40];
	[tilespmem:s25+$0x10] =	vst v3  }
0x1f8: {  	v3 =	vld [tilespmem:s28+$0xFFFFFE50];
	[tilespmem:s25+$0x20] =	vst v4;
	v4 =	vadd.f32 v5, v0;
	v5 =	vmul.f32 $8.000000000e+00, v6  }
0x1f9: {  	v6 =	vld [tilespmem:s28+$0xFFFFFE60];
	[tilespmem:s25+$0x30] =	vst v1;
	v1 =	vadd.f32 v2, v0  }
0x1fa: {  	v2 =	vld [tilespmem:s28+$0xFFFFFE70];
	[tilespmem:s25+$0x40] =	vst v4;
	v4 =	vadd.f32 v5, v0  }
0x1fb: {  	v5 =	vld.idx.msk [tilespmem:v11+s4+$0x0], $0xffff;
	[tilespmem:s25+$0x50] =	vst v1  }
0x1fc: {  	v1 =	vld [tilespmem:s28+$0x0];
	[tilespmem:s25+$0x60] =	vst v4  }
0x1fd: {  	v4 =	vld [tilespmem:s28+$0x10]  }
0x1fe: {  	v11 =	vld [tilespmem:s28+$0x20]  }
0x1ff: {  	v12 =	vld [tilespmem:s28+$0x30]  }
0x200: {  	v13 =	vld [tilespmem:s28+$0x40]  }
0x201: {  	v5 =	vmul.f32 $8.000000000e+00, v5;
	v14 =	vld [tilespmem:s28+$0x50]  }
0x202: {  	v15 =	vld [tilespmem:s28+$0x60]  }
0x203: {  	v5 =	vadd.f32 v5, v0;
	v16 =	vld [tilespmem:s28+$0xFFFFFE00]  }
0x204: {  	s25 =	sadd.s32 $0x400, s25;
	v10 =	vld.idx.msk [tilespmem:v10+s4+$0x0], $0xffff  }
0x205: {  	v9 =	vld.idx.msk [tilespmem:v9+s4+$0x0], $0xffff;
	[tilespmem:s25+$0x70] =	vst v5  }
0x206: {  	v5 =	vld.idx.msk [tilespmem:v7+s4+$0x0], $0xffff  }
0x207: {  	v7 =	vld.idx.msk [tilespmem:v8+s4+$0x0], $0xffff  }
0x208: {  	v8 =	vld.idx.msk [tilespmem:v3+s4+$0x0], $0xffff  }
0x209: {  	v6 =	vld.idx.msk [tilespmem:v6+s4+$0x0], $0xffff  }
0x20a: {  	v3 =	vmul.f32 $8.000000000e+00, v10;
	v2 =	vld.idx.msk [tilespmem:v2+s4+$0x0], $0xffff  }
0x20b: {  	v9 =	vmul.f32 $8.000000000e+00, v9;
	v10 =	vld.idx.msk [tilespmem:v16+s4+$0x0], $0xffff  }
0x20c: {  	v16 =	vadd.f32 v3, v0;
	v5 =	vmul.f32 $8.000000000e+00, v5;
	v17 =	vld.idx.msk [tilespmem:v1+s4+$0x0], $0xffff  }
0x20d: {  	v1 =	vadd.f32 v9, v0;
	v7 =	vmul.f32 $8.000000000e+00, v7;
	v3 =	vld.idx.msk [tilespmem:v4+s4+$0x0], $0xffff  }
.Ltmp7:
0x20e: {  	v5 =	vadd.f32 v5, v0;
	v8 =	vmul.f32 $8.000000000e+00, v8;
	[tilespmem:s25+$0xFFFFFE10] =	vst v16;
	v4 =	vld.idx.msk [tilespmem:v11+s4+$0x0], $0xffff;
	(pc) =	sbr.rel @p1 .LBB2_13-.Ltmp7, $4  }
0x20f: {  	v9 =	vadd.f32 v7, v0;
	v6 =	vmul.f32 $8.000000000e+00, v6;
	[tilespmem:s25+$0xFFFFFE20] =	vst v1;
	v1 =	vld.idx.msk [tilespmem:v12+s4+$0x0], $0xffff  }
0x210: {  	v8 =	vadd.f32 v8, v0;
	v11 =	vmul.f32 $8.000000000e+00, v2;
	[tilespmem:s25+$0xFFFFFE30] =	vst v5;
	v5 =	vld.idx.msk [tilespmem:v13+s4+$0x0], $0xffff  }
0x211: {  	v7 =	vmul.f32 $8.000000000e+00, v10;
	v10 =	vadd.f32 v6, v0;
	[tilespmem:s25+$0xFFFFFE40] =	vst v9;
	v2 =	vld.idx.msk [tilespmem:v14+s4+$0x0], $0xffff  }
0x212: {  	s28 =	sadd.s32 $0x400, s28;
	v9 =	vmul.f32 $8.000000000e+00, v17;
	[tilespmem:s25+$0xFFFFFE50] =	vst v8;
	v8 =	vadd.f32 v11, v0;
	v6 =	vld.idx.msk [tilespmem:v15+s4+$0x0], $0xffff  }
0x213: {  	v7 =	vadd.f32 v7, v0;
	[tilespmem:s25+$0xFFFFFE60] =	vst v10;
	v3 =	vmul.f32 $8.000000000e+00, v3  }
0x214: {  	v4 =	vmul.f32 $8.000000000e+00, v4;
	[tilespmem:s25+$0xFFFFFE70] =	vst v8;
	v8 =	vadd.f32 v9, v0  }
0x215: {  	v1 =	vmul.f32 $8.000000000e+00, v1;
	[tilespmem:s25+$0xFFFFFE00] =	vst v7;
	v3 =	vadd.f32 v3, v0  }
0x216: {  	v4 =	vadd.f32 v4, v0;
	v5 =	vmul.f32 $8.000000000e+00, v5;
	[tilespmem:s25+$0x0] =	vst v8  }
0x217: {  	v1 =	vadd.f32 v1, v0;
	v2 =	vmul.f32 $8.000000000e+00, v2;
	[tilespmem:s25+$0x10] =	vst v3  }
0x218: {  	[tilespmem:s25+$0x20] =	vst v4;
	v4 =	vadd.f32 v5, v0;
	v5 =	vmul.f32 $8.000000000e+00, v6  }
0x219: {  	[tilespmem:s25+$0x30] =	vst v1;
	v1 =	vadd.f32 v2, v0  }
0x21a: {  	[tilespmem:s25+$0x40] =	vst v4;
	v0 =	vadd.f32 v5, v0  }
0x21b: {  	[tilespmem:s25+$0x50] =	vst v1  }
0x21c: {  	s29 =	simm.s32 $0x1CD00;
	[tilespmem:s25+$0x60] =	vst v0  }
0x21d: {  	v1 =	vld [tilespmem:s29+$0x70]  }
0x21e: {  	v2 =	vld [tilespmem:s29+$0xFFFFFE10]  }
0x21f: {  	s26 =	sor.u32 $0x2, s24;
	v4 =	vld [tilespmem:s29+$0xFFFFFE30]  }
0x220: {  	v7 =	vmov s26;
	v5 =	vld [tilespmem:s29+$0xFFFFFE40]  }
0x221: {  	v7 =	vand.u32 $0xFFFFFFFE, v7;
	v6 =	vld [tilespmem:s29+$0xFFFFFE50]  }
0x222: {  	v3 =	vbroadcast v7, $0x0;
	v7 =	vld [tilespmem:s29+$0xFFFFFE60]  }
0x223: {  	v8 =	vld [tilespmem:s29+$0xFFFFFE70]  }
0x224: {  	v9 =	vld [tilespmem:s29+$0x0]  }
0x225: {  	v10 =	vld [tilespmem:s29+$0x10]  }
0x226: {  	v11 =	vld [tilespmem:s29+$0x20]  }
0x227: {  	v12 =	vld [tilespmem:s29+$0x30]  }
0x228: {  	v13 =	vld [tilespmem:s29+$0x40]  }
0x229: {  	v0 =	vld.idx.msk [tilespmem:v3+s17+$0x0], $0xffff  }
0x22a: {  	v3 =	vld [tilespmem:s29+$0xFFFFFE20]  }
0x22b: {  	v14 =	vld [tilespmem:s29+$0x50]  }
0x22c: {  	v15 =	vld [tilespmem:s29+$0x60]  }
0x22d: {  	v16 =	vld [tilespmem:s29+$0xFFFFFE00]  }
0x22e: {  	v1 =	vld.idx.msk [tilespmem:v1+s4+$0x0], $0xffff  }
0x22f: {  	v2 =	vld.idx.msk [tilespmem:v2+s4+$0x0], $0xffff  }
0x230: {  	v4 =	vld.idx.msk [tilespmem:v4+s4+$0x0], $0xffff  }
0x231: {  	v5 =	vld.idx.msk [tilespmem:v5+s4+$0x0], $0xffff  }
0x232: {  	v3 =	vld.idx.msk [tilespmem:v3+s4+$0x0], $0xffff  }
0x233: {  	v6 =	vld.idx.msk [tilespmem:v6+s4+$0x0], $0xffff  }
0x234: {  	v7 =	vld.idx.msk [tilespmem:v7+s4+$0x0], $0xffff;
	v1 =	vmul.f32 $8.000000000e+00, v1  }
0x235: {  	v8 =	vld.idx.msk [tilespmem:v8+s4+$0x0], $0xffff;
	v2 =	vmul.f32 $8.000000000e+00, v2  }
0x236: {  	v16 =	vld.idx.msk [tilespmem:v16+s4+$0x0], $0xffff;
	v4 =	vmul.f32 $8.000000000e+00, v4;
	v1 =	vadd.f32 v1, v0  }
0x237: {  	s25 =	simm.s32 $0x1ED00;
	v9 =	vld.idx.msk [tilespmem:v9+s4+$0x0], $0xffff;
	v3 =	vmul.f32 $8.000000000e+00, v3;
	v2 =	vadd.f32 v2, v0  }
0x238: {  	v5 =	vmul.f32 $8.000000000e+00, v5;
	v4 =	vadd.f32 v4, v0;
	[tilespmem:s25+$0x70] =	vst v1;
	v1 =	vld.idx.msk [tilespmem:v10+s4+$0x0], $0xffff  }
0x239: {  	v6 =	vmul.f32 $8.000000000e+00, v6;
	v3 =	vadd.f32 v3, v0;
	[tilespmem:s25+$0xFFFFFE10] =	vst v2;
	v2 =	vld.idx.msk [tilespmem:v11+s4+$0x0], $0xffff  }
0x23a: {  	v5 =	vadd.f32 v5, v0;
	v10 =	vmul.f32 $8.000000000e+00, v7;
	[tilespmem:s25+$0xFFFFFE30] =	vst v4;
	v4 =	vld.idx.msk [tilespmem:v13+s4+$0x0], $0xffff  }
0x23b: {  	v8 =	vmul.f32 $8.000000000e+00, v8;
	v6 =	vadd.f32 v6, v0;
	[tilespmem:s25+$0xFFFFFE20] =	vst v3;
	v3 =	vld.idx.msk [tilespmem:v12+s4+$0x0], $0xffff  }
0x23c: {  	v7 =	vmul.f32 $8.000000000e+00, v16;
	[tilespmem:s25+$0xFFFFFE40] =	vst v5;
	v5 =	vld.idx.msk [tilespmem:v14+s4+$0x0], $0xffff;
	v10 =	vadd.f32 v10, v0  }
0x23d: {  	s28 =	simm.s32 $0x1D100;
	s26 =	simm.s32 $0x0;
	v9 =	vmul.f32 $8.000000000e+00, v9;
	v8 =	vadd.f32 v8, v0;
	[tilespmem:s25+$0xFFFFFE50] =	vst v6;
	v6 =	vld.idx.msk [tilespmem:v15+s4+$0x0], $0xffff  }
.LBB2_15:
0x23e: {  	v11 =	vld [tilespmem:s28+$0x70];
	s26 =	sadd.s32 $0x10, s26;
	v7 =	vadd.f32 v7, v0;
	[tilespmem:s25+$0xFFFFFE60] =	vst v10;
	v1 =	vmul.f32 $8.000000000e+00, v1  }
0x23f: {  	v2 =	vmul.f32 $8.000000000e+00, v2;
	v10 =	vld [tilespmem:s28+$0xFFFFFE10];
	p1 =	slt.u32 s26, $0x30;
	[tilespmem:s25+$0xFFFFFE70] =	vst v8;
	v8 =	vadd.f32 v9, v0  }
0x240: {  	v3 =	vmul.f32 $8.000000000e+00, v3;
	v9 =	vld [tilespmem:s28+$0xFFFFFE20];
	[tilespmem:s25+$0xFFFFFE00] =	vst v7;
	v1 =	vadd.f32 v1, v0  }
0x241: {  	v2 =	vadd.f32 v2, v0;
	v4 =	vmul.f32 $8.000000000e+00, v4;
	v7 =	vld [tilespmem:s28+$0xFFFFFE30];
	[tilespmem:s25+$0x0] =	vst v8  }
0x242: {  	v8 =	vld [tilespmem:s28+$0xFFFFFE40];
	[tilespmem:s25+$0x10] =	vst v1;
	v1 =	vadd.f32 v3, v0;
	v3 =	vmul.f32 $8.000000000e+00, v5  }
0x243: {  	v5 =	vld [tilespmem:s28+$0xFFFFFE50];
	[tilespmem:s25+$0x20] =	vst v2;
	v2 =	vadd.f32 v4, v0;
	v4 =	vmul.f32 $8.000000000e+00, v6  }
0x244: {  	v6 =	vld [tilespmem:s28+$0xFFFFFE60];
	[tilespmem:s25+$0x30] =	vst v1;
	v1 =	vadd.f32 v3, v0  }
0x245: {  	v3 =	vld [tilespmem:s28+$0xFFFFFE70];
	[tilespmem:s25+$0x40] =	vst v2;
	v2 =	vadd.f32 v4, v0  }
0x246: {  	v4 =	vld.idx.msk [tilespmem:v11+s4+$0x0], $0xffff;
	[tilespmem:s25+$0x50] =	vst v1  }
0x247: {  	v1 =	vld [tilespmem:s28+$0x0];
	[tilespmem:s25+$0x60] =	vst v2  }
0x248: {  	v2 =	vld [tilespmem:s28+$0x10]  }
0x249: {  	v11 =	vld [tilespmem:s28+$0x20]  }
0x24a: {  	v12 =	vld [tilespmem:s28+$0x30]  }
0x24b: {  	v13 =	vld [tilespmem:s28+$0x40]  }
0x24c: {  	v4 =	vmul.f32 $8.000000000e+00, v4;
	v14 =	vld [tilespmem:s28+$0x50]  }
0x24d: {  	v15 =	vld [tilespmem:s28+$0x60]  }
0x24e: {  	v4 =	vadd.f32 v4, v0;
	v16 =	vld [tilespmem:s28+$0xFFFFFE00]  }
0x24f: {  	s25 =	sadd.s32 $0x400, s25;
	v10 =	vld.idx.msk [tilespmem:v10+s4+$0x0], $0xffff  }
0x250: {  	v9 =	vld.idx.msk [tilespmem:v9+s4+$0x0], $0xffff;
	[tilespmem:s25+$0x70] =	vst v4  }
0x251: {  	v4 =	vld.idx.msk [tilespmem:v7+s4+$0x0], $0xffff  }
0x252: {  	v7 =	vld.idx.msk [tilespmem:v8+s4+$0x0], $0xffff  }
0x253: {  	v5 =	vld.idx.msk [tilespmem:v5+s4+$0x0], $0xffff  }
0x254: {  	v6 =	vld.idx.msk [tilespmem:v6+s4+$0x0], $0xffff  }
0x255: {  	v8 =	vmul.f32 $8.000000000e+00, v10;
	v10 =	vld.idx.msk [tilespmem:v3+s4+$0x0], $0xffff  }
0x256: {  	v3 =	vmul.f32 $8.000000000e+00, v9;
	v16 =	vld.idx.msk [tilespmem:v16+s4+$0x0], $0xffff  }
0x257: {  	v8 =	vadd.f32 v8, v0;
	v4 =	vmul.f32 $8.000000000e+00, v4;
	v9 =	vld.idx.msk [tilespmem:v1+s4+$0x0], $0xffff  }
0x258: {  	v3 =	vadd.f32 v3, v0;
	v7 =	vmul.f32 $8.000000000e+00, v7;
	v1 =	vld.idx.msk [tilespmem:v2+s4+$0x0], $0xffff  }
.Ltmp8:
0x259: {  	v4 =	vadd.f32 v4, v0;
	v5 =	vmul.f32 $8.000000000e+00, v5;
	[tilespmem:s25+$0xFFFFFE10] =	vst v8;
	v2 =	vld.idx.msk [tilespmem:v11+s4+$0x0], $0xffff;
	(pc) =	sbr.rel @p1 .LBB2_15-.Ltmp8, $4  }
0x25a: {  	v8 =	vadd.f32 v7, v0;
	v6 =	vmul.f32 $8.000000000e+00, v6;
	[tilespmem:s25+$0xFFFFFE20] =	vst v3;
	v3 =	vld.idx.msk [tilespmem:v12+s4+$0x0], $0xffff  }
0x25b: {  	v11 =	vadd.f32 v5, v0;
	v12 =	vmul.f32 $8.000000000e+00, v10;
	[tilespmem:s25+$0xFFFFFE30] =	vst v4;
	v4 =	vld.idx.msk [tilespmem:v13+s4+$0x0], $0xffff  }
0x25c: {  	v7 =	vmul.f32 $8.000000000e+00, v16;
	v10 =	vadd.f32 v6, v0;
	[tilespmem:s25+$0xFFFFFE40] =	vst v8;
	v5 =	vld.idx.msk [tilespmem:v14+s4+$0x0], $0xffff  }
0x25d: {  	s28 =	sadd.s32 $0x400, s28;
	v8 =	vadd.f32 v12, v0;
	v9 =	vmul.f32 $8.000000000e+00, v9;
	[tilespmem:s25+$0xFFFFFE50] =	vst v11;
	v6 =	vld.idx.msk [tilespmem:v15+s4+$0x0], $0xffff  }
0x25e: {  	v7 =	vadd.f32 v7, v0;
	[tilespmem:s25+$0xFFFFFE60] =	vst v10;
	v1 =	vmul.f32 $8.000000000e+00, v1  }
0x25f: {  	v2 =	vmul.f32 $8.000000000e+00, v2;
	[tilespmem:s25+$0xFFFFFE70] =	vst v8;
	v8 =	vadd.f32 v9, v0  }
0x260: {  	v3 =	vmul.f32 $8.000000000e+00, v3;
	[tilespmem:s25+$0xFFFFFE00] =	vst v7;
	v1 =	vadd.f32 v1, v0  }
0x261: {  	v2 =	vadd.f32 v2, v0;
	v4 =	vmul.f32 $8.000000000e+00, v4;
	[tilespmem:s25+$0x0] =	vst v8  }
0x262: {  	s24 =	sor.u32 $0x3, s24;
	[tilespmem:s25+$0x10] =	vst v1;
	v1 =	vadd.f32 v3, v0;
	v3 =	vmul.f32 $8.000000000e+00, v5  }
0x263: {  	[tilespmem:s25+$0x20] =	vst v2;
	v2 =	vadd.f32 v4, v0;
	v4 =	vmul.f32 $8.000000000e+00, v6;
	v5 =	vmov s24  }
0x264: {  	[tilespmem:s25+$0x30] =	vst v1;
	v1 =	vadd.f32 v3, v0  }
0x265: {  	[tilespmem:s25+$0x40] =	vst v2;
	v0 =	vadd.f32 v4, v0  }
0x266: {  	[tilespmem:s25+$0x50] =	vst v1  }
0x267: {  	[tilespmem:s25+$0x60] =	vst v0  }
0x268: {  	s29 =	simm.s32 $0x1CD80;
	v0 =	vld.idx.msk [tilespmem:v5+s17+$0x0], $0xffff  }
0x269: {  	v1 =	vld [tilespmem:s29+$0x70]  }
0x26a: {  	v2 =	vld [tilespmem:s29+$0xFFFFFE10]  }
0x26b: {  	v3 =	vld [tilespmem:s29+$0xFFFFFE20]  }
0x26c: {  	v4 =	vld [tilespmem:s29+$0xFFFFFE30]  }
0x26d: {  	v5 =	vld [tilespmem:s29+$0xFFFFFE40]  }
0x26e: {  	v6 =	vld [tilespmem:s29+$0xFFFFFE50]  }
0x26f: {  	v7 =	vld [tilespmem:s29+$0xFFFFFE60]  }
0x270: {  	v8 =	vld [tilespmem:s29+$0xFFFFFE70]  }
0x271: {  	v9 =	vld [tilespmem:s29+$0x0]  }
0x272: {  	v10 =	vld [tilespmem:s29+$0x10]  }
0x273: {  	v11 =	vld [tilespmem:s29+$0x20]  }
0x274: {  	v12 =	vld [tilespmem:s29+$0x30]  }
0x275: {  	v13 =	vld [tilespmem:s29+$0x40]  }
0x276: {  	v14 =	vld [tilespmem:s29+$0x50]  }
0x277: {  	v15 =	vld [tilespmem:s29+$0x60]  }
0x278: {  	v16 =	vld [tilespmem:s29+$0xFFFFFE00]  }
0x279: {  	v1 =	vld.idx.msk [tilespmem:v1+s4+$0x0], $0xffff  }
0x27a: {  	v2 =	vld.idx.msk [tilespmem:v2+s4+$0x0], $0xffff  }
0x27b: {  	v3 =	vld.idx.msk [tilespmem:v3+s4+$0x0], $0xffff  }
0x27c: {  	v4 =	vld.idx.msk [tilespmem:v4+s4+$0x0], $0xffff  }
0x27d: {  	v5 =	vld.idx.msk [tilespmem:v5+s4+$0x0], $0xffff  }
0x27e: {  	v6 =	vld.idx.msk [tilespmem:v6+s4+$0x0], $0xffff  }
0x27f: {  	v7 =	vld.idx.msk [tilespmem:v7+s4+$0x0], $0xffff;
	v1 =	vmul.f32 $8.000000000e+00, v1  }
0x280: {  	v8 =	vld.idx.msk [tilespmem:v8+s4+$0x0], $0xffff;
	v2 =	vmul.f32 $8.000000000e+00, v2  }
0x281: {  	v16 =	vld.idx.msk [tilespmem:v16+s4+$0x0], $0xffff;
	v3 =	vmul.f32 $8.000000000e+00, v3;
	v1 =	vadd.f32 v1, v0  }
0x282: {  	s24 =	simm.s32 $0x1ED80;
	v9 =	vld.idx.msk [tilespmem:v9+s4+$0x0], $0xffff;
	v4 =	vmul.f32 $8.000000000e+00, v4;
	v2 =	vadd.f32 v2, v0  }
0x283: {  	v5 =	vmul.f32 $8.000000000e+00, v5;
	v3 =	vadd.f32 v3, v0;
	[tilespmem:s24+$0x70] =	vst v1;
	v1 =	vld.idx.msk [tilespmem:v10+s4+$0x0], $0xffff  }
0x284: {  	v6 =	vmul.f32 $8.000000000e+00, v6;
	v4 =	vadd.f32 v4, v0;
	[tilespmem:s24+$0xFFFFFE10] =	vst v2;
	v2 =	vld.idx.msk [tilespmem:v11+s4+$0x0], $0xffff  }
0x285: {  	v5 =	vadd.f32 v5, v0;
	[tilespmem:s24+$0xFFFFFE20] =	vst v3;
	v3 =	vld.idx.msk [tilespmem:v12+s4+$0x0], $0xffff;
	v10 =	vmul.f32 $8.000000000e+00, v7  }
0x286: {  	v8 =	vmul.f32 $8.000000000e+00, v8;
	v6 =	vadd.f32 v6, v0;
	[tilespmem:s24+$0xFFFFFE30] =	vst v4;
	v4 =	vld.idx.msk [tilespmem:v13+s4+$0x0], $0xffff  }
0x287: {  	v7 =	vmul.f32 $8.000000000e+00, v16;
	[tilespmem:s24+$0xFFFFFE40] =	vst v5;
	v5 =	vld.idx.msk [tilespmem:v14+s4+$0x0], $0xffff;
	v10 =	vadd.f32 v10, v0  }
0x288: {  	s26 =	simm.s32 $0x1D180;
	s25 =	simm.s32 $0x0;
	v9 =	vmul.f32 $8.000000000e+00, v9;
	v8 =	vadd.f32 v8, v0;
	[tilespmem:s24+$0xFFFFFE50] =	vst v6;
	v6 =	vld.idx.msk [tilespmem:v15+s4+$0x0], $0xffff  }
.LBB2_17:
0x289: {  	v11 =	vld [tilespmem:s26+$0x70];
	s25 =	sadd.s32 $0x10, s25;
	v7 =	vadd.f32 v7, v0;
	[tilespmem:s24+$0xFFFFFE60] =	vst v10;
	v1 =	vmul.f32 $8.000000000e+00, v1  }
0x28a: {  	v2 =	vmul.f32 $8.000000000e+00, v2;
	v10 =	vld [tilespmem:s26+$0xFFFFFE10];
	p1 =	slt.u32 s25, $0x30;
	[tilespmem:s24+$0xFFFFFE70] =	vst v8;
	v8 =	vadd.f32 v9, v0  }
0x28b: {  	v3 =	vmul.f32 $8.000000000e+00, v3;
	v9 =	vld [tilespmem:s26+$0xFFFFFE20];
	[tilespmem:s24+$0xFFFFFE00] =	vst v7;
	v1 =	vadd.f32 v1, v0  }
0x28c: {  	v2 =	vadd.f32 v2, v0;
	v4 =	vmul.f32 $8.000000000e+00, v4;
	v7 =	vld [tilespmem:s26+$0xFFFFFE30];
	[tilespmem:s24+$0x0] =	vst v8  }
0x28d: {  	v8 =	vld [tilespmem:s26+$0xFFFFFE40];
	[tilespmem:s24+$0x10] =	vst v1;
	v1 =	vadd.f32 v3, v0;
	v3 =	vmul.f32 $8.000000000e+00, v5  }
0x28e: {  	v5 =	vld [tilespmem:s26+$0xFFFFFE50];
	[tilespmem:s24+$0x20] =	vst v2;
	v2 =	vadd.f32 v4, v0;
	v4 =	vmul.f32 $8.000000000e+00, v6  }
0x28f: {  	v6 =	vld [tilespmem:s26+$0xFFFFFE60];
	[tilespmem:s24+$0x30] =	vst v1;
	v1 =	vadd.f32 v3, v0  }
0x290: {  	v3 =	vld [tilespmem:s26+$0xFFFFFE70];
	[tilespmem:s24+$0x40] =	vst v2;
	v2 =	vadd.f32 v4, v0  }
0x291: {  	v4 =	vld.idx.msk [tilespmem:v11+s4+$0x0], $0xffff;
	[tilespmem:s24+$0x50] =	vst v1  }
0x292: {  	v1 =	vld [tilespmem:s26+$0x0];
	[tilespmem:s24+$0x60] =	vst v2  }
0x293: {  	v2 =	vld [tilespmem:s26+$0x10]  }
0x294: {  	v11 =	vld [tilespmem:s26+$0x20]  }
0x295: {  	v12 =	vld [tilespmem:s26+$0x30]  }
0x296: {  	v13 =	vld [tilespmem:s26+$0x40]  }
0x297: {  	v4 =	vmul.f32 $8.000000000e+00, v4;
	v14 =	vld [tilespmem:s26+$0x50]  }
0x298: {  	v15 =	vld [tilespmem:s26+$0x60]  }
0x299: {  	v4 =	vadd.f32 v4, v0;
	v16 =	vld [tilespmem:s26+$0xFFFFFE00]  }
0x29a: {  	s24 =	sadd.s32 $0x400, s24;
	v10 =	vld.idx.msk [tilespmem:v10+s4+$0x0], $0xffff  }
0x29b: {  	v9 =	vld.idx.msk [tilespmem:v9+s4+$0x0], $0xffff;
	[tilespmem:s24+$0x70] =	vst v4  }
0x29c: {  	v4 =	vld.idx.msk [tilespmem:v7+s4+$0x0], $0xffff  }
0x29d: {  	v7 =	vld.idx.msk [tilespmem:v8+s4+$0x0], $0xffff  }
0x29e: {  	v5 =	vld.idx.msk [tilespmem:v5+s4+$0x0], $0xffff  }
0x29f: {  	v6 =	vld.idx.msk [tilespmem:v6+s4+$0x0], $0xffff  }
0x2a0: {  	v8 =	vmul.f32 $8.000000000e+00, v10;
	v10 =	vld.idx.msk [tilespmem:v3+s4+$0x0], $0xffff  }
0x2a1: {  	v3 =	vmul.f32 $8.000000000e+00, v9;
	v16 =	vld.idx.msk [tilespmem:v16+s4+$0x0], $0xffff  }
0x2a2: {  	v8 =	vadd.f32 v8, v0;
	v4 =	vmul.f32 $8.000000000e+00, v4;
	v9 =	vld.idx.msk [tilespmem:v1+s4+$0x0], $0xffff  }
0x2a3: {  	v3 =	vadd.f32 v3, v0;
	v7 =	vmul.f32 $8.000000000e+00, v7;
	v1 =	vld.idx.msk [tilespmem:v2+s4+$0x0], $0xffff  }
.Ltmp9:
0x2a4: {  	v4 =	vadd.f32 v4, v0;
	v5 =	vmul.f32 $8.000000000e+00, v5;
	[tilespmem:s24+$0xFFFFFE10] =	vst v8;
	v2 =	vld.idx.msk [tilespmem:v11+s4+$0x0], $0xffff;
	(pc) =	sbr.rel @p1 .LBB2_17-.Ltmp9, $4  }
0x2a5: {  	v8 =	vadd.f32 v7, v0;
	v6 =	vmul.f32 $8.000000000e+00, v6;
	[tilespmem:s24+$0xFFFFFE20] =	vst v3;
	v3 =	vld.idx.msk [tilespmem:v12+s4+$0x0], $0xffff  }
0x2a6: {  	v11 =	vadd.f32 v5, v0;
	v12 =	vmul.f32 $8.000000000e+00, v10;
	[tilespmem:s24+$0xFFFFFE30] =	vst v4;
	v4 =	vld.idx.msk [tilespmem:v13+s4+$0x0], $0xffff  }
0x2a7: {  	v7 =	vmul.f32 $8.000000000e+00, v16;
	v10 =	vadd.f32 v6, v0;
	[tilespmem:s24+$0xFFFFFE40] =	vst v8;
	v5 =	vld.idx.msk [tilespmem:v14+s4+$0x0], $0xffff  }
0x2a8: {  	s26 =	sadd.s32 $0x400, s26;
	v8 =	vadd.f32 v12, v0;
	v9 =	vmul.f32 $8.000000000e+00, v9;
	[tilespmem:s24+$0xFFFFFE50] =	vst v11;
	v6 =	vld.idx.msk [tilespmem:v15+s4+$0x0], $0xffff  }
0x2a9: {  	v7 =	vadd.f32 v7, v0;
	[tilespmem:s24+$0xFFFFFE60] =	vst v10;
	v1 =	vmul.f32 $8.000000000e+00, v1  }
0x2aa: {  	v2 =	vmul.f32 $8.000000000e+00, v2;
	[tilespmem:s24+$0xFFFFFE70] =	vst v8;
	v57 =	vadd.f32 v9, v0  }
0x2ab: {  	v3 =	vmul.f32 $8.000000000e+00, v3;
	[tilespmem:s24+$0xFFFFFE00] =	vst v7;
	v1 =	vadd.f32 v1, v0  }
0x2ac: {  	v2 =	vadd.f32 v2, v0;
	v4 =	vmul.f32 $8.000000000e+00, v4;
	[tilespmem:s24+$0x0] =	vst v57  }
0x2ad: {  	v58 =	vadd.f32 v3, v0;
	v59 =	vmul.f32 $8.000000000e+00, v5;
	[tilespmem:s24+$0x10] =	vst v1  }
0x2ae: {  	[tilespmem:s24+$0x20] =	vst v2;
	v60 =	vadd.f32 v4, v0;
	v61 =	vmul.f32 $8.000000000e+00, v6  }
0x2af: {  	s23 =	sshll.u32 s23, $0x12;
	[tilespmem:s24+$0x30] =	vst v58;
	v62 =	vadd.f32 v59, v0  }
0x2b0: {  	s23 =	sor.u32 s11, s23;
	[tilespmem:s24+$0x40] =	vst v60;
	v63 =	vadd.f32 v61, v0  }
0x2b1: {  	s23 =	sshrl.u32 s23, $0x3;
	[tilespmem:s24+$0x50] =	vst v62  }
0x2b2: {  	s23 =	sadd.s32 s2, s23;
	[tilespmem:s24+$0x60] =	vst v63  }
0x2b3: {  	[hbm4b:s23+s14] =	stream.strided.scatter [tilespmem:s1], [sflag:$0x4], $0x200, s22, s14, $0x38;
	[tilespmem:$0x1FA00] =	vst v63  }
0x2b4: {  	s28 =	sadd.s32 $0x80, s23  }
0x2b5: {  	[hbm4b:s28+s14] =	stream.strided.scatter [tilespmem:s19], [sflag:$0x4], $0x200, s22, s14, $0x38;
	[tilespmem:$0x1FA00] =	vst v63  }
0x2b6: {  	s29 =	sadd.s32 $0x100, s23  }
0x2b7: {  	[hbm4b:s29+s14] =	stream.strided.scatter [tilespmem:s5], [sflag:$0x4], $0x200, s22, s14, $0x38;
	[tilespmem:$0x1FA00] =	vst v63  }
0x2b8: {  	s25 =	sadd.s32 $0x180, s23  }
0x2b9: {  	[hbm4b:s25+s14] =	stream.strided.scatter [tilespmem:s6], [sflag:$0x4], $0x200, s22, s14, $0x38;
	[tilespmem:$0x1FA00] =	vst v63  }
0x2ba: {  	s26 =	sadd.s32 $0x200, s23  }
0x2bb: {  	[hbm4b:s26+s14] =	stream.strided.scatter [tilespmem:s8], [sflag:$0x4], $0x200, s22, s14, $0x38;
	[tilespmem:$0x1FA00] =	vst v63  }
0x2bc: {  	s28 =	sadd.s32 $0x280, s23  }
0x2bd: {  	[hbm4b:s28+s14] =	stream.strided.scatter [tilespmem:s9], [sflag:$0x4], $0x200, s22, s14, $0x38;
	[tilespmem:$0x1FA00] =	vst v63  }
.Ltmp10:
0x2be: {  	_ = 	snop;
	(pc) =	sbr.rel @p2 .LBB2_20-.Ltmp10, $4  }
0x2bf: {  	s29 =	sadd.s32 $0x300, s23  }
0x2c0: {  	[hbm4b:s29+s14] =	stream.strided.scatter [tilespmem:s10], [sflag:$0x4], $0x200, s22, s14, $0x38;
	[tilespmem:$0x1FA00] =	vst v63  }
0x2c1: {  	s23 =	sadd.s32 $0x380, s23  }
0x2c2: {  	[hbm4b:s23+s14] =	stream.strided.scatter [tilespmem:s13], [sflag:$0x4], $0x200, s22, s14, $0x38;
	[tilespmem:$0x1FA00] =	vst v63  }
.Ltmp11:
0x2c3: {  	s23 =	sshll.u32 s20, $0xD;
	(pc) =	sbr.rel .LBB2_2-.Ltmp11, $4  }
0x2c4: {  	s23 =	sand.u32 $0x3FFFE000, s23  }
0x2c5: {  	s23 =	sadd.s32 s23, s3  }
0x2c6: {  	s24 =	simm.s32 $0x1CA00;
	s20 =	sadd.s32 $0x1, s20;
	s23 =	sadd.s32 $0x2200, s23  }
0x2c7: {  	[tilespmem:s24], [sflag:$0x2] =	stream.strided.gather [spmem:s23], $0x1000, s15, s18, $0x38;
	[tilespmem:$0x1FA00] =	vst v63  }
.LBB2_20:
0x2c8: {  	s20 =	simm.s32 $0x0;
	s23 =	rddreg [dreg:$0x9];
	s24 =	simm.s32 $0x5  }
0x2c9: {  	[tilespmem:s20], [sflag:$0x5] =	stream.strided.gather [hbm4b:s23+s14], $0x18700, s15, s14, $0x38;
	[tilespmem:$0x1FA00] =	vst v63  }
0x2ca: {  	_ =	swait.ge [sflag:s24], $0x18700  }
0x2cb: {  	[sflag:s24] =	ssyncset.done $0x0  }
0x2cc: {  	s25 =	rddreg [dreg:$0xa];
	[sflag:s24] =	ssyncadd.s32 $0xFFFE7900  }
0x2cd: {  	[tilespmem:s17], [sflag:$0x5] =	stream.strided.gather [hbm4b:s25+s14], $0x100, s15, s14, $0x38;
	[tilespmem:$0x1FA00] =	vst v63  }
0x2ce: {  	_ =	swait.ge [sflag:s24], $0x100  }
0x2cf: {  	[sflag:s24] =	ssyncset.done $0x0  }
0x2d0: {  	s26 =	simm.s32 $0x1BA00;
	[sflag:s24] =	ssyncadd.s32 $0xFFFFFF00  }
0x2d1: {  	[tilespmem:s26], [sflag:$0x1] =	stream.strided.gather [spmem:s3], $0x1000, s15, s18, $0x38;
	[tilespmem:$0x1FA00] =	vst v63  }
0x2d2: {  	s29 =	simm.s32 $0x1CA00;
	s28 =	rddreg [dreg:$0x8]  }
0x2d3: {  	[tilespmem:s29], [sflag:$0x2] =	stream.strided.gather [spmem:s28], $0x1000, s15, s18, $0x38;
	[tilespmem:$0x1FA00] =	vst v63  }
.LBB2_21:
0x2d4: {  	_ =	swait.ge [sflag:s21], $0x1000  }
0x2d5: {  	[sflag:s21] =	ssyncset.done $0x0  }
0x2d6: {  	[sflag:s21] =	ssyncadd.s32 $0xFFFFF000  }
0x2d7: {  	_ =	swait.ge [sflag:s7], $0x1000  }
0x2d8: {  	[sflag:s7] =	ssyncset.done $0x0  }
0x2d9: {  	s24 =	simm.s32 $0x1BC00;
	[sflag:s7] =	ssyncadd.s32 $0xFFFFF000  }
0x2da: {  	v1 =	vld [tilespmem:s24+$0x70]  }
0x2db: {  	v2 =	vld [tilespmem:s24+$0xFFFFFE10]  }
0x2dc: {  	v3 =	vld [tilespmem:s24+$0xFFFFFE20]  }
0x2dd: {  	v4 =	vld [tilespmem:s24+$0xFFFFFE30]  }
0x2de: {  	v5 =	vld [tilespmem:s24+$0xFFFFFE40]  }
0x2df: {  	v6 =	vld [tilespmem:s24+$0xFFFFFE50]  }
0x2e0: {  	v7 =	vld [tilespmem:s24+$0xFFFFFE60]  }
0x2e1: {  	v8 =	vld [tilespmem:s24+$0xFFFFFE70]  }
0x2e2: {  	s23 =	sshll.u32 s20, $0x3;
	v9 =	vld [tilespmem:s24+$0x0]  }
0x2e3: {  	v0 =	vmov s23;
	v10 =	vld [tilespmem:s24+$0x10]  }
0x2e4: {  	v0 =	vbroadcast v0, $0x0;
	v11 =	vld [tilespmem:s24+$0x20]  }
0x2e5: {  	v12 =	vld [tilespmem:s24+$0x30]  }
0x2e6: {  	v13 =	vld [tilespmem:s24+$0x40]  }
0x2e7: {  	v14 =	vld [tilespmem:s24+$0x50]  }
0x2e8: {  	v15 =	vld [tilespmem:s24+$0x60]  }
0x2e9: {  	v16 =	vld [tilespmem:s24+$0xFFFFFE00]  }
0x2ea: {  	v0 =	vld.idx.msk [tilespmem:v0+s17+$0x0], $0xffff  }
0x2eb: {  	v1 =	vld.idx.msk [tilespmem:v1+s4+$0x0], $0xffff  }
0x2ec: {  	v2 =	vld.idx.msk [tilespmem:v2+s4+$0x0], $0xffff  }
0x2ed: {  	v3 =	vld.idx.msk [tilespmem:v3+s4+$0x0], $0xffff  }
0x2ee: {  	v6 =	vld.idx.msk [tilespmem:v6+s4+$0x0], $0xffff  }
0x2ef: {  	v4 =	vld.idx.msk [tilespmem:v4+s4+$0x0], $0xffff  }
0x2f0: {  	v5 =	vld.idx.msk [tilespmem:v5+s4+$0x0], $0xffff  }
0x2f1: {  	v7 =	vld.idx.msk [tilespmem:v7+s4+$0x0], $0xffff;
	v1 =	vmul.f32 $8.000000000e+00, v1  }
0x2f2: {  	v8 =	vld.idx.msk [tilespmem:v8+s4+$0x0], $0xffff;
	v2 =	vmul.f32 $8.000000000e+00, v2  }
0x2f3: {  	v16 =	vld.idx.msk [tilespmem:v16+s4+$0x0], $0xffff;
	v3 =	vmul.f32 $8.000000000e+00, v3;
	v6 =	vmul.f32 $8.000000000e+00, v6;
	v1 =	vadd.f32 v1, v0  }
0x2f4: {  	s24 =	simm.s32 $0x1DC00;
	v9 =	vld.idx.msk [tilespmem:v9+s4+$0x0], $0xffff;
	v4 =	vmul.f32 $8.000000000e+00, v4;
	v2 =	vadd.f32 v2, v0  }
0x2f5: {  	v5 =	vmul.f32 $8.000000000e+00, v5;
	v6 =	vadd.f32 v6, v0;
	[tilespmem:s24+$0x70] =	vst v1;
	v1 =	vadd.f32 v3, v0;
	v3 =	vld.idx.msk [tilespmem:v10+s4+$0x0], $0xffff  }
0x2f6: {  	[tilespmem:s24+$0xFFFFFE10] =	vst v2;
	v2 =	vadd.f32 v4, v0;
	v4 =	vld.idx.msk [tilespmem:v11+s4+$0x0], $0xffff  }
0x2f7: {  	v10 =	vadd.f32 v5, v0;
	v11 =	vmul.f32 $8.000000000e+00, v7;
	v5 =	vld.idx.msk [tilespmem:v13+s4+$0x0], $0xffff;
	[tilespmem:s24+$0xFFFFFE50] =	vst v6  }
0x2f8: {  	v8 =	vmul.f32 $8.000000000e+00, v8;
	[tilespmem:s24+$0xFFFFFE20] =	vst v1;
	v1 =	vld.idx.msk [tilespmem:v12+s4+$0x0], $0xffff  }
0x2f9: {  	v7 =	vmul.f32 $8.000000000e+00, v16;
	v6 =	vld.idx.msk [tilespmem:v15+s4+$0x0], $0xffff;
	[tilespmem:s24+$0xFFFFFE40] =	vst v10;
	v10 =	vadd.f32 v11, v0  }
0x2fa: {  	s25 =	simm.s32 $0x0;
	s26 =	simm.s32 $0x1C000;
	v9 =	vmul.f32 $8.000000000e+00, v9;
	v8 =	vadd.f32 v8, v0;
	[tilespmem:s24+$0xFFFFFE30] =	vst v2;
	v2 =	vld.idx.msk [tilespmem:v14+s4+$0x0], $0xffff  }
.LBB2_22:
0x2fb: {  	v11 =	vld [tilespmem:s26+$0x70];
	s25 =	sadd.s32 $0x10, s25;
	v7 =	vadd.f32 v7, v0;
	[tilespmem:s24+$0xFFFFFE60] =	vst v10;
	v3 =	vmul.f32 $8.000000000e+00, v3  }
0x2fc: {  	v4 =	vmul.f32 $8.000000000e+00, v4;
	v10 =	vld [tilespmem:s26+$0xFFFFFE10];
	p1 =	slt.u32 s25, $0x30;
	[tilespmem:s24+$0xFFFFFE70] =	vst v8;
	v8 =	vadd.f32 v9, v0  }
0x2fd: {  	v1 =	vmul.f32 $8.000000000e+00, v1;
	v9 =	vld [tilespmem:s26+$0xFFFFFE20];
	[tilespmem:s24+$0xFFFFFE00] =	vst v7;
	v3 =	vadd.f32 v3, v0  }
0x2fe: {  	v4 =	vadd.f32 v4, v0;
	v5 =	vmul.f32 $8.000000000e+00, v5;
	v7 =	vld [tilespmem:s26+$0xFFFFFE30];
	[tilespmem:s24+$0x0] =	vst v8  }
0x2ff: {  	v1 =	vadd.f32 v1, v0;
	v2 =	vmul.f32 $8.000000000e+00, v2;
	v8 =	vld [tilespmem:s26+$0xFFFFFE40];
	[tilespmem:s24+$0x10] =	vst v3  }
0x300: {  	v3 =	vld [tilespmem:s26+$0xFFFFFE50];
	[tilespmem:s24+$0x20] =	vst v4;
	v4 =	vadd.f32 v5, v0;
	v5 =	vmul.f32 $8.000000000e+00, v6  }
0x301: {  	v6 =	vld [tilespmem:s26+$0xFFFFFE60];
	[tilespmem:s24+$0x30] =	vst v1;
	v1 =	vadd.f32 v2, v0  }
0x302: {  	v2 =	vld [tilespmem:s26+$0xFFFFFE70];
	[tilespmem:s24+$0x40] =	vst v4;
	v4 =	vadd.f32 v5, v0  }
0x303: {  	v5 =	vld.idx.msk [tilespmem:v11+s4+$0x0], $0xffff;
	[tilespmem:s24+$0x50] =	vst v1  }
0x304: {  	v1 =	vld [tilespmem:s26+$0x0];
	[tilespmem:s24+$0x60] =	vst v4  }
0x305: {  	v4 =	vld [tilespmem:s26+$0x10]  }
0x306: {  	v11 =	vld [tilespmem:s26+$0x20]  }
0x307: {  	v12 =	vld [tilespmem:s26+$0x30]  }
0x308: {  	v13 =	vld [tilespmem:s26+$0x40]  }
0x309: {  	v5 =	vmul.f32 $8.000000000e+00, v5;
	v14 =	vld [tilespmem:s26+$0x50]  }
0x30a: {  	v15 =	vld [tilespmem:s26+$0x60]  }
0x30b: {  	v5 =	vadd.f32 v5, v0;
	v16 =	vld [tilespmem:s26+$0xFFFFFE00]  }
0x30c: {  	s24 =	sadd.s32 $0x400, s24;
	v10 =	vld.idx.msk [tilespmem:v10+s4+$0x0], $0xffff  }
0x30d: {  	v9 =	vld.idx.msk [tilespmem:v9+s4+$0x0], $0xffff;
	[tilespmem:s24+$0x70] =	vst v5  }
0x30e: {  	v5 =	vld.idx.msk [tilespmem:v7+s4+$0x0], $0xffff  }
0x30f: {  	v7 =	vld.idx.msk [tilespmem:v8+s4+$0x0], $0xffff  }
0x310: {  	v8 =	vld.idx.msk [tilespmem:v3+s4+$0x0], $0xffff  }
0x311: {  	v6 =	vld.idx.msk [tilespmem:v6+s4+$0x0], $0xffff  }
0x312: {  	v3 =	vmul.f32 $8.000000000e+00, v10;
	v2 =	vld.idx.msk [tilespmem:v2+s4+$0x0], $0xffff  }
0x313: {  	v9 =	vmul.f32 $8.000000000e+00, v9;
	v10 =	vld.idx.msk [tilespmem:v16+s4+$0x0], $0xffff  }
0x314: {  	v16 =	vadd.f32 v3, v0;
	v5 =	vmul.f32 $8.000000000e+00, v5;
	v17 =	vld.idx.msk [tilespmem:v1+s4+$0x0], $0xffff  }
0x315: {  	v1 =	vadd.f32 v9, v0;
	v7 =	vmul.f32 $8.000000000e+00, v7;
	v3 =	vld.idx.msk [tilespmem:v4+s4+$0x0], $0xffff  }
.Ltmp12:
0x316: {  	v5 =	vadd.f32 v5, v0;
	v8 =	vmul.f32 $8.000000000e+00, v8;
	[tilespmem:s24+$0xFFFFFE10] =	vst v16;
	v4 =	vld.idx.msk [tilespmem:v11+s4+$0x0], $0xffff;
	(pc) =	sbr.rel @p1 .LBB2_22-.Ltmp12, $4  }
0x317: {  	v9 =	vadd.f32 v7, v0;
	v6 =	vmul.f32 $8.000000000e+00, v6;
	[tilespmem:s24+$0xFFFFFE20] =	vst v1;
	v1 =	vld.idx.msk [tilespmem:v12+s4+$0x0], $0xffff  }
0x318: {  	v8 =	vadd.f32 v8, v0;
	v11 =	vmul.f32 $8.000000000e+00, v2;
	[tilespmem:s24+$0xFFFFFE30] =	vst v5;
	v5 =	vld.idx.msk [tilespmem:v13+s4+$0x0], $0xffff  }
0x319: {  	v7 =	vmul.f32 $8.000000000e+00, v10;
	v10 =	vadd.f32 v6, v0;
	[tilespmem:s24+$0xFFFFFE40] =	vst v9;
	v2 =	vld.idx.msk [tilespmem:v14+s4+$0x0], $0xffff  }
0x31a: {  	s26 =	sadd.s32 $0x400, s26;
	v9 =	vmul.f32 $8.000000000e+00, v17;
	[tilespmem:s24+$0xFFFFFE50] =	vst v8;
	v8 =	vadd.f32 v11, v0;
	v6 =	vld.idx.msk [tilespmem:v15+s4+$0x0], $0xffff  }
0x31b: {  	v7 =	vadd.f32 v7, v0;
	[tilespmem:s24+$0xFFFFFE60] =	vst v10;
	v3 =	vmul.f32 $8.000000000e+00, v3  }
0x31c: {  	v4 =	vmul.f32 $8.000000000e+00, v4;
	[tilespmem:s24+$0xFFFFFE70] =	vst v8;
	v8 =	vadd.f32 v9, v0  }
0x31d: {  	v1 =	vmul.f32 $8.000000000e+00, v1;
	[tilespmem:s24+$0xFFFFFE00] =	vst v7;
	v3 =	vadd.f32 v3, v0  }
0x31e: {  	v4 =	vadd.f32 v4, v0;
	v5 =	vmul.f32 $8.000000000e+00, v5;
	[tilespmem:s24+$0x0] =	vst v8  }
0x31f: {  	v1 =	vadd.f32 v1, v0;
	v2 =	vmul.f32 $8.000000000e+00, v2;
	[tilespmem:s24+$0x10] =	vst v3  }
0x320: {  	[tilespmem:s24+$0x20] =	vst v4;
	v4 =	vadd.f32 v5, v0;
	v5 =	vmul.f32 $8.000000000e+00, v6  }
0x321: {  	[tilespmem:s24+$0x30] =	vst v1;
	v1 =	vadd.f32 v2, v0  }
0x322: {  	[tilespmem:s24+$0x40] =	vst v4;
	v0 =	vadd.f32 v5, v0  }
0x323: {  	[tilespmem:s24+$0x50] =	vst v1  }
0x324: {  	s29 =	simm.s32 $0x1BC80;
	[tilespmem:s24+$0x60] =	vst v0  }
0x325: {  	v1 =	vld [tilespmem:s29+$0x70]  }
0x326: {  	v2 =	vld [tilespmem:s29+$0xFFFFFE10]  }
0x327: {  	s25 =	sor.u32 $0x1, s23;
	v4 =	vld [tilespmem:s29+$0xFFFFFE30]  }
0x328: {  	v7 =	vmov s25;
	v5 =	vld [tilespmem:s29+$0xFFFFFE40]  }
0x329: {  	v7 =	vand.u32 $0xFFFFFFF9, v7;
	v6 =	vld [tilespmem:s29+$0xFFFFFE50]  }
0x32a: {  	v3 =	vbroadcast v7, $0x0;
	v7 =	vld [tilespmem:s29+$0xFFFFFE60]  }
0x32b: {  	v8 =	vld [tilespmem:s29+$0xFFFFFE70]  }
0x32c: {  	v9 =	vld [tilespmem:s29+$0x0]  }
0x32d: {  	v10 =	vld [tilespmem:s29+$0x10]  }
0x32e: {  	v11 =	vld [tilespmem:s29+$0x20]  }
0x32f: {  	v12 =	vld [tilespmem:s29+$0x30]  }
0x330: {  	v0 =	vld.idx.msk [tilespmem:v3+s17+$0x0], $0xffff  }
0x331: {  	v3 =	vld [tilespmem:s29+$0xFFFFFE20]  }
0x332: {  	v13 =	vld [tilespmem:s29+$0x40]  }
0x333: {  	v14 =	vld [tilespmem:s29+$0x50]  }
0x334: {  	v15 =	vld [tilespmem:s29+$0x60]  }
0x335: {  	v16 =	vld [tilespmem:s29+$0xFFFFFE00]  }
0x336: {  	v1 =	vld.idx.msk [tilespmem:v1+s4+$0x0], $0xffff  }
0x337: {  	v2 =	vld.idx.msk [tilespmem:v2+s4+$0x0], $0xffff  }
0x338: {  	v6 =	vld.idx.msk [tilespmem:v6+s4+$0x0], $0xffff  }
0x339: {  	v3 =	vld.idx.msk [tilespmem:v3+s4+$0x0], $0xffff  }
0x33a: {  	v4 =	vld.idx.msk [tilespmem:v4+s4+$0x0], $0xffff  }
0x33b: {  	v5 =	vld.idx.msk [tilespmem:v5+s4+$0x0], $0xffff  }
0x33c: {  	v7 =	vld.idx.msk [tilespmem:v7+s4+$0x0], $0xffff;
	v1 =	vmul.f32 $8.000000000e+00, v1  }
0x33d: {  	v8 =	vld.idx.msk [tilespmem:v8+s4+$0x0], $0xffff;
	v2 =	vmul.f32 $8.000000000e+00, v2  }
0x33e: {  	v16 =	vld.idx.msk [tilespmem:v16+s4+$0x0], $0xffff;
	v6 =	vmul.f32 $8.000000000e+00, v6;
	v3 =	vmul.f32 $8.000000000e+00, v3;
	v1 =	vadd.f32 v1, v0  }
0x33f: {  	s24 =	simm.s32 $0x1DC80;
	v9 =	vld.idx.msk [tilespmem:v9+s4+$0x0], $0xffff;
	v4 =	vmul.f32 $8.000000000e+00, v4;
	v2 =	vadd.f32 v2, v0  }
0x340: {  	v5 =	vmul.f32 $8.000000000e+00, v5;
	v6 =	vadd.f32 v6, v0;
	[tilespmem:s24+$0x70] =	vst v1;
	v1 =	vadd.f32 v3, v0;
	v3 =	vld.idx.msk [tilespmem:v10+s4+$0x0], $0xffff  }
0x341: {  	[tilespmem:s24+$0xFFFFFE10] =	vst v2;
	v2 =	vadd.f32 v4, v0;
	v4 =	vld.idx.msk [tilespmem:v11+s4+$0x0], $0xffff  }
0x342: {  	v10 =	vadd.f32 v5, v0;
	v11 =	vmul.f32 $8.000000000e+00, v7;
	v5 =	vld.idx.msk [tilespmem:v13+s4+$0x0], $0xffff;
	[tilespmem:s24+$0xFFFFFE50] =	vst v6  }
0x343: {  	v8 =	vmul.f32 $8.000000000e+00, v8;
	[tilespmem:s24+$0xFFFFFE20] =	vst v1;
	v1 =	vld.idx.msk [tilespmem:v12+s4+$0x0], $0xffff  }
0x344: {  	v7 =	vmul.f32 $8.000000000e+00, v16;
	v6 =	vld.idx.msk [tilespmem:v15+s4+$0x0], $0xffff;
	[tilespmem:s24+$0xFFFFFE40] =	vst v10;
	v10 =	vadd.f32 v11, v0  }
0x345: {  	s26 =	simm.s32 $0x1C080;
	s25 =	simm.s32 $0x0;
	v9 =	vmul.f32 $8.000000000e+00, v9;
	v8 =	vadd.f32 v8, v0;
	[tilespmem:s24+$0xFFFFFE30] =	vst v2;
	v2 =	vld.idx.msk [tilespmem:v14+s4+$0x0], $0xffff  }
.LBB2_24:
0x346: {  	v11 =	vld [tilespmem:s26+$0x70];
	s25 =	sadd.s32 $0x10, s25;
	v7 =	vadd.f32 v7, v0;
	[tilespmem:s24+$0xFFFFFE60] =	vst v10;
	v3 =	vmul.f32 $8.000000000e+00, v3  }
0x347: {  	v4 =	vmul.f32 $8.000000000e+00, v4;
	v10 =	vld [tilespmem:s26+$0xFFFFFE10];
	p1 =	slt.u32 s25, $0x30;
	[tilespmem:s24+$0xFFFFFE70] =	vst v8;
	v8 =	vadd.f32 v9, v0  }
0x348: {  	v1 =	vmul.f32 $8.000000000e+00, v1;
	v9 =	vld [tilespmem:s26+$0xFFFFFE20];
	[tilespmem:s24+$0xFFFFFE00] =	vst v7;
	v3 =	vadd.f32 v3, v0  }
0x349: {  	v4 =	vadd.f32 v4, v0;
	v5 =	vmul.f32 $8.000000000e+00, v5;
	v7 =	vld [tilespmem:s26+$0xFFFFFE30];
	[tilespmem:s24+$0x0] =	vst v8  }
0x34a: {  	v1 =	vadd.f32 v1, v0;
	v2 =	vmul.f32 $8.000000000e+00, v2;
	v8 =	vld [tilespmem:s26+$0xFFFFFE40];
	[tilespmem:s24+$0x10] =	vst v3  }
0x34b: {  	v3 =	vld [tilespmem:s26+$0xFFFFFE50];
	[tilespmem:s24+$0x20] =	vst v4;
	v4 =	vadd.f32 v5, v0;
	v5 =	vmul.f32 $8.000000000e+00, v6  }
0x34c: {  	v6 =	vld [tilespmem:s26+$0xFFFFFE60];
	[tilespmem:s24+$0x30] =	vst v1;
	v1 =	vadd.f32 v2, v0  }
0x34d: {  	v2 =	vld [tilespmem:s26+$0xFFFFFE70];
	[tilespmem:s24+$0x40] =	vst v4;
	v4 =	vadd.f32 v5, v0  }
0x34e: {  	v5 =	vld.idx.msk [tilespmem:v11+s4+$0x0], $0xffff;
	[tilespmem:s24+$0x50] =	vst v1  }
0x34f: {  	v1 =	vld [tilespmem:s26+$0x0];
	[tilespmem:s24+$0x60] =	vst v4  }
0x350: {  	v4 =	vld [tilespmem:s26+$0x10]  }
0x351: {  	v11 =	vld [tilespmem:s26+$0x20]  }
0x352: {  	v12 =	vld [tilespmem:s26+$0x30]  }
0x353: {  	v13 =	vld [tilespmem:s26+$0x40]  }
0x354: {  	v5 =	vmul.f32 $8.000000000e+00, v5;
	v14 =	vld [tilespmem:s26+$0x50]  }
0x355: {  	v15 =	vld [tilespmem:s26+$0x60]  }
0x356: {  	v5 =	vadd.f32 v5, v0;
	v16 =	vld [tilespmem:s26+$0xFFFFFE00]  }
0x357: {  	s24 =	sadd.s32 $0x400, s24;
	v10 =	vld.idx.msk [tilespmem:v10+s4+$0x0], $0xffff  }
0x358: {  	v9 =	vld.idx.msk [tilespmem:v9+s4+$0x0], $0xffff;
	[tilespmem:s24+$0x70] =	vst v5  }
0x359: {  	v5 =	vld.idx.msk [tilespmem:v7+s4+$0x0], $0xffff  }
0x35a: {  	v7 =	vld.idx.msk [tilespmem:v8+s4+$0x0], $0xffff  }
0x35b: {  	v8 =	vld.idx.msk [tilespmem:v3+s4+$0x0], $0xffff  }
0x35c: {  	v6 =	vld.idx.msk [tilespmem:v6+s4+$0x0], $0xffff  }
0x35d: {  	v3 =	vmul.f32 $8.000000000e+00, v10;
	v2 =	vld.idx.msk [tilespmem:v2+s4+$0x0], $0xffff  }
0x35e: {  	v9 =	vmul.f32 $8.000000000e+00, v9;
	v10 =	vld.idx.msk [tilespmem:v16+s4+$0x0], $0xffff  }
0x35f: {  	v16 =	vadd.f32 v3, v0;
	v5 =	vmul.f32 $8.000000000e+00, v5;
	v17 =	vld.idx.msk [tilespmem:v1+s4+$0x0], $0xffff  }
0x360: {  	v1 =	vadd.f32 v9, v0;
	v7 =	vmul.f32 $8.000000000e+00, v7;
	v3 =	vld.idx.msk [tilespmem:v4+s4+$0x0], $0xffff  }
.Ltmp13:
0x361: {  	v5 =	vadd.f32 v5, v0;
	v8 =	vmul.f32 $8.000000000e+00, v8;
	[tilespmem:s24+$0xFFFFFE10] =	vst v16;
	v4 =	vld.idx.msk [tilespmem:v11+s4+$0x0], $0xffff;
	(pc) =	sbr.rel @p1 .LBB2_24-.Ltmp13, $4  }
0x362: {  	v9 =	vadd.f32 v7, v0;
	v6 =	vmul.f32 $8.000000000e+00, v6;
	[tilespmem:s24+$0xFFFFFE20] =	vst v1;
	v1 =	vld.idx.msk [tilespmem:v12+s4+$0x0], $0xffff  }
0x363: {  	v8 =	vadd.f32 v8, v0;
	v11 =	vmul.f32 $8.000000000e+00, v2;
	[tilespmem:s24+$0xFFFFFE30] =	vst v5;
	v5 =	vld.idx.msk [tilespmem:v13+s4+$0x0], $0xffff  }
0x364: {  	v7 =	vmul.f32 $8.000000000e+00, v10;
	v10 =	vadd.f32 v6, v0;
	[tilespmem:s24+$0xFFFFFE40] =	vst v9;
	v2 =	vld.idx.msk [tilespmem:v14+s4+$0x0], $0xffff  }
0x365: {  	s26 =	sadd.s32 $0x400, s26;
	v9 =	vmul.f32 $8.000000000e+00, v17;
	[tilespmem:s24+$0xFFFFFE50] =	vst v8;
	v8 =	vadd.f32 v11, v0;
	v6 =	vld.idx.msk [tilespmem:v15+s4+$0x0], $0xffff  }
0x366: {  	v7 =	vadd.f32 v7, v0;
	[tilespmem:s24+$0xFFFFFE60] =	vst v10;
	v3 =	vmul.f32 $8.000000000e+00, v3  }
0x367: {  	v4 =	vmul.f32 $8.000000000e+00, v4;
	[tilespmem:s24+$0xFFFFFE70] =	vst v8;
	v8 =	vadd.f32 v9, v0  }
0x368: {  	v1 =	vmul.f32 $8.000000000e+00, v1;
	[tilespmem:s24+$0xFFFFFE00] =	vst v7;
	v3 =	vadd.f32 v3, v0  }
0x369: {  	v4 =	vadd.f32 v4, v0;
	v5 =	vmul.f32 $8.000000000e+00, v5;
	[tilespmem:s24+$0x0] =	vst v8  }
0x36a: {  	v1 =	vadd.f32 v1, v0;
	v2 =	vmul.f32 $8.000000000e+00, v2;
	[tilespmem:s24+$0x10] =	vst v3  }
0x36b: {  	[tilespmem:s24+$0x20] =	vst v4;
	v4 =	vadd.f32 v5, v0;
	v5 =	vmul.f32 $8.000000000e+00, v6  }
0x36c: {  	[tilespmem:s24+$0x30] =	vst v1;
	v1 =	vadd.f32 v2, v0  }
0x36d: {  	[tilespmem:s24+$0x40] =	vst v4;
	v0 =	vadd.f32 v5, v0  }
0x36e: {  	[tilespmem:s24+$0x50] =	vst v1  }
0x36f: {  	s29 =	simm.s32 $0x1BD00;
	[tilespmem:s24+$0x60] =	vst v0  }
0x370: {  	v1 =	vld [tilespmem:s29+$0x70]  }
0x371: {  	v2 =	vld [tilespmem:s29+$0xFFFFFE10]  }
0x372: {  	s25 =	sor.u32 $0x2, s23;
	v4 =	vld [tilespmem:s29+$0xFFFFFE30]  }
0x373: {  	v7 =	vmov s25;
	v5 =	vld [tilespmem:s29+$0xFFFFFE40]  }
0x374: {  	v7 =	vand.u32 $0xFFFFFFFA, v7;
	v6 =	vld [tilespmem:s29+$0xFFFFFE50]  }
0x375: {  	v3 =	vbroadcast v7, $0x0;
	v7 =	vld [tilespmem:s29+$0xFFFFFE60]  }
0x376: {  	v8 =	vld [tilespmem:s29+$0xFFFFFE70]  }
0x377: {  	v9 =	vld [tilespmem:s29+$0x0]  }
0x378: {  	v10 =	vld [tilespmem:s29+$0x10]  }
0x379: {  	v11 =	vld [tilespmem:s29+$0x20]  }
0x37a: {  	v12 =	vld [tilespmem:s29+$0x30]  }
0x37b: {  	v0 =	vld.idx.msk [tilespmem:v3+s17+$0x0], $0xffff  }
0x37c: {  	v3 =	vld [tilespmem:s29+$0xFFFFFE20]  }
0x37d: {  	v13 =	vld [tilespmem:s29+$0x40]  }
0x37e: {  	v14 =	vld [tilespmem:s29+$0x50]  }
0x37f: {  	v15 =	vld [tilespmem:s29+$0x60]  }
0x380: {  	v16 =	vld [tilespmem:s29+$0xFFFFFE00]  }
0x381: {  	v1 =	vld.idx.msk [tilespmem:v1+s4+$0x0], $0xffff  }
0x382: {  	v2 =	vld.idx.msk [tilespmem:v2+s4+$0x0], $0xffff  }
0x383: {  	v6 =	vld.idx.msk [tilespmem:v6+s4+$0x0], $0xffff  }
0x384: {  	v3 =	vld.idx.msk [tilespmem:v3+s4+$0x0], $0xffff  }
0x385: {  	v4 =	vld.idx.msk [tilespmem:v4+s4+$0x0], $0xffff  }
0x386: {  	v5 =	vld.idx.msk [tilespmem:v5+s4+$0x0], $0xffff  }
0x387: {  	v7 =	vld.idx.msk [tilespmem:v7+s4+$0x0], $0xffff;
	v1 =	vmul.f32 $8.000000000e+00, v1  }
0x388: {  	v8 =	vld.idx.msk [tilespmem:v8+s4+$0x0], $0xffff;
	v2 =	vmul.f32 $8.000000000e+00, v2  }
0x389: {  	v16 =	vld.idx.msk [tilespmem:v16+s4+$0x0], $0xffff;
	v6 =	vmul.f32 $8.000000000e+00, v6;
	v3 =	vmul.f32 $8.000000000e+00, v3;
	v1 =	vadd.f32 v1, v0  }
0x38a: {  	s24 =	simm.s32 $0x1DD00;
	v9 =	vld.idx.msk [tilespmem:v9+s4+$0x0], $0xffff;
	v4 =	vmul.f32 $8.000000000e+00, v4;
	v2 =	vadd.f32 v2, v0  }
0x38b: {  	v5 =	vmul.f32 $8.000000000e+00, v5;
	v6 =	vadd.f32 v6, v0;
	[tilespmem:s24+$0x70] =	vst v1;
	v1 =	vadd.f32 v3, v0;
	v3 =	vld.idx.msk [tilespmem:v10+s4+$0x0], $0xffff  }
0x38c: {  	[tilespmem:s24+$0xFFFFFE10] =	vst v2;
	v2 =	vadd.f32 v4, v0;
	v4 =	vld.idx.msk [tilespmem:v11+s4+$0x0], $0xffff  }
0x38d: {  	v10 =	vadd.f32 v5, v0;
	v11 =	vmul.f32 $8.000000000e+00, v7;
	v5 =	vld.idx.msk [tilespmem:v13+s4+$0x0], $0xffff;
	[tilespmem:s24+$0xFFFFFE50] =	vst v6  }
0x38e: {  	v8 =	vmul.f32 $8.000000000e+00, v8;
	[tilespmem:s24+$0xFFFFFE20] =	vst v1;
	v1 =	vld.idx.msk [tilespmem:v12+s4+$0x0], $0xffff  }
0x38f: {  	v7 =	vmul.f32 $8.000000000e+00, v16;
	v6 =	vld.idx.msk [tilespmem:v15+s4+$0x0], $0xffff;
	[tilespmem:s24+$0xFFFFFE40] =	vst v10;
	v10 =	vadd.f32 v11, v0  }
0x390: {  	s26 =	simm.s32 $0x1C100;
	s25 =	simm.s32 $0x0;
	v9 =	vmul.f32 $8.000000000e+00, v9;
	v8 =	vadd.f32 v8, v0;
	[tilespmem:s24+$0xFFFFFE30] =	vst v2;
	v2 =	vld.idx.msk [tilespmem:v14+s4+$0x0], $0xffff  }
.LBB2_26:
0x391: {  	v11 =	vld [tilespmem:s26+$0x70];
	s25 =	sadd.s32 $0x10, s25;
	v7 =	vadd.f32 v7, v0;
	[tilespmem:s24+$0xFFFFFE60] =	vst v10;
	v3 =	vmul.f32 $8.000000000e+00, v3  }
0x392: {  	v4 =	vmul.f32 $8.000000000e+00, v4;
	v10 =	vld [tilespmem:s26+$0xFFFFFE10];
	p1 =	slt.u32 s25, $0x30;
	[tilespmem:s24+$0xFFFFFE70] =	vst v8;
	v8 =	vadd.f32 v9, v0  }
0x393: {  	v1 =	vmul.f32 $8.000000000e+00, v1;
	v9 =	vld [tilespmem:s26+$0xFFFFFE20];
	[tilespmem:s24+$0xFFFFFE00] =	vst v7;
	v3 =	vadd.f32 v3, v0  }
0x394: {  	v4 =	vadd.f32 v4, v0;
	v5 =	vmul.f32 $8.000000000e+00, v5;
	v7 =	vld [tilespmem:s26+$0xFFFFFE30];
	[tilespmem:s24+$0x0] =	vst v8  }
0x395: {  	v1 =	vadd.f32 v1, v0;
	v2 =	vmul.f32 $8.000000000e+00, v2;
	v8 =	vld [tilespmem:s26+$0xFFFFFE40];
	[tilespmem:s24+$0x10] =	vst v3  }
0x396: {  	v3 =	vld [tilespmem:s26+$0xFFFFFE50];
	[tilespmem:s24+$0x20] =	vst v4;
	v4 =	vadd.f32 v5, v0;
	v5 =	vmul.f32 $8.000000000e+00, v6  }
0x397: {  	v6 =	vld [tilespmem:s26+$0xFFFFFE60];
	[tilespmem:s24+$0x30] =	vst v1;
	v1 =	vadd.f32 v2, v0  }
0x398: {  	v2 =	vld [tilespmem:s26+$0xFFFFFE70];
	[tilespmem:s24+$0x40] =	vst v4;
	v4 =	vadd.f32 v5, v0  }
0x399: {  	v5 =	vld.idx.msk [tilespmem:v11+s4+$0x0], $0xffff;
	[tilespmem:s24+$0x50] =	vst v1  }
0x39a: {  	v1 =	vld [tilespmem:s26+$0x0];
	[tilespmem:s24+$0x60] =	vst v4  }
0x39b: {  	v4 =	vld [tilespmem:s26+$0x10]  }
0x39c: {  	v11 =	vld [tilespmem:s26+$0x20]  }
0x39d: {  	v12 =	vld [tilespmem:s26+$0x30]  }
0x39e: {  	v13 =	vld [tilespmem:s26+$0x40]  }
0x39f: {  	v5 =	vmul.f32 $8.000000000e+00, v5;
	v14 =	vld [tilespmem:s26+$0x50]  }
0x3a0: {  	v15 =	vld [tilespmem:s26+$0x60]  }
0x3a1: {  	v5 =	vadd.f32 v5, v0;
	v16 =	vld [tilespmem:s26+$0xFFFFFE00]  }
0x3a2: {  	s24 =	sadd.s32 $0x400, s24;
	v10 =	vld.idx.msk [tilespmem:v10+s4+$0x0], $0xffff  }
0x3a3: {  	v9 =	vld.idx.msk [tilespmem:v9+s4+$0x0], $0xffff;
	[tilespmem:s24+$0x70] =	vst v5  }
0x3a4: {  	v5 =	vld.idx.msk [tilespmem:v7+s4+$0x0], $0xffff  }
0x3a5: {  	v7 =	vld.idx.msk [tilespmem:v8+s4+$0x0], $0xffff  }
0x3a6: {  	v8 =	vld.idx.msk [tilespmem:v3+s4+$0x0], $0xffff  }
0x3a7: {  	v6 =	vld.idx.msk [tilespmem:v6+s4+$0x0], $0xffff  }
0x3a8: {  	v3 =	vmul.f32 $8.000000000e+00, v10;
	v2 =	vld.idx.msk [tilespmem:v2+s4+$0x0], $0xffff  }
0x3a9: {  	v9 =	vmul.f32 $8.000000000e+00, v9;
	v10 =	vld.idx.msk [tilespmem:v16+s4+$0x0], $0xffff  }
0x3aa: {  	v16 =	vadd.f32 v3, v0;
	v5 =	vmul.f32 $8.000000000e+00, v5;
	v17 =	vld.idx.msk [tilespmem:v1+s4+$0x0], $0xffff  }
0x3ab: {  	v1 =	vadd.f32 v9, v0;
	v7 =	vmul.f32 $8.000000000e+00, v7;
	v3 =	vld.idx.msk [tilespmem:v4+s4+$0x0], $0xffff  }
.Ltmp14:
0x3ac: {  	v5 =	vadd.f32 v5, v0;
	v8 =	vmul.f32 $8.000000000e+00, v8;
	[tilespmem:s24+$0xFFFFFE10] =	vst v16;
	v4 =	vld.idx.msk [tilespmem:v11+s4+$0x0], $0xffff;
	(pc) =	sbr.rel @p1 .LBB2_26-.Ltmp14, $4  }
0x3ad: {  	v9 =	vadd.f32 v7, v0;
	v6 =	vmul.f32 $8.000000000e+00, v6;
	[tilespmem:s24+$0xFFFFFE20] =	vst v1;
	v1 =	vld.idx.msk [tilespmem:v12+s4+$0x0], $0xffff  }
0x3ae: {  	v8 =	vadd.f32 v8, v0;
	v11 =	vmul.f32 $8.000000000e+00, v2;
	[tilespmem:s24+$0xFFFFFE30] =	vst v5;
	v5 =	vld.idx.msk [tilespmem:v13+s4+$0x0], $0xffff  }
0x3af: {  	v7 =	vmul.f32 $8.000000000e+00, v10;
	v10 =	vadd.f32 v6, v0;
	[tilespmem:s24+$0xFFFFFE40] =	vst v9;
	v2 =	vld.idx.msk [tilespmem:v14+s4+$0x0], $0xffff  }
0x3b0: {  	s26 =	sadd.s32 $0x400, s26;
	v9 =	vmul.f32 $8.000000000e+00, v17;
	[tilespmem:s24+$0xFFFFFE50] =	vst v8;
	v8 =	vadd.f32 v11, v0;
	v6 =	vld.idx.msk [tilespmem:v15+s4+$0x0], $0xffff  }
0x3b1: {  	v7 =	vadd.f32 v7, v0;
	[tilespmem:s24+$0xFFFFFE60] =	vst v10;
	v3 =	vmul.f32 $8.000000000e+00, v3  }
0x3b2: {  	v4 =	vmul.f32 $8.000000000e+00, v4;
	[tilespmem:s24+$0xFFFFFE70] =	vst v8;
	v8 =	vadd.f32 v9, v0  }
0x3b3: {  	v1 =	vmul.f32 $8.000000000e+00, v1;
	[tilespmem:s24+$0xFFFFFE00] =	vst v7;
	v3 =	vadd.f32 v3, v0  }
0x3b4: {  	v4 =	vadd.f32 v4, v0;
	v5 =	vmul.f32 $8.000000000e+00, v5;
	[tilespmem:s24+$0x0] =	vst v8  }
0x3b5: {  	v1 =	vadd.f32 v1, v0;
	v2 =	vmul.f32 $8.000000000e+00, v2;
	[tilespmem:s24+$0x10] =	vst v3  }
0x3b6: {  	[tilespmem:s24+$0x20] =	vst v4;
	v4 =	vadd.f32 v5, v0;
	v5 =	vmul.f32 $8.000000000e+00, v6  }
0x3b7: {  	[tilespmem:s24+$0x30] =	vst v1;
	v1 =	vadd.f32 v2, v0  }
0x3b8: {  	[tilespmem:s24+$0x40] =	vst v4;
	v0 =	vadd.f32 v5, v0  }
0x3b9: {  	[tilespmem:s24+$0x50] =	vst v1  }
0x3ba: {  	s29 =	simm.s32 $0x1BD80;
	[tilespmem:s24+$0x60] =	vst v0  }
0x3bb: {  	v1 =	vld [tilespmem:s29+$0x70]  }
0x3bc: {  	v2 =	vld [tilespmem:s29+$0xFFFFFE10]  }
0x3bd: {  	s23 =	sor.u32 $0x3, s23;
	v4 =	vld [tilespmem:s29+$0xFFFFFE30]  }
0x3be: {  	v7 =	vmov s23;
	v5 =	vld [tilespmem:s29+$0xFFFFFE40]  }
0x3bf: {  	v7 =	vand.u32 $0xFFFFFFFB, v7;
	v6 =	vld [tilespmem:s29+$0xFFFFFE50]  }
0x3c0: {  	v3 =	vbroadcast v7, $0x0;
	v7 =	vld [tilespmem:s29+$0xFFFFFE60]  }
0x3c1: {  	v8 =	vld [tilespmem:s29+$0xFFFFFE70]  }
0x3c2: {  	v9 =	vld [tilespmem:s29+$0x0]  }
0x3c3: {  	v10 =	vld [tilespmem:s29+$0x10]  }
0x3c4: {  	v11 =	vld [tilespmem:s29+$0x20]  }
0x3c5: {  	v12 =	vld [tilespmem:s29+$0x30]  }
0x3c6: {  	v13 =	vld [tilespmem:s29+$0x40]  }
0x3c7: {  	v0 =	vld.idx.msk [tilespmem:v3+s17+$0x0], $0xffff  }
0x3c8: {  	v3 =	vld [tilespmem:s29+$0xFFFFFE20]  }
0x3c9: {  	v14 =	vld [tilespmem:s29+$0x50]  }
0x3ca: {  	v15 =	vld [tilespmem:s29+$0x60]  }
0x3cb: {  	v16 =	vld [tilespmem:s29+$0xFFFFFE00]  }
0x3cc: {  	v1 =	vld.idx.msk [tilespmem:v1+s4+$0x0], $0xffff  }
0x3cd: {  	v2 =	vld.idx.msk [tilespmem:v2+s4+$0x0], $0xffff  }
0x3ce: {  	v4 =	vld.idx.msk [tilespmem:v4+s4+$0x0], $0xffff  }
0x3cf: {  	v5 =	vld.idx.msk [tilespmem:v5+s4+$0x0], $0xffff  }
0x3d0: {  	v3 =	vld.idx.msk [tilespmem:v3+s4+$0x0], $0xffff  }
0x3d1: {  	v6 =	vld.idx.msk [tilespmem:v6+s4+$0x0], $0xffff  }
0x3d2: {  	v7 =	vld.idx.msk [tilespmem:v7+s4+$0x0], $0xffff;
	v1 =	vmul.f32 $8.000000000e+00, v1  }
0x3d3: {  	v8 =	vld.idx.msk [tilespmem:v8+s4+$0x0], $0xffff;
	v2 =	vmul.f32 $8.000000000e+00, v2  }
0x3d4: {  	v16 =	vld.idx.msk [tilespmem:v16+s4+$0x0], $0xffff;
	v4 =	vmul.f32 $8.000000000e+00, v4;
	v1 =	vadd.f32 v1, v0  }
0x3d5: {  	s23 =	simm.s32 $0x1DD80;
	v9 =	vld.idx.msk [tilespmem:v9+s4+$0x0], $0xffff;
	v3 =	vmul.f32 $8.000000000e+00, v3;
	v2 =	vadd.f32 v2, v0  }
0x3d6: {  	v5 =	vmul.f32 $8.000000000e+00, v5;
	v4 =	vadd.f32 v4, v0;
	[tilespmem:s23+$0x70] =	vst v1;
	v1 =	vld.idx.msk [tilespmem:v10+s4+$0x0], $0xffff  }
0x3d7: {  	v6 =	vmul.f32 $8.000000000e+00, v6;
	v3 =	vadd.f32 v3, v0;
	[tilespmem:s23+$0xFFFFFE10] =	vst v2;
	v2 =	vld.idx.msk [tilespmem:v11+s4+$0x0], $0xffff  }
0x3d8: {  	v5 =	vadd.f32 v5, v0;
	v10 =	vmul.f32 $8.000000000e+00, v7;
	[tilespmem:s23+$0xFFFFFE30] =	vst v4;
	v4 =	vld.idx.msk [tilespmem:v13+s4+$0x0], $0xffff  }
0x3d9: {  	v8 =	vmul.f32 $8.000000000e+00, v8;
	v6 =	vadd.f32 v6, v0;
	[tilespmem:s23+$0xFFFFFE20] =	vst v3;
	v3 =	vld.idx.msk [tilespmem:v12+s4+$0x0], $0xffff  }
0x3da: {  	v7 =	vmul.f32 $8.000000000e+00, v16;
	[tilespmem:s23+$0xFFFFFE40] =	vst v5;
	v5 =	vld.idx.msk [tilespmem:v14+s4+$0x0], $0xffff;
	v10 =	vadd.f32 v10, v0  }
0x3db: {  	s25 =	simm.s32 $0x1C180;
	s24 =	simm.s32 $0x0;
	v9 =	vmul.f32 $8.000000000e+00, v9;
	v8 =	vadd.f32 v8, v0;
	[tilespmem:s23+$0xFFFFFE50] =	vst v6;
	v6 =	vld.idx.msk [tilespmem:v15+s4+$0x0], $0xffff  }
.LBB2_28:
0x3dc: {  	v11 =	vld [tilespmem:s25+$0x70];
	s24 =	sadd.s32 $0x10, s24;
	v7 =	vadd.f32 v7, v0;
	[tilespmem:s23+$0xFFFFFE60] =	vst v10;
	v1 =	vmul.f32 $8.000000000e+00, v1  }
0x3dd: {  	v2 =	vmul.f32 $8.000000000e+00, v2;
	v10 =	vld [tilespmem:s25+$0xFFFFFE10];
	p1 =	slt.u32 s24, $0x30;
	[tilespmem:s23+$0xFFFFFE70] =	vst v8;
	v8 =	vadd.f32 v9, v0  }
0x3de: {  	v3 =	vmul.f32 $8.000000000e+00, v3;
	v9 =	vld [tilespmem:s25+$0xFFFFFE20];
	[tilespmem:s23+$0xFFFFFE00] =	vst v7;
	v1 =	vadd.f32 v1, v0  }
0x3df: {  	v2 =	vadd.f32 v2, v0;
	v4 =	vmul.f32 $8.000000000e+00, v4;
	v7 =	vld [tilespmem:s25+$0xFFFFFE30];
	[tilespmem:s23+$0x0] =	vst v8  }
0x3e0: {  	v8 =	vld [tilespmem:s25+$0xFFFFFE40];
	[tilespmem:s23+$0x10] =	vst v1;
	v1 =	vadd.f32 v3, v0;
	v3 =	vmul.f32 $8.000000000e+00, v5  }
0x3e1: {  	v5 =	vld [tilespmem:s25+$0xFFFFFE50];
	[tilespmem:s23+$0x20] =	vst v2;
	v2 =	vadd.f32 v4, v0;
	v4 =	vmul.f32 $8.000000000e+00, v6  }
0x3e2: {  	v6 =	vld [tilespmem:s25+$0xFFFFFE60];
	[tilespmem:s23+$0x30] =	vst v1;
	v1 =	vadd.f32 v3, v0  }
0x3e3: {  	v3 =	vld [tilespmem:s25+$0xFFFFFE70];
	[tilespmem:s23+$0x40] =	vst v2;
	v2 =	vadd.f32 v4, v0  }
0x3e4: {  	v4 =	vld.idx.msk [tilespmem:v11+s4+$0x0], $0xffff;
	[tilespmem:s23+$0x50] =	vst v1  }
0x3e5: {  	v1 =	vld [tilespmem:s25+$0x0];
	[tilespmem:s23+$0x60] =	vst v2  }
0x3e6: {  	v2 =	vld [tilespmem:s25+$0x10]  }
0x3e7: {  	v11 =	vld [tilespmem:s25+$0x20]  }
0x3e8: {  	v12 =	vld [tilespmem:s25+$0x30]  }
0x3e9: {  	v13 =	vld [tilespmem:s25+$0x40]  }
0x3ea: {  	v4 =	vmul.f32 $8.000000000e+00, v4;
	v14 =	vld [tilespmem:s25+$0x50]  }
0x3eb: {  	v15 =	vld [tilespmem:s25+$0x60]  }
0x3ec: {  	v4 =	vadd.f32 v4, v0;
	v16 =	vld [tilespmem:s25+$0xFFFFFE00]  }
0x3ed: {  	s23 =	sadd.s32 $0x400, s23;
	v10 =	vld.idx.msk [tilespmem:v10+s4+$0x0], $0xffff  }
0x3ee: {  	v9 =	vld.idx.msk [tilespmem:v9+s4+$0x0], $0xffff;
	[tilespmem:s23+$0x70] =	vst v4  }
0x3ef: {  	v4 =	vld.idx.msk [tilespmem:v7+s4+$0x0], $0xffff  }
0x3f0: {  	v7 =	vld.idx.msk [tilespmem:v8+s4+$0x0], $0xffff  }
0x3f1: {  	v5 =	vld.idx.msk [tilespmem:v5+s4+$0x0], $0xffff  }
0x3f2: {  	v6 =	vld.idx.msk [tilespmem:v6+s4+$0x0], $0xffff  }
0x3f3: {  	v8 =	vmul.f32 $8.000000000e+00, v10;
	v10 =	vld.idx.msk [tilespmem:v3+s4+$0x0], $0xffff  }
0x3f4: {  	v3 =	vmul.f32 $8.000000000e+00, v9;
	v16 =	vld.idx.msk [tilespmem:v16+s4+$0x0], $0xffff  }
0x3f5: {  	v8 =	vadd.f32 v8, v0;
	v4 =	vmul.f32 $8.000000000e+00, v4;
	v9 =	vld.idx.msk [tilespmem:v1+s4+$0x0], $0xffff  }
0x3f6: {  	v3 =	vadd.f32 v3, v0;
	v7 =	vmul.f32 $8.000000000e+00, v7;
	v1 =	vld.idx.msk [tilespmem:v2+s4+$0x0], $0xffff  }
.Ltmp15:
0x3f7: {  	v4 =	vadd.f32 v4, v0;
	v5 =	vmul.f32 $8.000000000e+00, v5;
	[tilespmem:s23+$0xFFFFFE10] =	vst v8;
	v2 =	vld.idx.msk [tilespmem:v11+s4+$0x0], $0xffff;
	(pc) =	sbr.rel @p1 .LBB2_28-.Ltmp15, $4  }
0x3f8: {  	v8 =	vadd.f32 v7, v0;
	v6 =	vmul.f32 $8.000000000e+00, v6;
	[tilespmem:s23+$0xFFFFFE20] =	vst v3;
	v3 =	vld.idx.msk [tilespmem:v12+s4+$0x0], $0xffff  }
0x3f9: {  	v11 =	vadd.f32 v5, v0;
	v12 =	vmul.f32 $8.000000000e+00, v10;
	[tilespmem:s23+$0xFFFFFE30] =	vst v4;
	v4 =	vld.idx.msk [tilespmem:v13+s4+$0x0], $0xffff  }
0x3fa: {  	v7 =	vmul.f32 $8.000000000e+00, v16;
	v10 =	vadd.f32 v6, v0;
	[tilespmem:s23+$0xFFFFFE40] =	vst v8;
	v5 =	vld.idx.msk [tilespmem:v14+s4+$0x0], $0xffff  }
0x3fb: {  	s25 =	sadd.s32 $0x400, s25;
	v8 =	vadd.f32 v12, v0;
	v9 =	vmul.f32 $8.000000000e+00, v9;
	[tilespmem:s23+$0xFFFFFE50] =	vst v11;
	v6 =	vld.idx.msk [tilespmem:v15+s4+$0x0], $0xffff  }
0x3fc: {  	v7 =	vadd.f32 v7, v0;
	[tilespmem:s23+$0xFFFFFE60] =	vst v10;
	v1 =	vmul.f32 $8.000000000e+00, v1  }
0x3fd: {  	v2 =	vmul.f32 $8.000000000e+00, v2;
	[tilespmem:s23+$0xFFFFFE70] =	vst v8;
	v8 =	vadd.f32 v9, v0  }
0x3fe: {  	v3 =	vmul.f32 $8.000000000e+00, v3;
	[tilespmem:s23+$0xFFFFFE00] =	vst v7;
	v1 =	vadd.f32 v1, v0  }
0x3ff: {  	v2 =	vadd.f32 v2, v0;
	v4 =	vmul.f32 $8.000000000e+00, v4;
	[tilespmem:s23+$0x0] =	vst v8  }
0x400: {  	[tilespmem:s23+$0x10] =	vst v1;
	v1 =	vadd.f32 v3, v0;
	v3 =	vmul.f32 $8.000000000e+00, v5  }
0x401: {  	[tilespmem:s23+$0x20] =	vst v2;
	v2 =	vadd.f32 v4, v0;
	v4 =	vmul.f32 $8.000000000e+00, v6  }
0x402: {  	s24 =	sshll.u32 s20, $0x13;
	[tilespmem:s23+$0x30] =	vst v1;
	v1 =	vadd.f32 v3, v0  }
0x403: {  	s24 =	sor.u32 s12, s24;
	[tilespmem:s23+$0x40] =	vst v2;
	v0 =	vadd.f32 v4, v0  }
0x404: {  	s24 =	sshrl.u32 s24, $0x3;
	[tilespmem:s23+$0x50] =	vst v1  }
0x405: {  	s26 =	simm.s32 $0x1DA00;
	[tilespmem:s23+$0x60] =	vst v0;
	s23 =	sadd.s32 s2, s24  }
0x406: {  	[hbm4b:s23+s14] =	stream.strided.scatter [tilespmem:s26], [sflag:$0x3], $0x200, s22, s14, $0x38;
	[tilespmem:$0x1FA00] =	vst v63  }
0x407: {  	s25 =	simm.s32 $0x1DC00;
	s29 =	sadd.s32 $0x80, s23  }
0x408: {  	[hbm4b:s29+s14] =	stream.strided.scatter [tilespmem:s25], [sflag:$0x3], $0x200, s22, s14, $0x38;
	[tilespmem:$0x1FA00] =	vst v63  }
0x409: {  	s26 =	sadd.s32 $0x100, s23;
	s29 =	simm.s32 $0x1DE00  }
0x40a: {  	[hbm4b:s26+s14] =	stream.strided.scatter [tilespmem:s29], [sflag:$0x3], $0x200, s22, s14, $0x38;
	[tilespmem:$0x1FA00] =	vst v63  }
0x40b: {  	s26 =	sadd.s32 $0x180, s23;
	s29 =	simm.s32 $0x1E000  }
0x40c: {  	[hbm4b:s26+s14] =	stream.strided.scatter [tilespmem:s29], [sflag:$0x3], $0x200, s22, s14, $0x38;
	[tilespmem:$0x1FA00] =	vst v63  }
0x40d: {  	s26 =	sadd.s32 $0x200, s23;
	s29 =	simm.s32 $0x1E200  }
0x40e: {  	[hbm4b:s26+s14] =	stream.strided.scatter [tilespmem:s29], [sflag:$0x3], $0x200, s22, s14, $0x38;
	[tilespmem:$0x1FA00] =	vst v63  }
0x40f: {  	s26 =	sadd.s32 $0x280, s23;
	s29 =	simm.s32 $0x1E400  }
0x410: {  	[hbm4b:s26+s14] =	stream.strided.scatter [tilespmem:s29], [sflag:$0x3], $0x200, s22, s14, $0x38;
	[tilespmem:$0x1FA00] =	vst v63  }
0x411: {  	s26 =	sadd.s32 $0x300, s23  }
0x412: {  	[hbm4b:s26+s14] =	stream.strided.scatter [tilespmem:s30], [sflag:$0x3], $0x200, s22, s14, $0x38;
	[tilespmem:$0x1FA00] =	vst v63  }
0x413: {  	p1 =	seq.s32 s20, $0x18;
	s23 =	sadd.s32 $0x380, s23  }
0x414: {  	[hbm4b:s23+s14] =	stream.strided.scatter [tilespmem:s31], [sflag:$0x3], $0x200, s22, s14, $0x38;
	[tilespmem:$0x1FA00] =	vst v63  }
0x415: {  	s23 =	sshll.u32 @!p1 s20, $0xD  }
0x416: {  	s28 =	simm.s32 @!p1 $0x400;
	s23 =	sand.u32 @!p1 $0x3FFFE000, s23  }
0x417: {  	s29 =	sshll.u32 s20, $0x1;
	s26 =	simm.s32 @!p1 $0x200;
	s23 =	sadd.s32 @!p1 s23, s3  }
0x418: {  	s25 =	sadd.s32 @!p1 $0x2000, s23;
	s23 =	sor.u32 $0x1, s29;
	s29 =	simm.s32 @!p1 $0x1BA00  }
0x419: {  	[tilespmem:s29], [sflag:$0x1] =	stream.strided.gather @!p1 [spmem:s25], $0x1000, s28, s26, $0x38;
	[tilespmem:$0x1FA00] =	vst v63  }
0x41a: {  	_ =	swait.ge [sflag:s0], $0x1000  }
0x41b: {  	[sflag:s0] =	ssyncset.done $0x0  }
0x41c: {  	[sflag:s0] =	ssyncadd.s32 $0xFFFFF000  }
0x41d: {  	_ =	swait.ge [sflag:s16], $0x1000  }
0x41e: {  	[sflag:s16] =	ssyncset.done $0x0  }
0x41f: {  	s29 =	simm.s32 $0x1CC00;
	[sflag:s16] =	ssyncadd.s32 $0xFFFFF000  }
0x420: {  	v1 =	vld [tilespmem:s29+$0x70]  }
0x421: {  	v2 =	vld [tilespmem:s29+$0xFFFFFE10]  }
0x422: {  	v3 =	vld [tilespmem:s29+$0xFFFFFE20]  }
0x423: {  	v4 =	vld [tilespmem:s29+$0xFFFFFE30]  }
0x424: {  	v5 =	vld [tilespmem:s29+$0xFFFFFE40]  }
0x425: {  	v6 =	vld [tilespmem:s29+$0xFFFFFE50]  }
0x426: {  	v7 =	vld [tilespmem:s29+$0xFFFFFE60]  }
0x427: {  	v8 =	vld [tilespmem:s29+$0xFFFFFE70]  }
0x428: {  	s24 =	sshll.u32 s23, $0x2;
	v9 =	vld [tilespmem:s29+$0x0]  }
0x429: {  	v0 =	vmov s24;
	v10 =	vld [tilespmem:s29+$0x10]  }
0x42a: {  	v0 =	vbroadcast v0, $0x0;
	v11 =	vld [tilespmem:s29+$0x20]  }
0x42b: {  	v12 =	vld [tilespmem:s29+$0x30]  }
0x42c: {  	v13 =	vld [tilespmem:s29+$0x40]  }
0x42d: {  	v14 =	vld [tilespmem:s29+$0x50]  }
0x42e: {  	v15 =	vld [tilespmem:s29+$0x60]  }
0x42f: {  	v16 =	vld [tilespmem:s29+$0xFFFFFE00]  }
0x430: {  	v0 =	vld.idx.msk [tilespmem:v0+s17+$0x0], $0xffff  }
0x431: {  	v1 =	vld.idx.msk [tilespmem:v1+s4+$0x0], $0xffff  }
0x432: {  	v2 =	vld.idx.msk [tilespmem:v2+s4+$0x0], $0xffff  }
0x433: {  	v3 =	vld.idx.msk [tilespmem:v3+s4+$0x0], $0xffff  }
0x434: {  	v6 =	vld.idx.msk [tilespmem:v6+s4+$0x0], $0xffff  }
0x435: {  	v4 =	vld.idx.msk [tilespmem:v4+s4+$0x0], $0xffff  }
0x436: {  	v5 =	vld.idx.msk [tilespmem:v5+s4+$0x0], $0xffff  }
0x437: {  	v7 =	vld.idx.msk [tilespmem:v7+s4+$0x0], $0xffff;
	v1 =	vmul.f32 $8.000000000e+00, v1  }
0x438: {  	v8 =	vld.idx.msk [tilespmem:v8+s4+$0x0], $0xffff;
	v2 =	vmul.f32 $8.000000000e+00, v2  }
0x439: {  	v16 =	vld.idx.msk [tilespmem:v16+s4+$0x0], $0xffff;
	v3 =	vmul.f32 $8.000000000e+00, v3;
	v6 =	vmul.f32 $8.000000000e+00, v6;
	v1 =	vadd.f32 v1, v0  }
0x43a: {  	s25 =	simm.s32 $0x1EC00;
	v9 =	vld.idx.msk [tilespmem:v9+s4+$0x0], $0xffff;
	v4 =	vmul.f32 $8.000000000e+00, v4;
	v2 =	vadd.f32 v2, v0  }
0x43b: {  	v5 =	vmul.f32 $8.000000000e+00, v5;
	v6 =	vadd.f32 v6, v0;
	[tilespmem:s25+$0x70] =	vst v1;
	v1 =	vadd.f32 v3, v0;
	v3 =	vld.idx.msk [tilespmem:v10+s4+$0x0], $0xffff  }
0x43c: {  	[tilespmem:s25+$0xFFFFFE10] =	vst v2;
	v2 =	vadd.f32 v4, v0;
	v4 =	vld.idx.msk [tilespmem:v11+s4+$0x0], $0xffff  }
0x43d: {  	v10 =	vadd.f32 v5, v0;
	v11 =	vmul.f32 $8.000000000e+00, v7;
	v5 =	vld.idx.msk [tilespmem:v13+s4+$0x0], $0xffff;
	[tilespmem:s25+$0xFFFFFE50] =	vst v6  }
0x43e: {  	v8 =	vmul.f32 $8.000000000e+00, v8;
	[tilespmem:s25+$0xFFFFFE20] =	vst v1;
	v1 =	vld.idx.msk [tilespmem:v12+s4+$0x0], $0xffff  }
0x43f: {  	v7 =	vmul.f32 $8.000000000e+00, v16;
	v6 =	vld.idx.msk [tilespmem:v15+s4+$0x0], $0xffff;
	[tilespmem:s25+$0xFFFFFE40] =	vst v10;
	v10 =	vadd.f32 v11, v0  }
0x440: {  	s26 =	simm.s32 $0x0;
	s28 =	simm.s32 $0x1D000;
	v9 =	vmul.f32 $8.000000000e+00, v9;
	v8 =	vadd.f32 v8, v0;
	[tilespmem:s25+$0xFFFFFE30] =	vst v2;
	v2 =	vld.idx.msk [tilespmem:v14+s4+$0x0], $0xffff  }
.LBB2_30:
0x441: {  	v11 =	vld [tilespmem:s28+$0x70];
	s26 =	sadd.s32 $0x10, s26;
	v7 =	vadd.f32 v7, v0;
	[tilespmem:s25+$0xFFFFFE60] =	vst v10;
	v3 =	vmul.f32 $8.000000000e+00, v3  }
0x442: {  	v4 =	vmul.f32 $8.000000000e+00, v4;
	v10 =	vld [tilespmem:s28+$0xFFFFFE10];
	p2 =	slt.u32 s26, $0x30;
	[tilespmem:s25+$0xFFFFFE70] =	vst v8;
	v8 =	vadd.f32 v9, v0  }
0x443: {  	v1 =	vmul.f32 $8.000000000e+00, v1;
	v9 =	vld [tilespmem:s28+$0xFFFFFE20];
	[tilespmem:s25+$0xFFFFFE00] =	vst v7;
	v3 =	vadd.f32 v3, v0  }
0x444: {  	v4 =	vadd.f32 v4, v0;
	v5 =	vmul.f32 $8.000000000e+00, v5;
	v7 =	vld [tilespmem:s28+$0xFFFFFE30];
	[tilespmem:s25+$0x0] =	vst v8  }
0x445: {  	v1 =	vadd.f32 v1, v0;
	v2 =	vmul.f32 $8.000000000e+00, v2;
	v8 =	vld [tilespmem:s28+$0xFFFFFE40];
	[tilespmem:s25+$0x10] =	vst v3  }
0x446: {  	v3 =	vld [tilespmem:s28+$0xFFFFFE50];
	[tilespmem:s25+$0x20] =	vst v4;
	v4 =	vadd.f32 v5, v0;
	v5 =	vmul.f32 $8.000000000e+00, v6  }
0x447: {  	v6 =	vld [tilespmem:s28+$0xFFFFFE60];
	[tilespmem:s25+$0x30] =	vst v1;
	v1 =	vadd.f32 v2, v0  }
0x448: {  	v2 =	vld [tilespmem:s28+$0xFFFFFE70];
	[tilespmem:s25+$0x40] =	vst v4;
	v4 =	vadd.f32 v5, v0  }
0x449: {  	v5 =	vld.idx.msk [tilespmem:v11+s4+$0x0], $0xffff;
	[tilespmem:s25+$0x50] =	vst v1  }
0x44a: {  	v1 =	vld [tilespmem:s28+$0x0];
	[tilespmem:s25+$0x60] =	vst v4  }
0x44b: {  	v4 =	vld [tilespmem:s28+$0x10]  }
0x44c: {  	v11 =	vld [tilespmem:s28+$0x20]  }
0x44d: {  	v12 =	vld [tilespmem:s28+$0x30]  }
0x44e: {  	v13 =	vld [tilespmem:s28+$0x40]  }
0x44f: {  	v5 =	vmul.f32 $8.000000000e+00, v5;
	v14 =	vld [tilespmem:s28+$0x50]  }
0x450: {  	v15 =	vld [tilespmem:s28+$0x60]  }
0x451: {  	v5 =	vadd.f32 v5, v0;
	v16 =	vld [tilespmem:s28+$0xFFFFFE00]  }
0x452: {  	s25 =	sadd.s32 $0x400, s25;
	v10 =	vld.idx.msk [tilespmem:v10+s4+$0x0], $0xffff  }
0x453: {  	v9 =	vld.idx.msk [tilespmem:v9+s4+$0x0], $0xffff;
	[tilespmem:s25+$0x70] =	vst v5  }
0x454: {  	v5 =	vld.idx.msk [tilespmem:v7+s4+$0x0], $0xffff  }
0x455: {  	v7 =	vld.idx.msk [tilespmem:v8+s4+$0x0], $0xffff  }
0x456: {  	v8 =	vld.idx.msk [tilespmem:v3+s4+$0x0], $0xffff  }
0x457: {  	v6 =	vld.idx.msk [tilespmem:v6+s4+$0x0], $0xffff  }
0x458: {  	v3 =	vmul.f32 $8.000000000e+00, v10;
	v2 =	vld.idx.msk [tilespmem:v2+s4+$0x0], $0xffff  }
0x459: {  	v9 =	vmul.f32 $8.000000000e+00, v9;
	v10 =	vld.idx.msk [tilespmem:v16+s4+$0x0], $0xffff  }
0x45a: {  	v16 =	vadd.f32 v3, v0;
	v5 =	vmul.f32 $8.000000000e+00, v5;
	v17 =	vld.idx.msk [tilespmem:v1+s4+$0x0], $0xffff  }
0x45b: {  	v1 =	vadd.f32 v9, v0;
	v7 =	vmul.f32 $8.000000000e+00, v7;
	v3 =	vld.idx.msk [tilespmem:v4+s4+$0x0], $0xffff  }
.Ltmp16:
0x45c: {  	v5 =	vadd.f32 v5, v0;
	v8 =	vmul.f32 $8.000000000e+00, v8;
	[tilespmem:s25+$0xFFFFFE10] =	vst v16;
	v4 =	vld.idx.msk [tilespmem:v11+s4+$0x0], $0xffff;
	(pc) =	sbr.rel @p2 .LBB2_30-.Ltmp16, $4  }
0x45d: {  	v9 =	vadd.f32 v7, v0;
	v6 =	vmul.f32 $8.000000000e+00, v6;
	[tilespmem:s25+$0xFFFFFE20] =	vst v1;
	v1 =	vld.idx.msk [tilespmem:v12+s4+$0x0], $0xffff  }
0x45e: {  	v8 =	vadd.f32 v8, v0;
	v11 =	vmul.f32 $8.000000000e+00, v2;
	[tilespmem:s25+$0xFFFFFE30] =	vst v5;
	v5 =	vld.idx.msk [tilespmem:v13+s4+$0x0], $0xffff  }
0x45f: {  	v7 =	vmul.f32 $8.000000000e+00, v10;
	v10 =	vadd.f32 v6, v0;
	[tilespmem:s25+$0xFFFFFE40] =	vst v9;
	v2 =	vld.idx.msk [tilespmem:v14+s4+$0x0], $0xffff  }
0x460: {  	s28 =	sadd.s32 $0x400, s28;
	v9 =	vmul.f32 $8.000000000e+00, v17;
	[tilespmem:s25+$0xFFFFFE50] =	vst v8;
	v8 =	vadd.f32 v11, v0;
	v6 =	vld.idx.msk [tilespmem:v15+s4+$0x0], $0xffff  }
0x461: {  	v7 =	vadd.f32 v7, v0;
	[tilespmem:s25+$0xFFFFFE60] =	vst v10;
	v3 =	vmul.f32 $8.000000000e+00, v3  }
0x462: {  	v4 =	vmul.f32 $8.000000000e+00, v4;
	[tilespmem:s25+$0xFFFFFE70] =	vst v8;
	v8 =	vadd.f32 v9, v0  }
0x463: {  	v1 =	vmul.f32 $8.000000000e+00, v1;
	[tilespmem:s25+$0xFFFFFE00] =	vst v7;
	v3 =	vadd.f32 v3, v0  }
0x464: {  	v4 =	vadd.f32 v4, v0;
	v5 =	vmul.f32 $8.000000000e+00, v5;
	[tilespmem:s25+$0x0] =	vst v8  }
0x465: {  	v1 =	vadd.f32 v1, v0;
	v2 =	vmul.f32 $8.000000000e+00, v2;
	[tilespmem:s25+$0x10] =	vst v3  }
0x466: {  	[tilespmem:s25+$0x20] =	vst v4;
	v4 =	vadd.f32 v5, v0;
	v5 =	vmul.f32 $8.000000000e+00, v6  }
0x467: {  	[tilespmem:s25+$0x30] =	vst v1;
	v1 =	vadd.f32 v2, v0  }
0x468: {  	[tilespmem:s25+$0x40] =	vst v4;
	v0 =	vadd.f32 v5, v0  }
0x469: {  	[tilespmem:s25+$0x50] =	vst v1  }
0x46a: {  	s29 =	simm.s32 $0x1CC80;
	[tilespmem:s25+$0x60] =	vst v0  }
0x46b: {  	v1 =	vld [tilespmem:s29+$0x70]  }
0x46c: {  	v2 =	vld [tilespmem:s29+$0xFFFFFE10]  }
0x46d: {  	s26 =	sor.u32 $0x1, s24;
	v4 =	vld [tilespmem:s29+$0xFFFFFE30]  }
0x46e: {  	v7 =	vmov s26;
	v5 =	vld [tilespmem:s29+$0xFFFFFE40]  }
0x46f: {  	v7 =	vand.u32 $0xFFFFFFFD, v7;
	v6 =	vld [tilespmem:s29+$0xFFFFFE50]  }
0x470: {  	v3 =	vbroadcast v7, $0x0;
	v7 =	vld [tilespmem:s29+$0xFFFFFE60]  }
0x471: {  	v8 =	vld [tilespmem:s29+$0xFFFFFE70]  }
0x472: {  	v9 =	vld [tilespmem:s29+$0x0]  }
0x473: {  	v10 =	vld [tilespmem:s29+$0x10]  }
0x474: {  	v11 =	vld [tilespmem:s29+$0x20]  }
0x475: {  	v12 =	vld [tilespmem:s29+$0x30]  }
0x476: {  	v0 =	vld.idx.msk [tilespmem:v3+s17+$0x0], $0xffff  }
0x477: {  	v3 =	vld [tilespmem:s29+$0xFFFFFE20]  }
0x478: {  	v13 =	vld [tilespmem:s29+$0x40]  }
0x479: {  	v14 =	vld [tilespmem:s29+$0x50]  }
0x47a: {  	v15 =	vld [tilespmem:s29+$0x60]  }
0x47b: {  	v16 =	vld [tilespmem:s29+$0xFFFFFE00]  }
0x47c: {  	v1 =	vld.idx.msk [tilespmem:v1+s4+$0x0], $0xffff  }
0x47d: {  	v2 =	vld.idx.msk [tilespmem:v2+s4+$0x0], $0xffff  }
0x47e: {  	v6 =	vld.idx.msk [tilespmem:v6+s4+$0x0], $0xffff  }
0x47f: {  	v3 =	vld.idx.msk [tilespmem:v3+s4+$0x0], $0xffff  }
0x480: {  	v4 =	vld.idx.msk [tilespmem:v4+s4+$0x0], $0xffff  }
0x481: {  	v5 =	vld.idx.msk [tilespmem:v5+s4+$0x0], $0xffff  }
0x482: {  	v7 =	vld.idx.msk [tilespmem:v7+s4+$0x0], $0xffff;
	v1 =	vmul.f32 $8.000000000e+00, v1  }
0x483: {  	v8 =	vld.idx.msk [tilespmem:v8+s4+$0x0], $0xffff;
	v2 =	vmul.f32 $8.000000000e+00, v2  }
0x484: {  	v16 =	vld.idx.msk [tilespmem:v16+s4+$0x0], $0xffff;
	v6 =	vmul.f32 $8.000000000e+00, v6;
	v3 =	vmul.f32 $8.000000000e+00, v3;
	v1 =	vadd.f32 v1, v0  }
0x485: {  	s25 =	simm.s32 $0x1EC80;
	v9 =	vld.idx.msk [tilespmem:v9+s4+$0x0], $0xffff;
	v4 =	vmul.f32 $8.000000000e+00, v4;
	v2 =	vadd.f32 v2, v0  }
0x486: {  	v5 =	vmul.f32 $8.000000000e+00, v5;
	v6 =	vadd.f32 v6, v0;
	[tilespmem:s25+$0x70] =	vst v1;
	v1 =	vadd.f32 v3, v0;
	v3 =	vld.idx.msk [tilespmem:v10+s4+$0x0], $0xffff  }
0x487: {  	[tilespmem:s25+$0xFFFFFE10] =	vst v2;
	v2 =	vadd.f32 v4, v0;
	v4 =	vld.idx.msk [tilespmem:v11+s4+$0x0], $0xffff  }
0x488: {  	v10 =	vadd.f32 v5, v0;
	v11 =	vmul.f32 $8.000000000e+00, v7;
	v5 =	vld.idx.msk [tilespmem:v13+s4+$0x0], $0xffff;
	[tilespmem:s25+$0xFFFFFE50] =	vst v6  }
0x489: {  	v8 =	vmul.f32 $8.000000000e+00, v8;
	[tilespmem:s25+$0xFFFFFE20] =	vst v1;
	v1 =	vld.idx.msk [tilespmem:v12+s4+$0x0], $0xffff  }
0x48a: {  	v7 =	vmul.f32 $8.000000000e+00, v16;
	v6 =	vld.idx.msk [tilespmem:v15+s4+$0x0], $0xffff;
	[tilespmem:s25+$0xFFFFFE40] =	vst v10;
	v10 =	vadd.f32 v11, v0  }
0x48b: {  	s28 =	simm.s32 $0x1D080;
	s26 =	simm.s32 $0x0;
	v9 =	vmul.f32 $8.000000000e+00, v9;
	v8 =	vadd.f32 v8, v0;
	[tilespmem:s25+$0xFFFFFE30] =	vst v2;
	v2 =	vld.idx.msk [tilespmem:v14+s4+$0x0], $0xffff  }
.LBB2_32:
0x48c: {  	v11 =	vld [tilespmem:s28+$0x70];
	s26 =	sadd.s32 $0x10, s26;
	v7 =	vadd.f32 v7, v0;
	[tilespmem:s25+$0xFFFFFE60] =	vst v10;
	v3 =	vmul.f32 $8.000000000e+00, v3  }
0x48d: {  	v4 =	vmul.f32 $8.000000000e+00, v4;
	v10 =	vld [tilespmem:s28+$0xFFFFFE10];
	p2 =	slt.u32 s26, $0x30;
	[tilespmem:s25+$0xFFFFFE70] =	vst v8;
	v8 =	vadd.f32 v9, v0  }
0x48e: {  	v1 =	vmul.f32 $8.000000000e+00, v1;
	v9 =	vld [tilespmem:s28+$0xFFFFFE20];
	[tilespmem:s25+$0xFFFFFE00] =	vst v7;
	v3 =	vadd.f32 v3, v0  }
0x48f: {  	v4 =	vadd.f32 v4, v0;
	v5 =	vmul.f32 $8.000000000e+00, v5;
	v7 =	vld [tilespmem:s28+$0xFFFFFE30];
	[tilespmem:s25+$0x0] =	vst v8  }
0x490: {  	v1 =	vadd.f32 v1, v0;
	v2 =	vmul.f32 $8.000000000e+00, v2;
	v8 =	vld [tilespmem:s28+$0xFFFFFE40];
	[tilespmem:s25+$0x10] =	vst v3  }
0x491: {  	v3 =	vld [tilespmem:s28+$0xFFFFFE50];
	[tilespmem:s25+$0x20] =	vst v4;
	v4 =	vadd.f32 v5, v0;
	v5 =	vmul.f32 $8.000000000e+00, v6  }
0x492: {  	v6 =	vld [tilespmem:s28+$0xFFFFFE60];
	[tilespmem:s25+$0x30] =	vst v1;
	v1 =	vadd.f32 v2, v0  }
0x493: {  	v2 =	vld [tilespmem:s28+$0xFFFFFE70];
	[tilespmem:s25+$0x40] =	vst v4;
	v4 =	vadd.f32 v5, v0  }
0x494: {  	v5 =	vld.idx.msk [tilespmem:v11+s4+$0x0], $0xffff;
	[tilespmem:s25+$0x50] =	vst v1  }
0x495: {  	v1 =	vld [tilespmem:s28+$0x0];
	[tilespmem:s25+$0x60] =	vst v4  }
0x496: {  	v4 =	vld [tilespmem:s28+$0x10]  }
0x497: {  	v11 =	vld [tilespmem:s28+$0x20]  }
0x498: {  	v12 =	vld [tilespmem:s28+$0x30]  }
0x499: {  	v13 =	vld [tilespmem:s28+$0x40]  }
0x49a: {  	v5 =	vmul.f32 $8.000000000e+00, v5;
	v14 =	vld [tilespmem:s28+$0x50]  }
0x49b: {  	v15 =	vld [tilespmem:s28+$0x60]  }
0x49c: {  	v5 =	vadd.f32 v5, v0;
	v16 =	vld [tilespmem:s28+$0xFFFFFE00]  }
0x49d: {  	s25 =	sadd.s32 $0x400, s25;
	v10 =	vld.idx.msk [tilespmem:v10+s4+$0x0], $0xffff  }
0x49e: {  	v9 =	vld.idx.msk [tilespmem:v9+s4+$0x0], $0xffff;
	[tilespmem:s25+$0x70] =	vst v5  }
0x49f: {  	v5 =	vld.idx.msk [tilespmem:v7+s4+$0x0], $0xffff  }
0x4a0: {  	v7 =	vld.idx.msk [tilespmem:v8+s4+$0x0], $0xffff  }
0x4a1: {  	v8 =	vld.idx.msk [tilespmem:v3+s4+$0x0], $0xffff  }
0x4a2: {  	v6 =	vld.idx.msk [tilespmem:v6+s4+$0x0], $0xffff  }
0x4a3: {  	v3 =	vmul.f32 $8.000000000e+00, v10;
	v2 =	vld.idx.msk [tilespmem:v2+s4+$0x0], $0xffff  }
0x4a4: {  	v9 =	vmul.f32 $8.000000000e+00, v9;
	v10 =	vld.idx.msk [tilespmem:v16+s4+$0x0], $0xffff  }
0x4a5: {  	v16 =	vadd.f32 v3, v0;
	v5 =	vmul.f32 $8.000000000e+00, v5;
	v17 =	vld.idx.msk [tilespmem:v1+s4+$0x0], $0xffff  }
0x4a6: {  	v1 =	vadd.f32 v9, v0;
	v7 =	vmul.f32 $8.000000000e+00, v7;
	v3 =	vld.idx.msk [tilespmem:v4+s4+$0x0], $0xffff  }
.Ltmp17:
0x4a7: {  	v5 =	vadd.f32 v5, v0;
	v8 =	vmul.f32 $8.000000000e+00, v8;
	[tilespmem:s25+$0xFFFFFE10] =	vst v16;
	v4 =	vld.idx.msk [tilespmem:v11+s4+$0x0], $0xffff;
	(pc) =	sbr.rel @p2 .LBB2_32-.Ltmp17, $4  }
0x4a8: {  	v9 =	vadd.f32 v7, v0;
	v6 =	vmul.f32 $8.000000000e+00, v6;
	[tilespmem:s25+$0xFFFFFE20] =	vst v1;
	v1 =	vld.idx.msk [tilespmem:v12+s4+$0x0], $0xffff  }
0x4a9: {  	v8 =	vadd.f32 v8, v0;
	v11 =	vmul.f32 $8.000000000e+00, v2;
	[tilespmem:s25+$0xFFFFFE30] =	vst v5;
	v5 =	vld.idx.msk [tilespmem:v13+s4+$0x0], $0xffff  }
0x4aa: {  	v7 =	vmul.f32 $8.000000000e+00, v10;
	v10 =	vadd.f32 v6, v0;
	[tilespmem:s25+$0xFFFFFE40] =	vst v9;
	v2 =	vld.idx.msk [tilespmem:v14+s4+$0x0], $0xffff  }
0x4ab: {  	s28 =	sadd.s32 $0x400, s28;
	v9 =	vmul.f32 $8.000000000e+00, v17;
	[tilespmem:s25+$0xFFFFFE50] =	vst v8;
	v8 =	vadd.f32 v11, v0;
	v6 =	vld.idx.msk [tilespmem:v15+s4+$0x0], $0xffff  }
0x4ac: {  	v7 =	vadd.f32 v7, v0;
	[tilespmem:s25+$0xFFFFFE60] =	vst v10;
	v3 =	vmul.f32 $8.000000000e+00, v3  }
0x4ad: {  	v4 =	vmul.f32 $8.000000000e+00, v4;
	[tilespmem:s25+$0xFFFFFE70] =	vst v8;
	v8 =	vadd.f32 v9, v0  }
0x4ae: {  	v1 =	vmul.f32 $8.000000000e+00, v1;
	[tilespmem:s25+$0xFFFFFE00] =	vst v7;
	v3 =	vadd.f32 v3, v0  }
0x4af: {  	v4 =	vadd.f32 v4, v0;
	v5 =	vmul.f32 $8.000000000e+00, v5;
	[tilespmem:s25+$0x0] =	vst v8  }
0x4b0: {  	v1 =	vadd.f32 v1, v0;
	v2 =	vmul.f32 $8.000000000e+00, v2;
	[tilespmem:s25+$0x10] =	vst v3  }
0x4b1: {  	[tilespmem:s25+$0x20] =	vst v4;
	v4 =	vadd.f32 v5, v0;
	v5 =	vmul.f32 $8.000000000e+00, v6  }
0x4b2: {  	[tilespmem:s25+$0x30] =	vst v1;
	v1 =	vadd.f32 v2, v0  }
0x4b3: {  	[tilespmem:s25+$0x40] =	vst v4;
	v0 =	vadd.f32 v5, v0  }
0x4b4: {  	[tilespmem:s25+$0x50] =	vst v1  }
0x4b5: {  	s29 =	simm.s32 $0x1CD00;
	[tilespmem:s25+$0x60] =	vst v0  }
0x4b6: {  	v1 =	vld [tilespmem:s29+$0x70]  }
0x4b7: {  	v2 =	vld [tilespmem:s29+$0xFFFFFE10]  }
0x4b8: {  	s26 =	sor.u32 $0x2, s24;
	v4 =	vld [tilespmem:s29+$0xFFFFFE30]  }
0x4b9: {  	v7 =	vmov s26;
	v5 =	vld [tilespmem:s29+$0xFFFFFE40]  }
0x4ba: {  	v7 =	vand.u32 $0xFFFFFFFE, v7;
	v6 =	vld [tilespmem:s29+$0xFFFFFE50]  }
0x4bb: {  	v3 =	vbroadcast v7, $0x0;
	v7 =	vld [tilespmem:s29+$0xFFFFFE60]  }
0x4bc: {  	v8 =	vld [tilespmem:s29+$0xFFFFFE70]  }
0x4bd: {  	v9 =	vld [tilespmem:s29+$0x0]  }
0x4be: {  	v10 =	vld [tilespmem:s29+$0x10]  }
0x4bf: {  	v11 =	vld [tilespmem:s29+$0x20]  }
0x4c0: {  	v12 =	vld [tilespmem:s29+$0x30]  }
0x4c1: {  	v13 =	vld [tilespmem:s29+$0x40]  }
0x4c2: {  	v0 =	vld.idx.msk [tilespmem:v3+s17+$0x0], $0xffff  }
0x4c3: {  	v3 =	vld [tilespmem:s29+$0xFFFFFE20]  }
0x4c4: {  	v14 =	vld [tilespmem:s29+$0x50]  }
0x4c5: {  	v15 =	vld [tilespmem:s29+$0x60]  }
0x4c6: {  	v16 =	vld [tilespmem:s29+$0xFFFFFE00]  }
0x4c7: {  	v1 =	vld.idx.msk [tilespmem:v1+s4+$0x0], $0xffff  }
0x4c8: {  	v2 =	vld.idx.msk [tilespmem:v2+s4+$0x0], $0xffff  }
0x4c9: {  	v4 =	vld.idx.msk [tilespmem:v4+s4+$0x0], $0xffff  }
0x4ca: {  	v5 =	vld.idx.msk [tilespmem:v5+s4+$0x0], $0xffff  }
0x4cb: {  	v3 =	vld.idx.msk [tilespmem:v3+s4+$0x0], $0xffff  }
0x4cc: {  	v6 =	vld.idx.msk [tilespmem:v6+s4+$0x0], $0xffff  }
0x4cd: {  	v7 =	vld.idx.msk [tilespmem:v7+s4+$0x0], $0xffff;
	v1 =	vmul.f32 $8.000000000e+00, v1  }
0x4ce: {  	v8 =	vld.idx.msk [tilespmem:v8+s4+$0x0], $0xffff;
	v2 =	vmul.f32 $8.000000000e+00, v2  }
0x4cf: {  	v16 =	vld.idx.msk [tilespmem:v16+s4+$0x0], $0xffff;
	v4 =	vmul.f32 $8.000000000e+00, v4;
	v1 =	vadd.f32 v1, v0  }
0x4d0: {  	s25 =	simm.s32 $0x1ED00;
	v9 =	vld.idx.msk [tilespmem:v9+s4+$0x0], $0xffff;
	v3 =	vmul.f32 $8.000000000e+00, v3;
	v2 =	vadd.f32 v2, v0  }
0x4d1: {  	v5 =	vmul.f32 $8.000000000e+00, v5;
	v4 =	vadd.f32 v4, v0;
	[tilespmem:s25+$0x70] =	vst v1;
	v1 =	vld.idx.msk [tilespmem:v10+s4+$0x0], $0xffff  }
0x4d2: {  	v6 =	vmul.f32 $8.000000000e+00, v6;
	v3 =	vadd.f32 v3, v0;
	[tilespmem:s25+$0xFFFFFE10] =	vst v2;
	v2 =	vld.idx.msk [tilespmem:v11+s4+$0x0], $0xffff  }
0x4d3: {  	v5 =	vadd.f32 v5, v0;
	v10 =	vmul.f32 $8.000000000e+00, v7;
	[tilespmem:s25+$0xFFFFFE30] =	vst v4;
	v4 =	vld.idx.msk [tilespmem:v13+s4+$0x0], $0xffff  }
0x4d4: {  	v8 =	vmul.f32 $8.000000000e+00, v8;
	v6 =	vadd.f32 v6, v0;
	[tilespmem:s25+$0xFFFFFE20] =	vst v3;
	v3 =	vld.idx.msk [tilespmem:v12+s4+$0x0], $0xffff  }
0x4d5: {  	v7 =	vmul.f32 $8.000000000e+00, v16;
	[tilespmem:s25+$0xFFFFFE40] =	vst v5;
	v5 =	vld.idx.msk [tilespmem:v14+s4+$0x0], $0xffff;
	v10 =	vadd.f32 v10, v0  }
0x4d6: {  	s28 =	simm.s32 $0x1D100;
	s26 =	simm.s32 $0x0;
	v9 =	vmul.f32 $8.000000000e+00, v9;
	v8 =	vadd.f32 v8, v0;
	[tilespmem:s25+$0xFFFFFE50] =	vst v6;
	v6 =	vld.idx.msk [tilespmem:v15+s4+$0x0], $0xffff  }
.LBB2_34:
0x4d7: {  	v11 =	vld [tilespmem:s28+$0x70];
	s26 =	sadd.s32 $0x10, s26;
	v7 =	vadd.f32 v7, v0;
	[tilespmem:s25+$0xFFFFFE60] =	vst v10;
	v1 =	vmul.f32 $8.000000000e+00, v1  }
0x4d8: {  	v2 =	vmul.f32 $8.000000000e+00, v2;
	v10 =	vld [tilespmem:s28+$0xFFFFFE10];
	p2 =	slt.u32 s26, $0x30;
	[tilespmem:s25+$0xFFFFFE70] =	vst v8;
	v8 =	vadd.f32 v9, v0  }
0x4d9: {  	v3 =	vmul.f32 $8.000000000e+00, v3;
	v9 =	vld [tilespmem:s28+$0xFFFFFE20];
	[tilespmem:s25+$0xFFFFFE00] =	vst v7;
	v1 =	vadd.f32 v1, v0  }
0x4da: {  	v2 =	vadd.f32 v2, v0;
	v4 =	vmul.f32 $8.000000000e+00, v4;
	v7 =	vld [tilespmem:s28+$0xFFFFFE30];
	[tilespmem:s25+$0x0] =	vst v8  }
0x4db: {  	v8 =	vld [tilespmem:s28+$0xFFFFFE40];
	[tilespmem:s25+$0x10] =	vst v1;
	v1 =	vadd.f32 v3, v0;
	v3 =	vmul.f32 $8.000000000e+00, v5  }
0x4dc: {  	v5 =	vld [tilespmem:s28+$0xFFFFFE50];
	[tilespmem:s25+$0x20] =	vst v2;
	v2 =	vadd.f32 v4, v0;
	v4 =	vmul.f32 $8.000000000e+00, v6  }
0x4dd: {  	v6 =	vld [tilespmem:s28+$0xFFFFFE60];
	[tilespmem:s25+$0x30] =	vst v1;
	v1 =	vadd.f32 v3, v0  }
0x4de: {  	v3 =	vld [tilespmem:s28+$0xFFFFFE70];
	[tilespmem:s25+$0x40] =	vst v2;
	v2 =	vadd.f32 v4, v0  }
0x4df: {  	v4 =	vld.idx.msk [tilespmem:v11+s4+$0x0], $0xffff;
	[tilespmem:s25+$0x50] =	vst v1  }
0x4e0: {  	v1 =	vld [tilespmem:s28+$0x0];
	[tilespmem:s25+$0x60] =	vst v2  }
0x4e1: {  	v2 =	vld [tilespmem:s28+$0x10]  }
0x4e2: {  	v11 =	vld [tilespmem:s28+$0x20]  }
0x4e3: {  	v12 =	vld [tilespmem:s28+$0x30]  }
0x4e4: {  	v13 =	vld [tilespmem:s28+$0x40]  }
0x4e5: {  	v4 =	vmul.f32 $8.000000000e+00, v4;
	v14 =	vld [tilespmem:s28+$0x50]  }
0x4e6: {  	v15 =	vld [tilespmem:s28+$0x60]  }
0x4e7: {  	v4 =	vadd.f32 v4, v0;
	v16 =	vld [tilespmem:s28+$0xFFFFFE00]  }
0x4e8: {  	s25 =	sadd.s32 $0x400, s25;
	v10 =	vld.idx.msk [tilespmem:v10+s4+$0x0], $0xffff  }
0x4e9: {  	v9 =	vld.idx.msk [tilespmem:v9+s4+$0x0], $0xffff;
	[tilespmem:s25+$0x70] =	vst v4  }
0x4ea: {  	v4 =	vld.idx.msk [tilespmem:v7+s4+$0x0], $0xffff  }
0x4eb: {  	v7 =	vld.idx.msk [tilespmem:v8+s4+$0x0], $0xffff  }
0x4ec: {  	v5 =	vld.idx.msk [tilespmem:v5+s4+$0x0], $0xffff  }
0x4ed: {  	v6 =	vld.idx.msk [tilespmem:v6+s4+$0x0], $0xffff  }
0x4ee: {  	v8 =	vmul.f32 $8.000000000e+00, v10;
	v10 =	vld.idx.msk [tilespmem:v3+s4+$0x0], $0xffff  }
0x4ef: {  	v3 =	vmul.f32 $8.000000000e+00, v9;
	v16 =	vld.idx.msk [tilespmem:v16+s4+$0x0], $0xffff  }
0x4f0: {  	v8 =	vadd.f32 v8, v0;
	v4 =	vmul.f32 $8.000000000e+00, v4;
	v9 =	vld.idx.msk [tilespmem:v1+s4+$0x0], $0xffff  }
0x4f1: {  	v3 =	vadd.f32 v3, v0;
	v7 =	vmul.f32 $8.000000000e+00, v7;
	v1 =	vld.idx.msk [tilespmem:v2+s4+$0x0], $0xffff  }
.Ltmp18:
0x4f2: {  	v4 =	vadd.f32 v4, v0;
	v5 =	vmul.f32 $8.000000000e+00, v5;
	[tilespmem:s25+$0xFFFFFE10] =	vst v8;
	v2 =	vld.idx.msk [tilespmem:v11+s4+$0x0], $0xffff;
	(pc) =	sbr.rel @p2 .LBB2_34-.Ltmp18, $4  }
0x4f3: {  	v8 =	vadd.f32 v7, v0;
	v6 =	vmul.f32 $8.000000000e+00, v6;
	[tilespmem:s25+$0xFFFFFE20] =	vst v3;
	v3 =	vld.idx.msk [tilespmem:v12+s4+$0x0], $0xffff  }
0x4f4: {  	v11 =	vadd.f32 v5, v0;
	v12 =	vmul.f32 $8.000000000e+00, v10;
	[tilespmem:s25+$0xFFFFFE30] =	vst v4;
	v4 =	vld.idx.msk [tilespmem:v13+s4+$0x0], $0xffff  }
0x4f5: {  	v7 =	vmul.f32 $8.000000000e+00, v16;
	v10 =	vadd.f32 v6, v0;
	[tilespmem:s25+$0xFFFFFE40] =	vst v8;
	v5 =	vld.idx.msk [tilespmem:v14+s4+$0x0], $0xffff  }
0x4f6: {  	s28 =	sadd.s32 $0x400, s28;
	v8 =	vadd.f32 v12, v0;
	v9 =	vmul.f32 $8.000000000e+00, v9;
	[tilespmem:s25+$0xFFFFFE50] =	vst v11;
	v6 =	vld.idx.msk [tilespmem:v15+s4+$0x0], $0xffff  }
0x4f7: {  	v7 =	vadd.f32 v7, v0;
	[tilespmem:s25+$0xFFFFFE60] =	vst v10;
	v1 =	vmul.f32 $8.000000000e+00, v1  }
0x4f8: {  	v2 =	vmul.f32 $8.000000000e+00, v2;
	[tilespmem:s25+$0xFFFFFE70] =	vst v8;
	v8 =	vadd.f32 v9, v0  }
0x4f9: {  	v3 =	vmul.f32 $8.000000000e+00, v3;
	[tilespmem:s25+$0xFFFFFE00] =	vst v7;
	v1 =	vadd.f32 v1, v0  }
0x4fa: {  	v2 =	vadd.f32 v2, v0;
	v4 =	vmul.f32 $8.000000000e+00, v4;
	[tilespmem:s25+$0x0] =	vst v8  }
0x4fb: {  	s24 =	sor.u32 $0x3, s24;
	[tilespmem:s25+$0x10] =	vst v1;
	v1 =	vadd.f32 v3, v0;
	v3 =	vmul.f32 $8.000000000e+00, v5  }
0x4fc: {  	[tilespmem:s25+$0x20] =	vst v2;
	v2 =	vadd.f32 v4, v0;
	v4 =	vmul.f32 $8.000000000e+00, v6;
	v5 =	vmov s24  }
0x4fd: {  	[tilespmem:s25+$0x30] =	vst v1;
	v1 =	vadd.f32 v3, v0  }
0x4fe: {  	[tilespmem:s25+$0x40] =	vst v2;
	v0 =	vadd.f32 v4, v0  }
0x4ff: {  	[tilespmem:s25+$0x50] =	vst v1  }
0x500: {  	[tilespmem:s25+$0x60] =	vst v0  }
0x501: {  	s29 =	simm.s32 $0x1CD80;
	v0 =	vld.idx.msk [tilespmem:v5+s17+$0x0], $0xffff  }
0x502: {  	v1 =	vld [tilespmem:s29+$0x70]  }
0x503: {  	v2 =	vld [tilespmem:s29+$0xFFFFFE10]  }
0x504: {  	v3 =	vld [tilespmem:s29+$0xFFFFFE20]  }
0x505: {  	v4 =	vld [tilespmem:s29+$0xFFFFFE30]  }
0x506: {  	v5 =	vld [tilespmem:s29+$0xFFFFFE40]  }
0x507: {  	v6 =	vld [tilespmem:s29+$0xFFFFFE50]  }
0x508: {  	v7 =	vld [tilespmem:s29+$0xFFFFFE60]  }
0x509: {  	v8 =	vld [tilespmem:s29+$0xFFFFFE70]  }
0x50a: {  	v9 =	vld [tilespmem:s29+$0x0]  }
0x50b: {  	v10 =	vld [tilespmem:s29+$0x10]  }
0x50c: {  	v11 =	vld [tilespmem:s29+$0x20]  }
0x50d: {  	v12 =	vld [tilespmem:s29+$0x30]  }
0x50e: {  	v13 =	vld [tilespmem:s29+$0x40]  }
0x50f: {  	v14 =	vld [tilespmem:s29+$0x50]  }
0x510: {  	v15 =	vld [tilespmem:s29+$0x60]  }
0x511: {  	v16 =	vld [tilespmem:s29+$0xFFFFFE00]  }
0x512: {  	v1 =	vld.idx.msk [tilespmem:v1+s4+$0x0], $0xffff  }
0x513: {  	v2 =	vld.idx.msk [tilespmem:v2+s4+$0x0], $0xffff  }
0x514: {  	v3 =	vld.idx.msk [tilespmem:v3+s4+$0x0], $0xffff  }
0x515: {  	v4 =	vld.idx.msk [tilespmem:v4+s4+$0x0], $0xffff  }
0x516: {  	v5 =	vld.idx.msk [tilespmem:v5+s4+$0x0], $0xffff  }
0x517: {  	v6 =	vld.idx.msk [tilespmem:v6+s4+$0x0], $0xffff  }
0x518: {  	v7 =	vld.idx.msk [tilespmem:v7+s4+$0x0], $0xffff;
	v1 =	vmul.f32 $8.000000000e+00, v1  }
0x519: {  	v8 =	vld.idx.msk [tilespmem:v8+s4+$0x0], $0xffff;
	v2 =	vmul.f32 $8.000000000e+00, v2  }
0x51a: {  	v16 =	vld.idx.msk [tilespmem:v16+s4+$0x0], $0xffff;
	v3 =	vmul.f32 $8.000000000e+00, v3;
	v1 =	vadd.f32 v1, v0  }
0x51b: {  	s24 =	simm.s32 $0x1ED80;
	v9 =	vld.idx.msk [tilespmem:v9+s4+$0x0], $0xffff;
	v4 =	vmul.f32 $8.000000000e+00, v4;
	v2 =	vadd.f32 v2, v0  }
0x51c: {  	v5 =	vmul.f32 $8.000000000e+00, v5;
	v3 =	vadd.f32 v3, v0;
	[tilespmem:s24+$0x70] =	vst v1;
	v1 =	vld.idx.msk [tilespmem:v10+s4+$0x0], $0xffff  }
0x51d: {  	v6 =	vmul.f32 $8.000000000e+00, v6;
	v4 =	vadd.f32 v4, v0;
	[tilespmem:s24+$0xFFFFFE10] =	vst v2;
	v2 =	vld.idx.msk [tilespmem:v11+s4+$0x0], $0xffff  }
0x51e: {  	v5 =	vadd.f32 v5, v0;
	[tilespmem:s24+$0xFFFFFE20] =	vst v3;
	v3 =	vld.idx.msk [tilespmem:v12+s4+$0x0], $0xffff;
	v10 =	vmul.f32 $8.000000000e+00, v7  }
0x51f: {  	v8 =	vmul.f32 $8.000000000e+00, v8;
	v6 =	vadd.f32 v6, v0;
	[tilespmem:s24+$0xFFFFFE30] =	vst v4;
	v4 =	vld.idx.msk [tilespmem:v13+s4+$0x0], $0xffff  }
0x520: {  	v7 =	vmul.f32 $8.000000000e+00, v16;
	[tilespmem:s24+$0xFFFFFE40] =	vst v5;
	v5 =	vld.idx.msk [tilespmem:v14+s4+$0x0], $0xffff;
	v10 =	vadd.f32 v10, v0  }
0x521: {  	s26 =	simm.s32 $0x1D180;
	s25 =	simm.s32 $0x0;
	v9 =	vmul.f32 $8.000000000e+00, v9;
	v8 =	vadd.f32 v8, v0;
	[tilespmem:s24+$0xFFFFFE50] =	vst v6;
	v6 =	vld.idx.msk [tilespmem:v15+s4+$0x0], $0xffff  }
.LBB2_36:
0x522: {  	v11 =	vld [tilespmem:s26+$0x70];
	s25 =	sadd.s32 $0x10, s25;
	v7 =	vadd.f32 v7, v0;
	[tilespmem:s24+$0xFFFFFE60] =	vst v10;
	v1 =	vmul.f32 $8.000000000e+00, v1  }
0x523: {  	v2 =	vmul.f32 $8.000000000e+00, v2;
	v10 =	vld [tilespmem:s26+$0xFFFFFE10];
	p2 =	slt.u32 s25, $0x30;
	[tilespmem:s24+$0xFFFFFE70] =	vst v8;
	v8 =	vadd.f32 v9, v0  }
0x524: {  	v3 =	vmul.f32 $8.000000000e+00, v3;
	v9 =	vld [tilespmem:s26+$0xFFFFFE20];
	[tilespmem:s24+$0xFFFFFE00] =	vst v7;
	v1 =	vadd.f32 v1, v0  }
0x525: {  	v2 =	vadd.f32 v2, v0;
	v4 =	vmul.f32 $8.000000000e+00, v4;
	v7 =	vld [tilespmem:s26+$0xFFFFFE30];
	[tilespmem:s24+$0x0] =	vst v8  }
0x526: {  	v8 =	vld [tilespmem:s26+$0xFFFFFE40];
	[tilespmem:s24+$0x10] =	vst v1;
	v1 =	vadd.f32 v3, v0;
	v3 =	vmul.f32 $8.000000000e+00, v5  }
0x527: {  	v5 =	vld [tilespmem:s26+$0xFFFFFE50];
	[tilespmem:s24+$0x20] =	vst v2;
	v2 =	vadd.f32 v4, v0;
	v4 =	vmul.f32 $8.000000000e+00, v6  }
0x528: {  	v6 =	vld [tilespmem:s26+$0xFFFFFE60];
	[tilespmem:s24+$0x30] =	vst v1;
	v1 =	vadd.f32 v3, v0  }
0x529: {  	v3 =	vld [tilespmem:s26+$0xFFFFFE70];
	[tilespmem:s24+$0x40] =	vst v2;
	v2 =	vadd.f32 v4, v0  }
0x52a: {  	v4 =	vld.idx.msk [tilespmem:v11+s4+$0x0], $0xffff;
	[tilespmem:s24+$0x50] =	vst v1  }
0x52b: {  	v1 =	vld [tilespmem:s26+$0x0];
	[tilespmem:s24+$0x60] =	vst v2  }
0x52c: {  	v2 =	vld [tilespmem:s26+$0x10]  }
0x52d: {  	v11 =	vld [tilespmem:s26+$0x20]  }
0x52e: {  	v12 =	vld [tilespmem:s26+$0x30]  }
0x52f: {  	v13 =	vld [tilespmem:s26+$0x40]  }
0x530: {  	v4 =	vmul.f32 $8.000000000e+00, v4;
	v14 =	vld [tilespmem:s26+$0x50]  }
0x531: {  	v15 =	vld [tilespmem:s26+$0x60]  }
0x532: {  	v4 =	vadd.f32 v4, v0;
	v16 =	vld [tilespmem:s26+$0xFFFFFE00]  }
0x533: {  	s24 =	sadd.s32 $0x400, s24;
	v10 =	vld.idx.msk [tilespmem:v10+s4+$0x0], $0xffff  }
0x534: {  	v9 =	vld.idx.msk [tilespmem:v9+s4+$0x0], $0xffff;
	[tilespmem:s24+$0x70] =	vst v4  }
0x535: {  	v4 =	vld.idx.msk [tilespmem:v7+s4+$0x0], $0xffff  }
0x536: {  	v7 =	vld.idx.msk [tilespmem:v8+s4+$0x0], $0xffff  }
0x537: {  	v5 =	vld.idx.msk [tilespmem:v5+s4+$0x0], $0xffff  }
0x538: {  	v6 =	vld.idx.msk [tilespmem:v6+s4+$0x0], $0xffff  }
0x539: {  	v8 =	vmul.f32 $8.000000000e+00, v10;
	v10 =	vld.idx.msk [tilespmem:v3+s4+$0x0], $0xffff  }
0x53a: {  	v3 =	vmul.f32 $8.000000000e+00, v9;
	v16 =	vld.idx.msk [tilespmem:v16+s4+$0x0], $0xffff  }
0x53b: {  	v8 =	vadd.f32 v8, v0;
	v4 =	vmul.f32 $8.000000000e+00, v4;
	v9 =	vld.idx.msk [tilespmem:v1+s4+$0x0], $0xffff  }
0x53c: {  	v3 =	vadd.f32 v3, v0;
	v7 =	vmul.f32 $8.000000000e+00, v7;
	v1 =	vld.idx.msk [tilespmem:v2+s4+$0x0], $0xffff  }
.Ltmp19:
0x53d: {  	v4 =	vadd.f32 v4, v0;
	v5 =	vmul.f32 $8.000000000e+00, v5;
	[tilespmem:s24+$0xFFFFFE10] =	vst v8;
	v2 =	vld.idx.msk [tilespmem:v11+s4+$0x0], $0xffff;
	(pc) =	sbr.rel @p2 .LBB2_36-.Ltmp19, $4  }
0x53e: {  	v8 =	vadd.f32 v7, v0;
	v6 =	vmul.f32 $8.000000000e+00, v6;
	[tilespmem:s24+$0xFFFFFE20] =	vst v3;
	v3 =	vld.idx.msk [tilespmem:v12+s4+$0x0], $0xffff  }
0x53f: {  	v11 =	vadd.f32 v5, v0;
	v12 =	vmul.f32 $8.000000000e+00, v10;
	[tilespmem:s24+$0xFFFFFE30] =	vst v4;
	v4 =	vld.idx.msk [tilespmem:v13+s4+$0x0], $0xffff  }
0x540: {  	v7 =	vmul.f32 $8.000000000e+00, v16;
	v10 =	vadd.f32 v6, v0;
	[tilespmem:s24+$0xFFFFFE40] =	vst v8;
	v5 =	vld.idx.msk [tilespmem:v14+s4+$0x0], $0xffff  }
0x541: {  	s26 =	sadd.s32 $0x400, s26;
	v8 =	vadd.f32 v12, v0;
	v9 =	vmul.f32 $8.000000000e+00, v9;
	[tilespmem:s24+$0xFFFFFE50] =	vst v11;
	v6 =	vld.idx.msk [tilespmem:v15+s4+$0x0], $0xffff  }
0x542: {  	v7 =	vadd.f32 v7, v0;
	[tilespmem:s24+$0xFFFFFE60] =	vst v10;
	v1 =	vmul.f32 $8.000000000e+00, v1  }
0x543: {  	v2 =	vmul.f32 $8.000000000e+00, v2;
	[tilespmem:s24+$0xFFFFFE70] =	vst v8;
	v57 =	vadd.f32 v9, v0  }
0x544: {  	v3 =	vmul.f32 $8.000000000e+00, v3;
	[tilespmem:s24+$0xFFFFFE00] =	vst v7;
	v1 =	vadd.f32 v1, v0  }
0x545: {  	v2 =	vadd.f32 v2, v0;
	v4 =	vmul.f32 $8.000000000e+00, v4;
	[tilespmem:s24+$0x0] =	vst v57  }
0x546: {  	v58 =	vadd.f32 v3, v0;
	v59 =	vmul.f32 $8.000000000e+00, v5;
	[tilespmem:s24+$0x10] =	vst v1  }
0x547: {  	[tilespmem:s24+$0x20] =	vst v2;
	v60 =	vadd.f32 v4, v0;
	v61 =	vmul.f32 $8.000000000e+00, v6  }
0x548: {  	s23 =	sshll.u32 s23, $0x12;
	[tilespmem:s24+$0x30] =	vst v58;
	v62 =	vadd.f32 v59, v0  }
0x549: {  	s23 =	sor.u32 s12, s23;
	[tilespmem:s24+$0x40] =	vst v60;
	v63 =	vadd.f32 v61, v0  }
0x54a: {  	s23 =	sshrl.u32 s23, $0x3;
	[tilespmem:s24+$0x50] =	vst v62  }
0x54b: {  	s23 =	sadd.s32 s2, s23;
	[tilespmem:s24+$0x60] =	vst v63  }
0x54c: {  	[hbm4b:s23+s14] =	stream.strided.scatter [tilespmem:s1], [sflag:$0x4], $0x200, s22, s14, $0x38;
	[tilespmem:$0x1FA00] =	vst v63  }
0x54d: {  	s28 =	sadd.s32 $0x80, s23  }
0x54e: {  	[hbm4b:s28+s14] =	stream.strided.scatter [tilespmem:s19], [sflag:$0x4], $0x200, s22, s14, $0x38;
	[tilespmem:$0x1FA00] =	vst v63  }
0x54f: {  	s29 =	sadd.s32 $0x100, s23  }
0x550: {  	[hbm4b:s29+s14] =	stream.strided.scatter [tilespmem:s5], [sflag:$0x4], $0x200, s22, s14, $0x38;
	[tilespmem:$0x1FA00] =	vst v63  }
0x551: {  	s25 =	sadd.s32 $0x180, s23  }
0x552: {  	[hbm4b:s25+s14] =	stream.strided.scatter [tilespmem:s6], [sflag:$0x4], $0x200, s22, s14, $0x38;
	[tilespmem:$0x1FA00] =	vst v63  }
0x553: {  	s26 =	sadd.s32 $0x200, s23  }
0x554: {  	[hbm4b:s26+s14] =	stream.strided.scatter [tilespmem:s8], [sflag:$0x4], $0x200, s22, s14, $0x38;
	[tilespmem:$0x1FA00] =	vst v63  }
0x555: {  	s28 =	sadd.s32 $0x280, s23  }
0x556: {  	[hbm4b:s28+s14] =	stream.strided.scatter [tilespmem:s9], [sflag:$0x4], $0x200, s22, s14, $0x38;
	[tilespmem:$0x1FA00] =	vst v63  }
.Ltmp20:
0x557: {  	_ = 	snop;
	(pc) =	sbr.rel @p1 .LBB2_39-.Ltmp20, $4  }
0x558: {  	s29 =	sadd.s32 $0x300, s23  }
0x559: {  	[hbm4b:s29+s14] =	stream.strided.scatter [tilespmem:s10], [sflag:$0x4], $0x200, s22, s14, $0x38;
	[tilespmem:$0x1FA00] =	vst v63  }
0x55a: {  	s23 =	sadd.s32 $0x380, s23  }
0x55b: {  	[hbm4b:s23+s14] =	stream.strided.scatter [tilespmem:s13], [sflag:$0x4], $0x200, s22, s14, $0x38;
	[tilespmem:$0x1FA00] =	vst v63  }
.Ltmp21:
0x55c: {  	s23 =	sshll.u32 s20, $0xD;
	(pc) =	sbr.rel .LBB2_21-.Ltmp21, $4  }
0x55d: {  	s23 =	sand.u32 $0x3FFFE000, s23  }
0x55e: {  	s23 =	sadd.s32 s23, s3  }
0x55f: {  	s24 =	simm.s32 $0x1CA00;
	s20 =	sadd.s32 $0x1, s20;
	s23 =	sadd.s32 $0x2200, s23  }
0x560: {  	[tilespmem:s24], [sflag:$0x2] =	stream.strided.gather [spmem:s23], $0x1000, s15, s18, $0x38;
	[tilespmem:$0x1FA00] =	vst v63  }
.LBB2_40:
0x561: {  	_ =	sfence.sel $0x180000  }
0x562: {  	[bflag:$0x0] =	sbarrier.arrive $0xFFFF  }
0x563: {  	_ =	strace $0x90000047  }
0x564: {  	[bflag:$0x2] =	sbarrier.arrive $0xFFFF  }
0x565: {  	s0 =	rddreg [dreg:$0x5]  }
0x566: {  	s0 =	sadd.s32 @!p0 $0x100000, s0  }
0x567: {  	[sflag:s0] =	ssyncadd.tile.s32 @!p0 $0x1;
	_ =	shalt  }
.Lfunc_end2:
_tile_overlayer_lowered:
.L_overlay_start_2:
0x568: {  	(tag) =	ssettag $0x2  }
0x569: {  	s0 =	rddreg [dreg:$0x0];
	s2 =	stileid.u32  }
0x56a: {  	s1 =	rddreg [dreg:$0x1];
	p0 =	sne.s32 s2, $0x0  }
0x56b: {  	s3 =	rddreg [dreg:$0x2];
	[bflag:$0x3] =	sbarrier.arrive $0xFFFF;
	s2 =	simm.s32 @!p0 $0x1C05  }
0x56c: {  	[timem:s3], [sflag:s2] =	dma.local @!p0 [hbm:s0], s1  }
0x56d: {  	s0 =	simm.s32 @!p0 $0x5  }
0x56e: {  	_ =	swait.ge @!p0 [sflag:s0], s1  }
0x56f: {  	s1 =	ssub.s32 @!p0 $0x0, s1;
	[sflag:s0] =	ssyncset.done @!p0 $0x0  }
0x570: {  	[sflag:s0] =	ssyncadd.s32 @!p0 s1  }
0x571: {  	[bflag:$0x3] =	sbarrier.arrive $0xFFFF  }
0x572: {  	_ =	shalt  }

</sc_bundles>
